<compile_context>
chip_gen: v7x
topology: tpu7x:2x2x1
jax: 0.10.2.dev20260603
libtpu: 0.0.44.dev20260713+nightly
codegen_flags: <defaults>
</compile_context>

<pallas_src>
import jax
import jax.numpy as jnp
import numpy as np
from jax import lax
from jax.experimental import pallas as pl
from jax.experimental.pallas import tpu as pltpu
from jax.experimental.pallas import tpu_sc as plsc

_NUM_WORDS = 100000
_NUM_BUCKETS = 1 << 20
_MASK = _NUM_BUCKETS - 1
_K = 3
_D = 64
_DP = 128
_B = 16384
_C = 5

_rs = np.random.RandomState(1139)
_HA = tuple(int(x) for x in _rs.randint(1, 21000, size=(_K,)))
_HB = tuple(int(x) for x in _rs.randint(0, _NUM_BUCKETS, size=(_K,)))

_NC, _NS, _L = 2, 16, 16
_NWK = _NC * _NS
_BPW = _B // _NWK
_CB = 32
_NCH = _BPW // _CB
_R = _C * _K

_HBLK = 128
_NHB = _NUM_BUCKETS // _HBLK
_HBW = _NHB // _NWK
_MB = 2
_NM = _HBW // _MB
_O = _D // 8


def _hash(ids, k):
    return (((ids * _HA[k]) & _MASK) + _HB[k]) & _MASK


_TCW = 4096


def _tc_fmt_body(tT_ref, tC_ref, out_ref):
    out_ref[:, : _D] = tT_ref[...].T
    out_ref[:, _D:] = tC_ref[...].T


def _fmt_body(tT4, tC4, tab_hbm,
              bT0, bC0, bT1, bC1, obA, obB, lsem0, lsem1, wsemA, wsemB):
    wid = lax.axis_index("s") * _NC + lax.axis_index("c")
    hb_base = wid * _HBW

    def fire(mi, bT, bC, sem):
        hb0 = hb_base + mi * _MB
        for o in range(_O):
            pltpu.async_copy(tT4.at[o, pl.ds(hb0, _MB)], bT.at[o], sem)
            pltpu.async_copy(tC4.at[o, pl.ds(hb0, _MB)], bC.at[o], sem)

    def wait_loads(bT, bC, sem):
        for o in range(_O):
            pltpu.make_async_copy(tT4.at[0, pl.ds(0, _MB)], bT.at[o], sem).wait()
            pltpu.make_async_copy(tC4.at[0, pl.ds(0, _MB)], bC.at[o], sem).wait()

    lanes = lax.iota(jnp.int32, _L)
    rhi = [((lanes + l * _L) // 8) for l in range(_HBLK // _L)]
    rlo = [((lanes + l * _L) % 8) for l in range(_HBLK // _L)]

    def transpose(bT, bC, m, ob):
        @plsc.parallel_loop(0, _D, 1, unroll=2)
        def dstep(d):
            o = d // 8
            r = d % 8
            dT = jnp.full((_L,), d, jnp.int32)
            dC = dT + _D
            for hh in range(_HBLK // _L):
                plsc.store_scatter(ob, [rhi[hh], rlo[hh], dT],
                                   bT[o, m, r, pl.ds(hh * _L, _L)])
                plsc.store_scatter(ob, [rhi[hh], rlo[hh], dC],
                                   bC[o, m, r, pl.ds(hh * _L, _L)])

    def wrt(mi, m, ob, wsem):
        t0 = (hb_base + mi * _MB + m) * (_HBLK // 8)
        pltpu.async_copy(ob, tab_hbm.at[pl.ds(t0, _HBLK // 8)], wsem)

    def wait_wrt(ob, wsem):
        pltpu.make_async_copy(ob, tab_hbm.at[pl.ds(0, _HBLK // 8)], wsem).wait()

    fire(0, bT0, bC0, lsem0)

    def blk(i, carry):
        m0 = 2 * i
        fire(jnp.minimum(m0 + 1, _NM - 1), bT1, bC1, lsem1)
        wait_loads(bT0, bC0, lsem0)

        @pl.when(i > 0)
        def _():
            wait_wrt(obA, wsemA)
            wait_wrt(obB, wsemB)

        transpose(bT0, bC0, 0, obA)
        wrt(m0, 0, obA, wsemA)
        transpose(bT0, bC0, 1, obB)
        wrt(m0, 1, obB, wsemB)
        fire(jnp.minimum(m0 + 2, _NM - 1), bT0, bC0, lsem0)
        wait_loads(bT1, bC1, lsem1)
        wait_wrt(obA, wsemA)
        wait_wrt(obB, wsemB)
        transpose(bT1, bC1, 0, obA)
        wrt(m0 + 1, 0, obA, wsemA)
        transpose(bT1, bC1, 1, obB)
        wrt(m0 + 1, 1, obB, wsemB)
        return carry

    lax.fori_loop(0, _NM // 2, blk, 0)
    wait_loads(bT0, bC0, lsem0)
    wait_wrt(obA, wsemA)
    wait_wrt(obB, wsemB)


def _body(tgt_hbm, ctx_hbm, tab_hbm, imp_hbm, out_hbm,
          tid_v, cid_v, idxT, idxC, wTr, wCr_v, rowsT, rowsC, out_v, sem):
    wid = lax.axis_index("s") * _NC + lax.axis_index("c")

    def chunk(ch, carry):
        base = wid * _BPW + ch * _CB
        pltpu.sync_copy(tgt_hbm.at[pl.ds(base, _CB)], tid_v)
        pltpu.sync_copy(ctx_hbm.at[pl.ds(base * _C, _CB * _C)], cid_v)
        for i in range(_CB // _L):
            lanes = lax.iota(jnp.int32, _L) + i * _L
            ids = tid_v[pl.ds(i * _L, _L)]
            for k in range(_K):
                idxT[k, pl.ds(i * _L, _L)] = _hash(ids, k)
            for c in range(_C):
                cids = plsc.load_gather(cid_v, [lanes * _C + c])
                idxC[_R + c, pl.ds(i * _L, _L)] = cids
                for k in range(_K):
                    idxC[c * _K + k, pl.ds(i * _L, _L)] = _hash(cids, k)
        cps = [pltpu.async_copy(imp_hbm.at[tid_v], wTr, sem)]
        for k in range(_K):
            cps.append(pltpu.async_copy(tab_hbm.at[idxT.at[k]], rowsT.at[k], sem))
        for r in range(_R):
            cps.append(pltpu.async_copy(tab_hbm.at[idxC.at[r]], rowsC.at[r], sem))
        for c in range(_C):
            cps.append(pltpu.async_copy(imp_hbm.at[idxC.at[_R + c]], wCr_v.at[c], sem))
        for cp in cps:
            cp.wait()
        for g in range(_CB // _L):
            b0 = g * _L
            blane = lax.iota(jnp.int32, _L) + b0
            ksp = [jnp.full((_L,), k, jnp.int32) for k in range(_K)]
            kcs = [jnp.full((_L,), _K + k, jnp.int32) for k in range(_K)]
            rsp = [jnp.full((_L,), r, jnp.int32) for r in range(_R)]
            csp = [jnp.full((_L,), c, jnp.int32) for c in range(_C)]
            wTk = [plsc.load_gather(wTr, [blane, ksp[k]]) for k in range(_K)]
            wCk = [plsc.load_gather(wCr_v, [csp[r // _K], blane, kcs[r % _K]])
                   for r in range(_R)]

            def dbody(d, accs):
                dsp = jnp.full((_L,), d, jnp.int32)
                dspc = jnp.full((_L,), d + _D, jnp.int32)
                we = wTk[0] * plsc.load_gather(rowsT, [ksp[0], blane, dsp])
                for k in range(1, _K):
                    we = we + wTk[k] * plsc.load_gather(rowsT, [ksp[k], blane, dsp])
                out = []
                for c in range(_C):
                    r0 = c * _K
                    ce = wCk[r0] * plsc.load_gather(rowsC, [rsp[r0], blane, dspc])
                    for k in range(1, _K):
                        r = r0 + k
                        ce = ce + wCk[r] * plsc.load_gather(rowsC, [rsp[r], blane, dspc])
                    out.append(accs[c] + we * ce)
                return tuple(out)

            accs = plsc.parallel_loop(
                0, _D, 1, unroll=4,
                carry=tuple(jnp.zeros((_L,), jnp.float32) for _ in range(_C)),
            )(dbody)
            for c in range(_C):
                plsc.store_scatter(out_v, [blane * _C + c], accs[c])
        pltpu.sync_copy(out_v, out_hbm.at[pl.ds(base * _C, _CB * _C)])
        return carry

    lax.fori_loop(0, _NCH, chunk, 0)


def kernel(target, context, table_target, imp_target, table_context, imp_context):
    tgt = target.reshape(_B).astype(jnp.int32)
    ctx = context.reshape(_B * _C).astype(jnp.int32)
    imp = jnp.pad(jnp.concatenate([imp_target, imp_context], axis=1),
                  ((0, 0), (0, _DP - 2 * _K)))
    mesh = plsc.VectorSubcoreMesh(core_axis_name="c", subcore_axis_name="s",
                                  num_cores=_NC, num_subcores=_NS)
    cparams = pltpu.CompilerParams(needs_layout_passes=False,
                                   use_tc_tiling_on_sc=True)

    tab = pl.pallas_call(
        _tc_fmt_body,
        grid=(_NUM_BUCKETS // _TCW,),
        in_specs=[
            pl.BlockSpec((_D, _TCW), lambda j: (0, j)),
            pl.BlockSpec((_D, _TCW), lambda j: (0, j)),
        ],
        out_specs=pl.BlockSpec((_TCW, _DP), lambda j: (j, 0)),
        out_shape=jax.ShapeDtypeStruct((_NUM_BUCKETS, _DP), jnp.float32),
    )(table_target.T, table_context.T)

    out = pl.kernel(
        _body,
        out_type=jax.ShapeDtypeStruct((_B * _C,), jnp.float32),
        mesh=mesh,
        compiler_params=cparams,
        scratch_types=[
            pltpu.VMEM((_CB,), jnp.int32),
            pltpu.VMEM((_CB * _C,), jnp.int32),
            pltpu.VMEM((_K, _CB), jnp.int32),
            pltpu.VMEM((_R + _C, _CB), jnp.int32),
            pltpu.VMEM((_CB, _DP), jnp.float32),
            pltpu.VMEM((_C, _CB, _DP), jnp.float32),
            pltpu.VMEM((_K, _CB, _DP), jnp.float32),
            pltpu.VMEM((_R, _CB, _DP), jnp.float32),
            pltpu.VMEM((_CB * _C,), jnp.float32),
            pltpu.SemaphoreType.DMA,
        ],
    )(tgt, ctx, tab, imp)
    return out.reshape(_B, _C)

# --- scband reference (transcript-rebuilt; emitter-appended) ---
"""Pipeline reference for scband-word2-vec-28896539967761 (READ-ONLY COPY).

The authoritative reference and input builder live on the scoring server;
editing this copy changes nothing except your own understanding.
"""

import jax, jax.numpy as jnp
import numpy as np

NUM_WORDS = 100000
NUM_BUCKETS = 1 << 20
NUM_HASH = 3
EMBED = 64
BATCH = 16384
CTX = 5

# deterministic hash-function parameters (seeded like the module's random_seed=1139)
_rs = np.random.RandomState(1139)
_HASH_A = jnp.asarray(_rs.randint(1, 21000, size=(NUM_HASH,)), dtype=jnp.int32)
_HASH_B = jnp.asarray(_rs.randint(0, NUM_BUCKETS, size=(NUM_HASH,)), dtype=jnp.int32)


def _hash_indices(ids):
    # ids: int[...]  -> int32[..., NUM_HASH] bucket indices, int32-overflow safe
    ids = ids.astype(jnp.int32)
    return ((ids[..., None] * _HASH_A) % NUM_BUCKETS + _HASH_B) % NUM_BUCKETS


def _hash_embed(ids, table, importance):
    # HashEmbedding (Svenstrup et al.): sum_k p_k(word) * E[h_k(word)]
    idx = _hash_indices(ids)                      # [..., K]
    vecs = jnp.take(table, idx, axis=0)           # [..., K, D]  (gather -> SparseCore)
    w = jnp.take(importance, ids, axis=0)         # [..., K]     (gather -> SparseCore)
    return jnp.sum(vecs * w[..., None], axis=-2)  # [..., D]


def setup_inputs(seed: int = 0) -> dict:
    key = jax.random.key(seed)
    k1, k2, k3, k4, k5, k6 = jax.random.split(key, 6)
    target = jax.random.randint(k1, (BATCH, 1), 0, NUM_WORDS)
    context = jax.random.randint(k2, (BATCH, CTX, 1), 0, NUM_WORDS)
    table_target = jax.random.normal(k3, (NUM_BUCKETS, EMBED), dtype=jnp.float32) * 0.05
    imp_target = jax.random.normal(k4, (NUM_WORDS, NUM_HASH), dtype=jnp.float32) * 0.5
    table_context = jax.random.normal(k5, (NUM_BUCKETS, EMBED), dtype=jnp.float32) * 0.05
    imp_context = jax.random.normal(k6, (NUM_WORDS, NUM_HASH), dtype=jnp.float32) * 0.5
    return {
        "target": target,
        "context": context,
        "table_target": table_target,
        "imp_target": imp_target,
        "table_context": table_context,
        "imp_context": imp_context,
    }


def reference(target, context, table_target, imp_target, table_context, imp_context):
    we = _hash_embed(target, table_target, imp_target)      # [B, 1, D]
    ce = _hash_embed(context, table_context, imp_context)   # [B, C, 1, D]
    # keras Dot(axes=(3, 2)): contract ce axis 3 (D) with we axis 2 (D)
    dots = jnp.einsum("bcud,bvd->bcuv", ce, we)             # [B, C, 1, 1]
    return dots.reshape(dots.shape[0], -1)                   # Flatten -> [B, C]

if __name__ == "__main__":
    import jax
    _d = setup_inputs()
    print(jax.jit(kernel)(*tuple(_d.values())))

</pallas_src>

<mosaic_0001>
#map = affine_map<(d0, d1) -> (0)>
#map1 = affine_map<(d0, d1) -> (0, 0)>
module attributes {stable_mosaic.version = 14 : i64} {
  func.func @_body(%arg0: i32, %arg1: i32, %arg2: memref<16384xi32, #tpu.memory_space<hbm>>, %arg3: memref<81920xi32, #tpu.memory_space<hbm>>, %arg4: memref<1048576x128xf32, #tpu.memory_space<hbm>>, %arg5: memref<100000x128xf32, #tpu.memory_space<hbm>>, %arg6: memref<81920xf32, #tpu.memory_space<hbm>>, %arg7: memref<32xi32, #tpu.memory_space<vmem>>, %arg8: memref<160xi32, #tpu.memory_space<vmem>>, %arg9: memref<3x32xi32, #tpu.memory_space<vmem>>, %arg10: memref<20x32xi32, #tpu.memory_space<vmem>>, %arg11: memref<32x128xf32, #tpu.memory_space<vmem>>, %arg12: memref<5x32x128xf32, #tpu.memory_space<vmem>>, %arg13: memref<3x32x128xf32, #tpu.memory_space<vmem>>, %arg14: memref<15x32x128xf32, #tpu.memory_space<vmem>>, %arg15: memref<160xf32, #tpu.memory_space<vmem>>, %arg16: memref<!tpu.dma_semaphore, #tpu.memory_space<semaphore_mem>>) attributes {dimension_semantics = [#tpu.dimension_semantics<core_parallel>, #tpu.dimension_semantics<subcore_parallel>], iteration_bounds = array<i64: 2, 16>, scalar_prefetch = 0 : i64, scratch_operands = 10 : i64, tpu.core_type = #tpu.core_type<sc_vector_subcore>, window_params = [{transform_indices = #map}, {transform_indices = #map}, {transform_indices = #map1}, {transform_indices = #map1}, {transform_indices = #map}]} {
    %mul3A = arith.constant 2 : i32
    %mul3A_0 = arith.muli %arg1, %mul3A : i32
    %add3A = arith.addi %mul3A_0, %arg0 : i32
    %scan3A = arith.constant 0 : i32
    %scan3A_1 = arith.constant 0 : i32
    %scan3A_2 = arith.constant 16 : i32
    %scan3A_3 = arith.addi %scan3A_1, %scan3A_2 : i32
    %scan3A_4 = arith.constant 1 : i32
    scf.for %scan3A_6 = %scan3A_1 to %scan3A_3 step %scan3A_4  : i32 {
      %mul3A_7 = arith.constant 512 : i32
      %mul3A_8 = arith.muli %add3A, %mul3A_7 : i32
      %mul3A_9 = arith.constant 32 : i32
      %mul3A_10 = arith.muli %scan3A_6, %mul3A_9 : i32
      %add3A_11 = arith.addi %mul3A_8, %mul3A_10 : i32
      "tpu.region"() ({
        %run_scoped3A = tpu.sem_alloc : memref<!tpu.dma_semaphore, #tpu.memory_space<semaphore_mem>>
        %dma_start3A_1499 = tpu.memref_slice %arg2[%add3A_11] : memref<16384xi32, #tpu.memory_space<hbm>> -> memref<32xi32, #tpu.memory_space<hbm>>
        %dma_start3A_1500 = tpu.memref_slice %arg2[%add3A_11] : memref<16384xi32, #tpu.memory_space<hbm>> -> memref<32xi32, #tpu.memory_space<hbm>>
        tpu.enqueue_dma source(%dma_start3A_1500 : memref<32xi32, #tpu.memory_space<hbm>>) target(%arg7 : memref<32xi32, #tpu.memory_space<vmem>>) target_semaphore(%run_scoped3A : memref<!tpu.dma_semaphore, #tpu.memory_space<semaphore_mem>>)
        %dma_wait3A_1501 = tpu.memref_slice %arg2[%add3A_11] : memref<16384xi32, #tpu.memory_space<hbm>> -> memref<32xi32, #tpu.memory_space<hbm>>
        %dma_wait3A_1502 = tpu.memref_slice %arg2[%add3A_11] : memref<16384xi32, #tpu.memory_space<hbm>> -> memref<32xi32, #tpu.memory_space<hbm>>
        tpu.wait_dma2 semaphore(%run_scoped3A : memref<!tpu.dma_semaphore, #tpu.memory_space<semaphore_mem>>) src(%dma_wait3A_1502 : memref<32xi32, #tpu.memory_space<hbm>>) dst(%arg7 : memref<32xi32, #tpu.memory_space<vmem>>)
        tpu.yield
      }) : () -> ()
      %mul3A_12 = arith.constant 5 : i32
      %mul3A_13 = arith.muli %add3A_11, %mul3A_12 : i32
      "tpu.region"() ({
        %run_scoped3A = tpu.sem_alloc : memref<!tpu.dma_semaphore, #tpu.memory_space<semaphore_mem>>
        %dma_start3A_1499 = tpu.memref_slice %arg3[%mul3A_13] : memref<81920xi32, #tpu.memory_space<hbm>> -> memref<160xi32, #tpu.memory_space<hbm>>
        %dma_start3A_1500 = tpu.memref_slice %arg3[%mul3A_13] : memref<81920xi32, #tpu.memory_space<hbm>> -> memref<160xi32, #tpu.memory_space<hbm>>
        tpu.enqueue_dma source(%dma_start3A_1500 : memref<160xi32, #tpu.memory_space<hbm>>) target(%arg8 : memref<160xi32, #tpu.memory_space<vmem>>) target_semaphore(%run_scoped3A : memref<!tpu.dma_semaphore, #tpu.memory_space<semaphore_mem>>)
        %dma_wait3A_1501 = tpu.memref_slice %arg3[%mul3A_13] : memref<81920xi32, #tpu.memory_space<hbm>> -> memref<160xi32, #tpu.memory_space<hbm>>
        %dma_wait3A_1502 = tpu.memref_slice %arg3[%mul3A_13] : memref<81920xi32, #tpu.memory_space<hbm>> -> memref<160xi32, #tpu.memory_space<hbm>>
        tpu.wait_dma2 semaphore(%run_scoped3A : memref<!tpu.dma_semaphore, #tpu.memory_space<semaphore_mem>>) src(%dma_wait3A_1502 : memref<160xi32, #tpu.memory_space<hbm>>) dst(%arg8 : memref<160xi32, #tpu.memory_space<vmem>>)
        tpu.yield
      }) : () -> ()
      %iota3A = tpu.iota {dimensions = array<i32: 0>} : vector<16xi32>
      %add3A_14 = arith.constant 0 : i32
      %add3A_15 = vector.broadcast %add3A_14 : i32 to vector<16xi32>
      %add3A_16 = arith.addi %iota3A, %add3A_15 : vector<16xi32>
      %get3A = arith.constant 0 : index
      %get3A_17 = tpu.vector_load %arg7[%get3A] {strides = array<i32>} : memref<32xi32, #tpu.memory_space<vmem>>, vector<16xi32>,
      %mul3A_18 = arith.constant 5136 : i32
      %mul3A_19 = vector.broadcast %mul3A_18 : i32 to vector<16xi32>
      %mul3A_20 = arith.muli %get3A_17, %mul3A_19 : vector<16xi32>
      %and3A = arith.constant 1048575 : i32
      %and3A_21 = vector.broadcast %and3A : i32 to vector<16xi32>
      %and3A_22 = arith.andi %mul3A_20, %and3A_21 : vector<16xi32>
      %add3A_23 = arith.constant 34350 : i32
      %add3A_24 = vector.broadcast %add3A_23 : i32 to vector<16xi32>
      %add3A_25 = arith.addi %and3A_22, %add3A_24 : vector<16xi32>
      %and3A_26 = arith.constant 1048575 : i32
      %and3A_27 = vector.broadcast %and3A_26 : i32 to vector<16xi32>
      %and3A_28 = arith.andi %add3A_25, %and3A_27 : vector<16xi32>
      %swap3A = arith.constant 0 : i32
      %swap3A_29 = arith.index_cast %swap3A : i32 to index
      %swap3A_30 = arith.constant 0 : index
      %swap3A_31 = tpu.vector_load %arg9[%swap3A_29, %swap3A_30] {strides = array<i32>} : memref<3x32xi32, #tpu.memory_space<vmem>>, vector<16xi32>,
      tpu.vector_store %arg9[%swap3A_29, %swap3A_30], %and3A_28 {strides = array<i32>} : memref<3x32xi32, #tpu.memory_space<vmem>>, vector<16xi32>,
      %mul3A_32 = arith.constant 7347 : i32
      %mul3A_33 = vector.broadcast %mul3A_32 : i32 to vector<16xi32>
      %mul3A_34 = arith.muli %get3A_17, %mul3A_33 : vector<16xi32>
      %and3A_35 = arith.constant 1048575 : i32
      %and3A_36 = vector.broadcast %and3A_35 : i32 to vector<16xi32>
      %and3A_37 = arith.andi %mul3A_34, %and3A_36 : vector<16xi32>
      %add3A_38 = arith.constant 440172 : i32
      %add3A_39 = vector.broadcast %add3A_38 : i32 to vector<16xi32>
      %add3A_40 = arith.addi %and3A_37, %add3A_39 : vector<16xi32>
      %and3A_41 = arith.constant 1048575 : i32
      %and3A_42 = vector.broadcast %and3A_41 : i32 to vector<16xi32>
      %and3A_43 = arith.andi %add3A_40, %and3A_42 : vector<16xi32>
      %swap3A_44 = arith.constant 1 : i32
      %swap3A_45 = arith.index_cast %swap3A_44 : i32 to index
      %swap3A_46 = arith.constant 0 : index
      %swap3A_47 = tpu.vector_load %arg9[%swap3A_45, %swap3A_46] {strides = array<i32>} : memref<3x32xi32, #tpu.memory_space<vmem>>, vector<16xi32>,
      tpu.vector_store %arg9[%swap3A_45, %swap3A_46], %and3A_43 {strides = array<i32>} : memref<3x32xi32, #tpu.memory_space<vmem>>, vector<16xi32>,
      %mul3A_48 = arith.constant 9834 : i32
      %mul3A_49 = vector.broadcast %mul3A_48 : i32 to vector<16xi32>
      %mul3A_50 = arith.muli %get3A_17, %mul3A_49 : vector<16xi32>
      %and3A_51 = arith.constant 1048575 : i32
      %and3A_52 = vector.broadcast %and3A_51 : i32 to vector<16xi32>
      %and3A_53 = arith.andi %mul3A_50, %and3A_52 : vector<16xi32>
      %add3A_54 = arith.constant 387991 : i32
      %add3A_55 = vector.broadcast %add3A_54 : i32 to vector<16xi32>
      %add3A_56 = arith.addi %and3A_53, %add3A_55 : vector<16xi32>
      %and3A_57 = arith.constant 1048575 : i32
      %and3A_58 = vector.broadcast %and3A_57 : i32 to vector<16xi32>
      %and3A_59 = arith.andi %add3A_56, %and3A_58 : vector<16xi32>
      %swap3A_60 = arith.constant 2 : i32
      %swap3A_61 = arith.index_cast %swap3A_60 : i32 to index
      %swap3A_62 = arith.constant 0 : index
      %swap3A_63 = tpu.vector_load %arg9[%swap3A_61, %swap3A_62] {strides = array<i32>} : memref<3x32xi32, #tpu.memory_space<vmem>>, vector<16xi32>,
      tpu.vector_store %arg9[%swap3A_61, %swap3A_62], %and3A_59 {strides = array<i32>} : memref<3x32xi32, #tpu.memory_space<vmem>>, vector<16xi32>,
      %mul3A_64 = arith.constant 5 : i32
      %mul3A_65 = vector.broadcast %mul3A_64 : i32 to vector<16xi32>
      %mul3A_66 = arith.muli %add3A_16, %mul3A_65 : vector<16xi32>
      %add3A_67 = arith.constant 0 : i32
      %add3A_68 = vector.broadcast %add3A_67 : i32 to vector<16xi32>
      %add3A_69 = arith.addi %mul3A_66, %add3A_68 : vector<16xi32>
      %gather3A = tpu.vector_load_idx %arg8[%add3A_69] : memref<160xi32, #tpu.memory_space<vmem>>[vector<16xi32>], vector<16xi32>,
      %swap3A_70 = arith.constant 15 : i32
      %swap3A_71 = arith.index_cast %swap3A_70 : i32 to index
      %swap3A_72 = arith.constant 0 : index
      %swap3A_73 = tpu.vector_load %arg10[%swap3A_71, %swap3A_72] {strides = array<i32>} : memref<20x32xi32, #tpu.memory_space<vmem>>, vector<16xi32>,
      tpu.vector_store %arg10[%swap3A_71, %swap3A_72], %gather3A {strides = array<i32>} : memref<20x32xi32, #tpu.memory_space<vmem>>, vector<16xi32>,
      %mul3A_74 = arith.constant 5136 : i32
      %mul3A_75 = vector.broadcast %mul3A_74 : i32 to vector<16xi32>
      %mul3A_76 = arith.muli %gather3A, %mul3A_75 : vector<16xi32>
      %and3A_77 = arith.constant 1048575 : i32
      %and3A_78 = vector.broadcast %and3A_77 : i32 to vector<16xi32>
      %and3A_79 = arith.andi %mul3A_76, %and3A_78 : vector<16xi32>
      %add3A_80 = arith.constant 34350 : i32
      %add3A_81 = vector.broadcast %add3A_80 : i32 to vector<16xi32>
      %add3A_82 = arith.addi %and3A_79, %add3A_81 : vector<16xi32>
      %and3A_83 = arith.constant 1048575 : i32
      %and3A_84 = vector.broadcast %and3A_83 : i32 to vector<16xi32>
      %and3A_85 = arith.andi %add3A_82, %and3A_84 : vector<16xi32>
      %swap3A_86 = arith.constant 0 : i32
      %swap3A_87 = arith.index_cast %swap3A_86 : i32 to index
      %swap3A_88 = arith.constant 0 : index
      %swap3A_89 = tpu.vector_load %arg10[%swap3A_87, %swap3A_88] {strides = array<i32>} : memref<20x32xi32, #tpu.memory_space<vmem>>, vector<16xi32>,
      tpu.vector_store %arg10[%swap3A_87, %swap3A_88], %and3A_85 {strides = array<i32>} : memref<20x32xi32, #tpu.memory_space<vmem>>, vector<16xi32>,
      %mul3A_90 = arith.constant 7347 : i32
      %mul3A_91 = vector.broadcast %mul3A_90 : i32 to vector<16xi32>
      %mul3A_92 = arith.muli %gather3A, %mul3A_91 : vector<16xi32>
      %and3A_93 = arith.constant 1048575 : i32
      %and3A_94 = vector.broadcast %and3A_93 : i32 to vector<16xi32>
      %and3A_95 = arith.andi %mul3A_92, %and3A_94 : vector<16xi32>
      %add3A_96 = arith.constant 440172 : i32
      %add3A_97 = vector.broadcast %add3A_96 : i32 to vector<16xi32>
      %add3A_98 = arith.addi %and3A_95, %add3A_97 : vector<16xi32>
      %and3A_99 = arith.constant 1048575 : i32
      %and3A_100 = vector.broadcast %and3A_99 : i32 to vector<16xi32>
      %and3A_101 = arith.andi %add3A_98, %and3A_100 : vector<16xi32>
      %swap3A_102 = arith.constant 1 : i32
      %swap3A_103 = arith.index_cast %swap3A_102 : i32 to index
      %swap3A_104 = arith.constant 0 : index
      %swap3A_105 = tpu.vector_load %arg10[%swap3A_103, %swap3A_104] {strides = array<i32>} : memref<20x32xi32, #tpu.memory_space<vmem>>, vector<16xi32>,
      tpu.vector_store %arg10[%swap3A_103, %swap3A_104], %and3A_101 {strides = array<i32>} : memref<20x32xi32, #tpu.memory_space<vmem>>, vector<16xi32>,
      %mul3A_106 = arith.constant 9834 : i32
      %mul3A_107 = vector.broadcast %mul3A_106 : i32 to vector<16xi32>
      %mul3A_108 = arith.muli %gather3A, %mul3A_107 : vector<16xi32>
      %and3A_109 = arith.constant 1048575 : i32
      %and3A_110 = vector.broadcast %and3A_109 : i32 to vector<16xi32>
      %and3A_111 = arith.andi %mul3A_108, %and3A_110 : vector<16xi32>
      %add3A_112 = arith.constant 387991 : i32
      %add3A_113 = vector.broadcast %add3A_112 : i32 to vector<16xi32>
      %add3A_114 = arith.addi %and3A_111, %add3A_113 : vector<16xi32>
      %and3A_115 = arith.constant 1048575 : i32
      %and3A_116 = vector.broadcast %and3A_115 : i32 to vector<16xi32>
      %and3A_117 = arith.andi %add3A_114, %and3A_116 : vector<16xi32>
      %swap3A_118 = arith.constant 2 : i32
      %swap3A_119 = arith.index_cast %swap3A_118 : i32 to index
      %swap3A_120 = arith.constant 0 : index
      %swap3A_121 = tpu.vector_load %arg10[%swap3A_119, %swap3A_120] {strides = array<i32>} : memref<20x32xi32, #tpu.memory_space<vmem>>, vector<16xi32>,
      tpu.vector_store %arg10[%swap3A_119, %swap3A_120], %and3A_117 {strides = array<i32>} : memref<20x32xi32, #tpu.memory_space<vmem>>, vector<16xi32>,
      %mul3A_122 = arith.constant 5 : i32
      %mul3A_123 = vector.broadcast %mul3A_122 : i32 to vector<16xi32>
      %mul3A_124 = arith.muli %add3A_16, %mul3A_123 : vector<16xi32>
      %add3A_125 = arith.constant 1 : i32
      %add3A_126 = vector.broadcast %add3A_125 : i32 to vector<16xi32>
      %add3A_127 = arith.addi %mul3A_124, %add3A_126 : vector<16xi32>
      %gather3A_128 = tpu.vector_load_idx %arg8[%add3A_127] : memref<160xi32, #tpu.memory_space<vmem>>[vector<16xi32>], vector<16xi32>,
      %swap3A_129 = arith.constant 16 : i32
      %swap3A_130 = arith.index_cast %swap3A_129 : i32 to index
      %swap3A_131 = arith.constant 0 : index
      %swap3A_132 = tpu.vector_load %arg10[%swap3A_130, %swap3A_131] {strides = array<i32>} : memref<20x32xi32, #tpu.memory_space<vmem>>, vector<16xi32>,
      tpu.vector_store %arg10[%swap3A_130, %swap3A_131], %gather3A_128 {strides = array<i32>} : memref<20x32xi32, #tpu.memory_space<vmem>>, vector<16xi32>,
      %mul3A_133 = arith.constant 5136 : i32
      %mul3A_134 = vector.broadcast %mul3A_133 : i32 to vector<16xi32>
      %mul3A_135 = arith.muli %gather3A_128, %mul3A_134 : vector<16xi32>
      %and3A_136 = arith.constant 1048575 : i32
      %and3A_137 = vector.broadcast %and3A_136 : i32 to vector<16xi32>
      %and3A_138 = arith.andi %mul3A_135, %and3A_137 : vector<16xi32>
      %add3A_139 = arith.constant 34350 : i32
      %add3A_140 = vector.broadcast %add3A_139 : i32 to vector<16xi32>
      %add3A_141 = arith.addi %and3A_138, %add3A_140 : vector<16xi32>
      %and3A_142 = arith.constant 1048575 : i32
      %and3A_143 = vector.broadcast %and3A_142 : i32 to vector<16xi32>
      %and3A_144 = arith.andi %add3A_141, %and3A_143 : vector<16xi32>
      %swap3A_145 = arith.constant 3 : i32
      %swap3A_146 = arith.index_cast %swap3A_145 : i32 to index
      %swap3A_147 = arith.constant 0 : index
      %swap3A_148 = tpu.vector_load %arg10[%swap3A_146, %swap3A_147] {strides = array<i32>} : memref<20x32xi32, #tpu.memory_space<vmem>>, vector<16xi32>,
      tpu.vector_store %arg10[%swap3A_146, %swap3A_147], %and3A_144 {strides = array<i32>} : memref<20x32xi32, #tpu.memory_space<vmem>>, vector<16xi32>,
      %mul3A_149 = arith.constant 7347 : i32
      %mul3A_150 = vector.broadcast %mul3A_149 : i32 to vector<16xi32>
      %mul3A_151 = arith.muli %gather3A_128, %mul3A_150 : vector<16xi32>
      %and3A_152 = arith.constant 1048575 : i32
      %and3A_153 = vector.broadcast %and3A_152 : i32 to vector<16xi32>
      %and3A_154 = arith.andi %mul3A_151, %and3A_153 : vector<16xi32>
      %add3A_155 = arith.constant 440172 : i32
      %add3A_156 = vector.broadcast %add3A_155 : i32 to vector<16xi32>
      %add3A_157 = arith.addi %and3A_154, %add3A_156 : vector<16xi32>
      %and3A_158 = arith.constant 1048575 : i32
      %and3A_159 = vector.broadcast %and3A_158 : i32 to vector<16xi32>
      %and3A_160 = arith.andi %add3A_157, %and3A_159 : vector<16xi32>
      %swap3A_161 = arith.constant 4 : i32
      %swap3A_162 = arith.index_cast %swap3A_161 : i32 to index
      %swap3A_163 = arith.constant 0 : index
      %swap3A_164 = tpu.vector_load %arg10[%swap3A_162, %swap3A_163] {strides = array<i32>} : memref<20x32xi32, #tpu.memory_space<vmem>>, vector<16xi32>,
      tpu.vector_store %arg10[%swap3A_162, %swap3A_163], %and3A_160 {strides = array<i32>} : memref<20x32xi32, #tpu.memory_space<vmem>>, vector<16xi32>,
      %mul3A_165 = arith.constant 9834 : i32
      %mul3A_166 = vector.broadcast %mul3A_165 : i32 to vector<16xi32>
      %mul3A_167 = arith.muli %gather3A_128, %mul3A_166 : vector<16xi32>
      %and3A_168 = arith.constant 1048575 : i32
      %and3A_169 = vector.broadcast %and3A_168 : i32 to vector<16xi32>
      %and3A_170 = arith.andi %mul3A_167, %and3A_169 : vector<16xi32>
      %add3A_171 = arith.constant 387991 : i32
      %add3A_172 = vector.broadcast %add3A_171 : i32 to vector<16xi32>
      %add3A_173 = arith.addi %and3A_170, %add3A_172 : vector<16xi32>
      %and3A_174 = arith.constant 1048575 : i32
      %and3A_175 = vector.broadcast %and3A_174 : i32 to vector<16xi32>
      %and3A_176 = arith.andi %add3A_173, %and3A_175 : vector<16xi32>
      %swap3A_177 = arith.constant 5 : i32
      %swap3A_178 = arith.index_cast %swap3A_177 : i32 to index
      %swap3A_179 = arith.constant 0 : index
      %swap3A_180 = tpu.vector_load %arg10[%swap3A_178, %swap3A_179] {strides = array<i32>} : memref<20x32xi32, #tpu.memory_space<vmem>>, vector<16xi32>,
      tpu.vector_store %arg10[%swap3A_178, %swap3A_179], %and3A_176 {strides = array<i32>} : memref<20x32xi32, #tpu.memory_space<vmem>>, vector<16xi32>,
      %mul3A_181 = arith.constant 5 : i32
      %mul3A_182 = vector.broadcast %mul3A_181 : i32 to vector<16xi32>
      %mul3A_183 = arith.muli %add3A_16, %mul3A_182 : vector<16xi32>
      %add3A_184 = arith.constant 2 : i32
      %add3A_185 = vector.broadcast %add3A_184 : i32 to vector<16xi32>
      %add3A_186 = arith.addi %mul3A_183, %add3A_185 : vector<16xi32>
      %gather3A_187 = tpu.vector_load_idx %arg8[%add3A_186] : memref<160xi32, #tpu.memory_space<vmem>>[vector<16xi32>], vector<16xi32>,
      %swap3A_188 = arith.constant 17 : i32
      %swap3A_189 = arith.index_cast %swap3A_188 : i32 to index
      %swap3A_190 = arith.constant 0 : index
      %swap3A_191 = tpu.vector_load %arg10[%swap3A_189, %swap3A_190] {strides = array<i32>} : memref<20x32xi32, #tpu.memory_space<vmem>>, vector<16xi32>,
      tpu.vector_store %arg10[%swap3A_189, %swap3A_190], %gather3A_187 {strides = array<i32>} : memref<20x32xi32, #tpu.memory_space<vmem>>, vector<16xi32>,
      %mul3A_192 = arith.constant 5136 : i32
      %mul3A_193 = vector.broadcast %mul3A_192 : i32 to vector<16xi32>
      %mul3A_194 = arith.muli %gather3A_187, %mul3A_193 : vector<16xi32>
      %and3A_195 = arith.constant 1048575 : i32
      %and3A_196 = vector.broadcast %and3A_195 : i32 to vector<16xi32>
      %and3A_197 = arith.andi %mul3A_194, %and3A_196 : vector<16xi32>
      %add3A_198 = arith.constant 34350 : i32
      %add3A_199 = vector.broadcast %add3A_198 : i32 to vector<16xi32>
      %add3A_200 = arith.addi %and3A_197, %add3A_199 : vector<16xi32>
      %and3A_201 = arith.constant 1048575 : i32
      %and3A_202 = vector.broadcast %and3A_201 : i32 to vector<16xi32>
      %and3A_203 = arith.andi %add3A_200, %and3A_202 : vector<16xi32>
      %swap3A_204 = arith.constant 6 : i32
      %swap3A_205 = arith.index_cast %swap3A_204 : i32 to index
      %swap3A_206 = arith.constant 0 : index
      %swap3A_207 = tpu.vector_load %arg10[%swap3A_205, %swap3A_206] {strides = array<i32>} : memref<20x32xi32, #tpu.memory_space<vmem>>, vector<16xi32>,
      tpu.vector_store %arg10[%swap3A_205, %swap3A_206], %and3A_203 {strides = array<i32>} : memref<20x32xi32, #tpu.memory_space<vmem>>, vector<16xi32>,
      %mul3A_208 = arith.constant 7347 : i32
      %mul3A_209 = vector.broadcast %mul3A_208 : i32 to vector<16xi32>
      %mul3A_210 = arith.muli %gather3A_187, %mul3A_209 : vector<16xi32>
      %and3A_211 = arith.constant 1048575 : i32
      %and3A_212 = vector.broadcast %and3A_211 : i32 to vector<16xi32>
      %and3A_213 = arith.andi %mul3A_210, %and3A_212 : vector<16xi32>
      %add3A_214 = arith.constant 440172 : i32
      %add3A_215 = vector.broadcast %add3A_214 : i32 to vector<16xi32>
      %add3A_216 = arith.addi %and3A_213, %add3A_215 : vector<16xi32>
      %and3A_217 = arith.constant 1048575 : i32
      %and3A_218 = vector.broadcast %and3A_217 : i32 to vector<16xi32>
      %and3A_219 = arith.andi %add3A_216, %and3A_218 : vector<16xi32>
      %swap3A_220 = arith.constant 7 : i32
      %swap3A_221 = arith.index_cast %swap3A_220 : i32 to index
      %swap3A_222 = arith.constant 0 : index
      %swap3A_223 = tpu.vector_load %arg10[%swap3A_221, %swap3A_222] {strides = array<i32>} : memref<20x32xi32, #tpu.memory_space<vmem>>, vector<16xi32>,
      tpu.vector_store %arg10[%swap3A_221, %swap3A_222], %and3A_219 {strides = array<i32>} : memref<20x32xi32, #tpu.memory_space<vmem>>, vector<16xi32>,
      %mul3A_224 = arith.constant 9834 : i32
      %mul3A_225 = vector.broadcast %mul3A_224 : i32 to vector<16xi32>
      %mul3A_226 = arith.muli %gather3A_187, %mul3A_225 : vector<16xi32>
      %and3A_227 = arith.constant 1048575 : i32
      %and3A_228 = vector.broadcast %and3A_227 : i32 to vector<16xi32>
      %and3A_229 = arith.andi %mul3A_226, %and3A_228 : vector<16xi32>
      %add3A_230 = arith.constant 387991 : i32
      %add3A_231 = vector.broadcast %add3A_230 : i32 to vector<16xi32>
      %add3A_232 = arith.addi %and3A_229, %add3A_231 : vector<16xi32>
      %and3A_233 = arith.constant 1048575 : i32
      %and3A_234 = vector.broadcast %and3A_233 : i32 to vector<16xi32>
      %and3A_235 = arith.andi %add3A_232, %and3A_234 : vector<16xi32>
      %swap3A_236 = arith.constant 8 : i32
      %swap3A_237 = arith.index_cast %swap3A_236 : i32 to index
      %swap3A_238 = arith.constant 0 : index
      %swap3A_239 = tpu.vector_load %arg10[%swap3A_237, %swap3A_238] {strides = array<i32>} : memref<20x32xi32, #tpu.memory_space<vmem>>, vector<16xi32>,
      tpu.vector_store %arg10[%swap3A_237, %swap3A_238], %and3A_235 {strides = array<i32>} : memref<20x32xi32, #tpu.memory_space<vmem>>, vector<16xi32>,
      %mul3A_240 = arith.constant 5 : i32
      %mul3A_241 = vector.broadcast %mul3A_240 : i32 to vector<16xi32>
      %mul3A_242 = arith.muli %add3A_16, %mul3A_241 : vector<16xi32>
      %add3A_243 = arith.constant 3 : i32
      %add3A_244 = vector.broadcast %add3A_243 : i32 to vector<16xi32>
      %add3A_245 = arith.addi %mul3A_242, %add3A_244 : vector<16xi32>
      %gather3A_246 = tpu.vector_load_idx %arg8[%add3A_245] : memref<160xi32, #tpu.memory_space<vmem>>[vector<16xi32>], vector<16xi32>,
      %swap3A_247 = arith.constant 18 : i32
      %swap3A_248 = arith.index_cast %swap3A_247 : i32 to index
      %swap3A_249 = arith.constant 0 : index
      %swap3A_250 = tpu.vector_load %arg10[%swap3A_248, %swap3A_249] {strides = array<i32>} : memref<20x32xi32, #tpu.memory_space<vmem>>, vector<16xi32>,
      tpu.vector_store %arg10[%swap3A_248, %swap3A_249], %gather3A_246 {strides = array<i32>} : memref<20x32xi32, #tpu.memory_space<vmem>>, vector<16xi32>,
      %mul3A_251 = arith.constant 5136 : i32
      %mul3A_252 = vector.broadcast %mul3A_251 : i32 to vector<16xi32>
      %mul3A_253 = arith.muli %gather3A_246, %mul3A_252 : vector<16xi32>
      %and3A_254 = arith.constant 1048575 : i32
      %and3A_255 = vector.broadcast %and3A_254 : i32 to vector<16xi32>
      %and3A_256 = arith.andi %mul3A_253, %and3A_255 : vector<16xi32>
      %add3A_257 = arith.constant 34350 : i32
      %add3A_258 = vector.broadcast %add3A_257 : i32 to vector<16xi32>
      %add3A_259 = arith.addi %and3A_256, %add3A_258 : vector<16xi32>
      %and3A_260 = arith.constant 1048575 : i32
      %and3A_261 = vector.broadcast %and3A_260 : i32 to vector<16xi32>
      %and3A_262 = arith.andi %add3A_259, %and3A_261 : vector<16xi32>
      %swap3A_263 = arith.constant 9 : i32
      %swap3A_264 = arith.index_cast %swap3A_263 : i32 to index
      %swap3A_265 = arith.constant 0 : index
      %swap3A_266 = tpu.vector_load %arg10[%swap3A_264, %swap3A_265] {strides = array<i32>} : memref<20x32xi32, #tpu.memory_space<vmem>>, vector<16xi32>,
      tpu.vector_store %arg10[%swap3A_264, %swap3A_265], %and3A_262 {strides = array<i32>} : memref<20x32xi32, #tpu.memory_space<vmem>>, vector<16xi32>,
      %mul3A_267 = arith.constant 7347 : i32
      %mul3A_268 = vector.broadcast %mul3A_267 : i32 to vector<16xi32>
      %mul3A_269 = arith.muli %gather3A_246, %mul3A_268 : vector<16xi32>
      %and3A_270 = arith.constant 1048575 : i32
      %and3A_271 = vector.broadcast %and3A_270 : i32 to vector<16xi32>
      %and3A_272 = arith.andi %mul3A_269, %and3A_271 : vector<16xi32>
      %add3A_273 = arith.constant 440172 : i32
      %add3A_274 = vector.broadcast %add3A_273 : i32 to vector<16xi32>
      %add3A_275 = arith.addi %and3A_272, %add3A_274 : vector<16xi32>
      %and3A_276 = arith.constant 1048575 : i32
      %and3A_277 = vector.broadcast %and3A_276 : i32 to vector<16xi32>
      %and3A_278 = arith.andi %add3A_275, %and3A_277 : vector<16xi32>
      %swap3A_279 = arith.constant 10 : i32
      %swap3A_280 = arith.index_cast %swap3A_279 : i32 to index
      %swap3A_281 = arith.constant 0 : index
      %swap3A_282 = tpu.vector_load %arg10[%swap3A_280, %swap3A_281] {strides = array<i32>} : memref<20x32xi32, #tpu.memory_space<vmem>>, vector<16xi32>,
      tpu.vector_store %arg10[%swap3A_280, %swap3A_281], %and3A_278 {strides = array<i32>} : memref<20x32xi32, #tpu.memory_space<vmem>>, vector<16xi32>,
      %mul3A_283 = arith.constant 9834 : i32
      %mul3A_284 = vector.broadcast %mul3A_283 : i32 to vector<16xi32>
      %mul3A_285 = arith.muli %gather3A_246, %mul3A_284 : vector<16xi32>
      %and3A_286 = arith.constant 1048575 : i32
      %and3A_287 = vector.broadcast %and3A_286 : i32 to vector<16xi32>
      %and3A_288 = arith.andi %mul3A_285, %and3A_287 : vector<16xi32>
      %add3A_289 = arith.constant 387991 : i32
      %add3A_290 = vector.broadcast %add3A_289 : i32 to vector<16xi32>
      %add3A_291 = arith.addi %and3A_288, %add3A_290 : vector<16xi32>
      %and3A_292 = arith.constant 1048575 : i32
      %and3A_293 = vector.broadcast %and3A_292 : i32 to vector<16xi32>
      %and3A_294 = arith.andi %add3A_291, %and3A_293 : vector<16xi32>
      %swap3A_295 = arith.constant 11 : i32
      %swap3A_296 = arith.index_cast %swap3A_295 : i32 to index
      %swap3A_297 = arith.constant 0 : index
      %swap3A_298 = tpu.vector_load %arg10[%swap3A_296, %swap3A_297] {strides = array<i32>} : memref<20x32xi32, #tpu.memory_space<vmem>>, vector<16xi32>,
      tpu.vector_store %arg10[%swap3A_296, %swap3A_297], %and3A_294 {strides = array<i32>} : memref<20x32xi32, #tpu.memory_space<vmem>>, vector<16xi32>,
      %mul3A_299 = arith.constant 5 : i32
      %mul3A_300 = vector.broadcast %mul3A_299 : i32 to vector<16xi32>
      %mul3A_301 = arith.muli %add3A_16, %mul3A_300 : vector<16xi32>
      %add3A_302 = arith.constant 4 : i32
      %add3A_303 = vector.broadcast %add3A_302 : i32 to vector<16xi32>
      %add3A_304 = arith.addi %mul3A_301, %add3A_303 : vector<16xi32>
      %gather3A_305 = tpu.vector_load_idx %arg8[%add3A_304] : memref<160xi32, #tpu.memory_space<vmem>>[vector<16xi32>], vector<16xi32>,
      %swap3A_306 = arith.constant 19 : i32
      %swap3A_307 = arith.index_cast %swap3A_306 : i32 to index
      %swap3A_308 = arith.constant 0 : index
      %swap3A_309 = tpu.vector_load %arg10[%swap3A_307, %swap3A_308] {strides = array<i32>} : memref<20x32xi32, #tpu.memory_space<vmem>>, vector<16xi32>,
      tpu.vector_store %arg10[%swap3A_307, %swap3A_308], %gather3A_305 {strides = array<i32>} : memref<20x32xi32, #tpu.memory_space<vmem>>, vector<16xi32>,
      %mul3A_310 = arith.constant 5136 : i32
      %mul3A_311 = vector.broadcast %mul3A_310 : i32 to vector<16xi32>
      %mul3A_312 = arith.muli %gather3A_305, %mul3A_311 : vector<16xi32>
      %and3A_313 = arith.constant 1048575 : i32
      %and3A_314 = vector.broadcast %and3A_313 : i32 to vector<16xi32>
      %and3A_315 = arith.andi %mul3A_312, %and3A_314 : vector<16xi32>
      %add3A_316 = arith.constant 34350 : i32
      %add3A_317 = vector.broadcast %add3A_316 : i32 to vector<16xi32>
      %add3A_318 = arith.addi %and3A_315, %add3A_317 : vector<16xi32>
      %and3A_319 = arith.constant 1048575 : i32
      %and3A_320 = vector.broadcast %and3A_319 : i32 to vector<16xi32>
      %and3A_321 = arith.andi %add3A_318, %and3A_320 : vector<16xi32>
      %swap3A_322 = arith.constant 12 : i32
      %swap3A_323 = arith.index_cast %swap3A_322 : i32 to index
      %swap3A_324 = arith.constant 0 : index
      %swap3A_325 = tpu.vector_load %arg10[%swap3A_323, %swap3A_324] {strides = array<i32>} : memref<20x32xi32, #tpu.memory_space<vmem>>, vector<16xi32>,
      tpu.vector_store %arg10[%swap3A_323, %swap3A_324], %and3A_321 {strides = array<i32>} : memref<20x32xi32, #tpu.memory_space<vmem>>, vector<16xi32>,
      %mul3A_326 = arith.constant 7347 : i32
      %mul3A_327 = vector.broadcast %mul3A_326 : i32 to vector<16xi32>
      %mul3A_328 = arith.muli %gather3A_305, %mul3A_327 : vector<16xi32>
      %and3A_329 = arith.constant 1048575 : i32
      %and3A_330 = vector.broadcast %and3A_329 : i32 to vector<16xi32>
      %and3A_331 = arith.andi %mul3A_328, %and3A_330 : vector<16xi32>
      %add3A_332 = arith.constant 440172 : i32
      %add3A_333 = vector.broadcast %add3A_332 : i32 to vector<16xi32>
      %add3A_334 = arith.addi %and3A_331, %add3A_333 : vector<16xi32>
      %and3A_335 = arith.constant 1048575 : i32
      %and3A_336 = vector.broadcast %and3A_335 : i32 to vector<16xi32>
      %and3A_337 = arith.andi %add3A_334, %and3A_336 : vector<16xi32>
      %swap3A_338 = arith.constant 13 : i32
      %swap3A_339 = arith.index_cast %swap3A_338 : i32 to index
      %swap3A_340 = arith.constant 0 : index
      %swap3A_341 = tpu.vector_load %arg10[%swap3A_339, %swap3A_340] {strides = array<i32>} : memref<20x32xi32, #tpu.memory_space<vmem>>, vector<16xi32>,
      tpu.vector_store %arg10[%swap3A_339, %swap3A_340], %and3A_337 {strides = array<i32>} : memref<20x32xi32, #tpu.memory_space<vmem>>, vector<16xi32>,
      %mul3A_342 = arith.constant 9834 : i32
      %mul3A_343 = vector.broadcast %mul3A_342 : i32 to vector<16xi32>
      %mul3A_344 = arith.muli %gather3A_305, %mul3A_343 : vector<16xi32>
      %and3A_345 = arith.constant 1048575 : i32
      %and3A_346 = vector.broadcast %and3A_345 : i32 to vector<16xi32>
      %and3A_347 = arith.andi %mul3A_344, %and3A_346 : vector<16xi32>
      %add3A_348 = arith.constant 387991 : i32
      %add3A_349 = vector.broadcast %add3A_348 : i32 to vector<16xi32>
      %add3A_350 = arith.addi %and3A_347, %add3A_349 : vector<16xi32>
      %and3A_351 = arith.constant 1048575 : i32
      %and3A_352 = vector.broadcast %and3A_351 : i32 to vector<16xi32>
      %and3A_353 = arith.andi %add3A_350, %and3A_352 : vector<16xi32>
      %swap3A_354 = arith.constant 14 : i32
      %swap3A_355 = arith.index_cast %swap3A_354 : i32 to index
      %swap3A_356 = arith.constant 0 : index
      %swap3A_357 = tpu.vector_load %arg10[%swap3A_355, %swap3A_356] {strides = array<i32>} : memref<20x32xi32, #tpu.memory_space<vmem>>, vector<16xi32>,
      tpu.vector_store %arg10[%swap3A_355, %swap3A_356], %and3A_353 {strides = array<i32>} : memref<20x32xi32, #tpu.memory_space<vmem>>, vector<16xi32>,
      %iota3A_358 = tpu.iota {dimensions = array<i32: 0>} : vector<16xi32>
      %add3A_359 = arith.constant 16 : i32
      %add3A_360 = vector.broadcast %add3A_359 : i32 to vector<16xi32>
      %add3A_361 = arith.addi %iota3A_358, %add3A_360 : vector<16xi32>
      %get3A_362 = arith.constant 16 : index
      %get3A_363 = tpu.vector_load %arg7[%get3A_362] {strides = array<i32>} : memref<32xi32, #tpu.memory_space<vmem>>, vector<16xi32>,
      %mul3A_364 = arith.constant 5136 : i32
      %mul3A_365 = vector.broadcast %mul3A_364 : i32 to vector<16xi32>
      %mul3A_366 = arith.muli %get3A_363, %mul3A_365 : vector<16xi32>
      %and3A_367 = arith.constant 1048575 : i32
      %and3A_368 = vector.broadcast %and3A_367 : i32 to vector<16xi32>
      %and3A_369 = arith.andi %mul3A_366, %and3A_368 : vector<16xi32>
      %add3A_370 = arith.constant 34350 : i32
      %add3A_371 = vector.broadcast %add3A_370 : i32 to vector<16xi32>
      %add3A_372 = arith.addi %and3A_369, %add3A_371 : vector<16xi32>
      %and3A_373 = arith.constant 1048575 : i32
      %and3A_374 = vector.broadcast %and3A_373 : i32 to vector<16xi32>
      %and3A_375 = arith.andi %add3A_372, %and3A_374 : vector<16xi32>
      %swap3A_376 = arith.constant 0 : i32
      %swap3A_377 = arith.index_cast %swap3A_376 : i32 to index
      %swap3A_378 = arith.constant 16 : index
      %swap3A_379 = tpu.vector_load %arg9[%swap3A_377, %swap3A_378] {strides = array<i32>} : memref<3x32xi32, #tpu.memory_space<vmem>>, vector<16xi32>,
      tpu.vector_store %arg9[%swap3A_377, %swap3A_378], %and3A_375 {strides = array<i32>} : memref<3x32xi32, #tpu.memory_space<vmem>>, vector<16xi32>,
      %mul3A_380 = arith.constant 7347 : i32
      %mul3A_381 = vector.broadcast %mul3A_380 : i32 to vector<16xi32>
      %mul3A_382 = arith.muli %get3A_363, %mul3A_381 : vector<16xi32>
      %and3A_383 = arith.constant 1048575 : i32
      %and3A_384 = vector.broadcast %and3A_383 : i32 to vector<16xi32>
      %and3A_385 = arith.andi %mul3A_382, %and3A_384 : vector<16xi32>
      %add3A_386 = arith.constant 440172 : i32
      %add3A_387 = vector.broadcast %add3A_386 : i32 to vector<16xi32>
      %add3A_388 = arith.addi %and3A_385, %add3A_387 : vector<16xi32>
      %and3A_389 = arith.constant 1048575 : i32
      %and3A_390 = vector.broadcast %and3A_389 : i32 to vector<16xi32>
      %and3A_391 = arith.andi %add3A_388, %and3A_390 : vector<16xi32>
      %swap3A_392 = arith.constant 1 : i32
      %swap3A_393 = arith.index_cast %swap3A_392 : i32 to index
      %swap3A_394 = arith.constant 16 : index
      %swap3A_395 = tpu.vector_load %arg9[%swap3A_393, %swap3A_394] {strides = array<i32>} : memref<3x32xi32, #tpu.memory_space<vmem>>, vector<16xi32>,
      tpu.vector_store %arg9[%swap3A_393, %swap3A_394], %and3A_391 {strides = array<i32>} : memref<3x32xi32, #tpu.memory_space<vmem>>, vector<16xi32>,
      %mul3A_396 = arith.constant 9834 : i32
      %mul3A_397 = vector.broadcast %mul3A_396 : i32 to vector<16xi32>
      %mul3A_398 = arith.muli %get3A_363, %mul3A_397 : vector<16xi32>
      %and3A_399 = arith.constant 1048575 : i32
      %and3A_400 = vector.broadcast %and3A_399 : i32 to vector<16xi32>
      %and3A_401 = arith.andi %mul3A_398, %and3A_400 : vector<16xi32>
      %add3A_402 = arith.constant 387991 : i32
      %add3A_403 = vector.broadcast %add3A_402 : i32 to vector<16xi32>
      %add3A_404 = arith.addi %and3A_401, %add3A_403 : vector<16xi32>
      %and3A_405 = arith.constant 1048575 : i32
      %and3A_406 = vector.broadcast %and3A_405 : i32 to vector<16xi32>
      %and3A_407 = arith.andi %add3A_404, %and3A_406 : vector<16xi32>
      %swap3A_408 = arith.constant 2 : i32
      %swap3A_409 = arith.index_cast %swap3A_408 : i32 to index
      %swap3A_410 = arith.constant 16 : index
      %swap3A_411 = tpu.vector_load %arg9[%swap3A_409, %swap3A_410] {strides = array<i32>} : memref<3x32xi32, #tpu.memory_space<vmem>>, vector<16xi32>,
      tpu.vector_store %arg9[%swap3A_409, %swap3A_410], %and3A_407 {strides = array<i32>} : memref<3x32xi32, #tpu.memory_space<vmem>>, vector<16xi32>,
      %mul3A_412 = arith.constant 5 : i32
      %mul3A_413 = vector.broadcast %mul3A_412 : i32 to vector<16xi32>
      %mul3A_414 = arith.muli %add3A_361, %mul3A_413 : vector<16xi32>
      %add3A_415 = arith.constant 0 : i32
      %add3A_416 = vector.broadcast %add3A_415 : i32 to vector<16xi32>
      %add3A_417 = arith.addi %mul3A_414, %add3A_416 : vector<16xi32>
      %gather3A_418 = tpu.vector_load_idx %arg8[%add3A_417] : memref<160xi32, #tpu.memory_space<vmem>>[vector<16xi32>], vector<16xi32>,
      %swap3A_419 = arith.constant 15 : i32
      %swap3A_420 = arith.index_cast %swap3A_419 : i32 to index
      %swap3A_421 = arith.constant 16 : index
      %swap3A_422 = tpu.vector_load %arg10[%swap3A_420, %swap3A_421] {strides = array<i32>} : memref<20x32xi32, #tpu.memory_space<vmem>>, vector<16xi32>,
      tpu.vector_store %arg10[%swap3A_420, %swap3A_421], %gather3A_418 {strides = array<i32>} : memref<20x32xi32, #tpu.memory_space<vmem>>, vector<16xi32>,
      %mul3A_423 = arith.constant 5136 : i32
      %mul3A_424 = vector.broadcast %mul3A_423 : i32 to vector<16xi32>
      %mul3A_425 = arith.muli %gather3A_418, %mul3A_424 : vector<16xi32>
      %and3A_426 = arith.constant 1048575 : i32
      %and3A_427 = vector.broadcast %and3A_426 : i32 to vector<16xi32>
      %and3A_428 = arith.andi %mul3A_425, %and3A_427 : vector<16xi32>
      %add3A_429 = arith.constant 34350 : i32
      %add3A_430 = vector.broadcast %add3A_429 : i32 to vector<16xi32>
      %add3A_431 = arith.addi %and3A_428, %add3A_430 : vector<16xi32>
      %and3A_432 = arith.constant 1048575 : i32
      %and3A_433 = vector.broadcast %and3A_432 : i32 to vector<16xi32>
      %and3A_434 = arith.andi %add3A_431, %and3A_433 : vector<16xi32>
      %swap3A_435 = arith.constant 0 : i32
      %swap3A_436 = arith.index_cast %swap3A_435 : i32 to index
      %swap3A_437 = arith.constant 16 : index
      %swap3A_438 = tpu.vector_load %arg10[%swap3A_436, %swap3A_437] {strides = array<i32>} : memref<20x32xi32, #tpu.memory_space<vmem>>, vector<16xi32>,
      tpu.vector_store %arg10[%swap3A_436, %swap3A_437], %and3A_434 {strides = array<i32>} : memref<20x32xi32, #tpu.memory_space<vmem>>, vector<16xi32>,
      %mul3A_439 = arith.constant 7347 : i32
      %mul3A_440 = vector.broadcast %mul3A_439 : i32 to vector<16xi32>
      %mul3A_441 = arith.muli %gather3A_418, %mul3A_440 : vector<16xi32>
      %and3A_442 = arith.constant 1048575 : i32
      %and3A_443 = vector.broadcast %and3A_442 : i32 to vector<16xi32>
      %and3A_444 = arith.andi %mul3A_441, %and3A_443 : vector<16xi32>
      %add3A_445 = arith.constant 440172 : i32
      %add3A_446 = vector.broadcast %add3A_445 : i32 to vector<16xi32>
      %add3A_447 = arith.addi %and3A_444, %add3A_446 : vector<16xi32>
      %and3A_448 = arith.constant 1048575 : i32
      %and3A_449 = vector.broadcast %and3A_448 : i32 to vector<16xi32>
      %and3A_450 = arith.andi %add3A_447, %and3A_449 : vector<16xi32>
      %swap3A_451 = arith.constant 1 : i32
      %swap3A_452 = arith.index_cast %swap3A_451 : i32 to index
      %swap3A_453 = arith.constant 16 : index
      %swap3A_454 = tpu.vector_load %arg10[%swap3A_452, %swap3A_453] {strides = array<i32>} : memref<20x32xi32, #tpu.memory_space<vmem>>, vector<16xi32>,
      tpu.vector_store %arg10[%swap3A_452, %swap3A_453], %and3A_450 {strides = array<i32>} : memref<20x32xi32, #tpu.memory_space<vmem>>, vector<16xi32>,
      %mul3A_455 = arith.constant 9834 : i32
      %mul3A_456 = vector.broadcast %mul3A_455 : i32 to vector<16xi32>
      %mul3A_457 = arith.muli %gather3A_418, %mul3A_456 : vector<16xi32>
      %and3A_458 = arith.constant 1048575 : i32
      %and3A_459 = vector.broadcast %and3A_458 : i32 to vector<16xi32>
      %and3A_460 = arith.andi %mul3A_457, %and3A_459 : vector<16xi32>
      %add3A_461 = arith.constant 387991 : i32
      %add3A_462 = vector.broadcast %add3A_461 : i32 to vector<16xi32>
      %add3A_463 = arith.addi %and3A_460, %add3A_462 : vector<16xi32>
      %and3A_464 = arith.constant 1048575 : i32
      %and3A_465 = vector.broadcast %and3A_464 : i32 to vector<16xi32>
      %and3A_466 = arith.andi %add3A_463, %and3A_465 : vector<16xi32>
      %swap3A_467 = arith.constant 2 : i32
      %swap3A_468 = arith.index_cast %swap3A_467 : i32 to index
      %swap3A_469 = arith.constant 16 : index
      %swap3A_470 = tpu.vector_load %arg10[%swap3A_468, %swap3A_469] {strides = array<i32>} : memref<20x32xi32, #tpu.memory_space<vmem>>, vector<16xi32>,
      tpu.vector_store %arg10[%swap3A_468, %swap3A_469], %and3A_466 {strides = array<i32>} : memref<20x32xi32, #tpu.memory_space<vmem>>, vector<16xi32>,
      %mul3A_471 = arith.constant 5 : i32
      %mul3A_472 = vector.broadcast %mul3A_471 : i32 to vector<16xi32>
      %mul3A_473 = arith.muli %add3A_361, %mul3A_472 : vector<16xi32>
      %add3A_474 = arith.constant 1 : i32
      %add3A_475 = vector.broadcast %add3A_474 : i32 to vector<16xi32>
      %add3A_476 = arith.addi %mul3A_473, %add3A_475 : vector<16xi32>
      %gather3A_477 = tpu.vector_load_idx %arg8[%add3A_476] : memref<160xi32, #tpu.memory_space<vmem>>[vector<16xi32>], vector<16xi32>,
      %swap3A_478 = arith.constant 16 : i32
      %swap3A_479 = arith.index_cast %swap3A_478 : i32 to index
      %swap3A_480 = arith.constant 16 : index
      %swap3A_481 = tpu.vector_load %arg10[%swap3A_479, %swap3A_480] {strides = array<i32>} : memref<20x32xi32, #tpu.memory_space<vmem>>, vector<16xi32>,
      tpu.vector_store %arg10[%swap3A_479, %swap3A_480], %gather3A_477 {strides = array<i32>} : memref<20x32xi32, #tpu.memory_space<vmem>>, vector<16xi32>,
      %mul3A_482 = arith.constant 5136 : i32
      %mul3A_483 = vector.broadcast %mul3A_482 : i32 to vector<16xi32>
      %mul3A_484 = arith.muli %gather3A_477, %mul3A_483 : vector<16xi32>
      %and3A_485 = arith.constant 1048575 : i32
      %and3A_486 = vector.broadcast %and3A_485 : i32 to vector<16xi32>
      %and3A_487 = arith.andi %mul3A_484, %and3A_486 : vector<16xi32>
      %add3A_488 = arith.constant 34350 : i32
      %add3A_489 = vector.broadcast %add3A_488 : i32 to vector<16xi32>
      %add3A_490 = arith.addi %and3A_487, %add3A_489 : vector<16xi32>
      %and3A_491 = arith.constant 1048575 : i32
      %and3A_492 = vector.broadcast %and3A_491 : i32 to vector<16xi32>
      %and3A_493 = arith.andi %add3A_490, %and3A_492 : vector<16xi32>
      %swap3A_494 = arith.constant 3 : i32
      %swap3A_495 = arith.index_cast %swap3A_494 : i32 to index
      %swap3A_496 = arith.constant 16 : index
      %swap3A_497 = tpu.vector_load %arg10[%swap3A_495, %swap3A_496] {strides = array<i32>} : memref<20x32xi32, #tpu.memory_space<vmem>>, vector<16xi32>,
      tpu.vector_store %arg10[%swap3A_495, %swap3A_496], %and3A_493 {strides = array<i32>} : memref<20x32xi32, #tpu.memory_space<vmem>>, vector<16xi32>,
      %mul3A_498 = arith.constant 7347 : i32
      %mul3A_499 = vector.broadcast %mul3A_498 : i32 to vector<16xi32>
      %mul3A_500 = arith.muli %gather3A_477, %mul3A_499 : vector<16xi32>
      %and3A_501 = arith.constant 1048575 : i32
      %and3A_502 = vector.broadcast %and3A_501 : i32 to vector<16xi32>
      %and3A_503 = arith.andi %mul3A_500, %and3A_502 : vector<16xi32>
      %add3A_504 = arith.constant 440172 : i32
      %add3A_505 = vector.broadcast %add3A_504 : i32 to vector<16xi32>
      %add3A_506 = arith.addi %and3A_503, %add3A_505 : vector<16xi32>
      %and3A_507 = arith.constant 1048575 : i32
      %and3A_508 = vector.broadcast %and3A_507 : i32 to vector<16xi32>
      %and3A_509 = arith.andi %add3A_506, %and3A_508 : vector<16xi32>
      %swap3A_510 = arith.constant 4 : i32
      %swap3A_511 = arith.index_cast %swap3A_510 : i32 to index
      %swap3A_512 = arith.constant 16 : index
      %swap3A_513 = tpu.vector_load %arg10[%swap3A_511, %swap3A_512] {strides = array<i32>} : memref<20x32xi32, #tpu.memory_space<vmem>>, vector<16xi32>,
      tpu.vector_store %arg10[%swap3A_511, %swap3A_512], %and3A_509 {strides = array<i32>} : memref<20x32xi32, #tpu.memory_space<vmem>>, vector<16xi32>,
      %mul3A_514 = arith.constant 9834 : i32
      %mul3A_515 = vector.broadcast %mul3A_514 : i32 to vector<16xi32>
      %mul3A_516 = arith.muli %gather3A_477, %mul3A_515 : vector<16xi32>
      %and3A_517 = arith.constant 1048575 : i32
      %and3A_518 = vector.broadcast %and3A_517 : i32 to vector<16xi32>
      %and3A_519 = arith.andi %mul3A_516, %and3A_518 : vector<16xi32>
      %add3A_520 = arith.constant 387991 : i32
      %add3A_521 = vector.broadcast %add3A_520 : i32 to vector<16xi32>
      %add3A_522 = arith.addi %and3A_519, %add3A_521 : vector<16xi32>
      %and3A_523 = arith.constant 1048575 : i32
      %and3A_524 = vector.broadcast %and3A_523 : i32 to vector<16xi32>
      %and3A_525 = arith.andi %add3A_522, %and3A_524 : vector<16xi32>
      %swap3A_526 = arith.constant 5 : i32
      %swap3A_527 = arith.index_cast %swap3A_526 : i32 to index
      %swap3A_528 = arith.constant 16 : index
      %swap3A_529 = tpu.vector_load %arg10[%swap3A_527, %swap3A_528] {strides = array<i32>} : memref<20x32xi32, #tpu.memory_space<vmem>>, vector<16xi32>,
      tpu.vector_store %arg10[%swap3A_527, %swap3A_528], %and3A_525 {strides = array<i32>} : memref<20x32xi32, #tpu.memory_space<vmem>>, vector<16xi32>,
      %mul3A_530 = arith.constant 5 : i32
      %mul3A_531 = vector.broadcast %mul3A_530 : i32 to vector<16xi32>
      %mul3A_532 = arith.muli %add3A_361, %mul3A_531 : vector<16xi32>
      %add3A_533 = arith.constant 2 : i32
      %add3A_534 = vector.broadcast %add3A_533 : i32 to vector<16xi32>
      %add3A_535 = arith.addi %mul3A_532, %add3A_534 : vector<16xi32>
      %gather3A_536 = tpu.vector_load_idx %arg8[%add3A_535] : memref<160xi32, #tpu.memory_space<vmem>>[vector<16xi32>], vector<16xi32>,
      %swap3A_537 = arith.constant 17 : i32
      %swap3A_538 = arith.index_cast %swap3A_537 : i32 to index
      %swap3A_539 = arith.constant 16 : index
      %swap3A_540 = tpu.vector_load %arg10[%swap3A_538, %swap3A_539] {strides = array<i32>} : memref<20x32xi32, #tpu.memory_space<vmem>>, vector<16xi32>,
      tpu.vector_store %arg10[%swap3A_538, %swap3A_539], %gather3A_536 {strides = array<i32>} : memref<20x32xi32, #tpu.memory_space<vmem>>, vector<16xi32>,
      %mul3A_541 = arith.constant 5136 : i32
      %mul3A_542 = vector.broadcast %mul3A_541 : i32 to vector<16xi32>
      %mul3A_543 = arith.muli %gather3A_536, %mul3A_542 : vector<16xi32>
      %and3A_544 = arith.constant 1048575 : i32
      %and3A_545 = vector.broadcast %and3A_544 : i32 to vector<16xi32>
      %and3A_546 = arith.andi %mul3A_543, %and3A_545 : vector<16xi32>
      %add3A_547 = arith.constant 34350 : i32
      %add3A_548 = vector.broadcast %add3A_547 : i32 to vector<16xi32>
      %add3A_549 = arith.addi %and3A_546, %add3A_548 : vector<16xi32>
      %and3A_550 = arith.constant 1048575 : i32
      %and3A_551 = vector.broadcast %and3A_550 : i32 to vector<16xi32>
      %and3A_552 = arith.andi %add3A_549, %and3A_551 : vector<16xi32>
      %swap3A_553 = arith.constant 6 : i32
      %swap3A_554 = arith.index_cast %swap3A_553 : i32 to index
      %swap3A_555 = arith.constant 16 : index
      %swap3A_556 = tpu.vector_load %arg10[%swap3A_554, %swap3A_555] {strides = array<i32>} : memref<20x32xi32, #tpu.memory_space<vmem>>, vector<16xi32>,
      tpu.vector_store %arg10[%swap3A_554, %swap3A_555], %and3A_552 {strides = array<i32>} : memref<20x32xi32, #tpu.memory_space<vmem>>, vector<16xi32>,
      %mul3A_557 = arith.constant 7347 : i32
      %mul3A_558 = vector.broadcast %mul3A_557 : i32 to vector<16xi32>
      %mul3A_559 = arith.muli %gather3A_536, %mul3A_558 : vector<16xi32>
      %and3A_560 = arith.constant 1048575 : i32
      %and3A_561 = vector.broadcast %and3A_560 : i32 to vector<16xi32>
      %and3A_562 = arith.andi %mul3A_559, %and3A_561 : vector<16xi32>
      %add3A_563 = arith.constant 440172 : i32
      %add3A_564 = vector.broadcast %add3A_563 : i32 to vector<16xi32>
      %add3A_565 = arith.addi %and3A_562, %add3A_564 : vector<16xi32>
      %and3A_566 = arith.constant 1048575 : i32
      %and3A_567 = vector.broadcast %and3A_566 : i32 to vector<16xi32>
      %and3A_568 = arith.andi %add3A_565, %and3A_567 : vector<16xi32>
      %swap3A_569 = arith.constant 7 : i32
      %swap3A_570 = arith.index_cast %swap3A_569 : i32 to index
      %swap3A_571 = arith.constant 16 : index
      %swap3A_572 = tpu.vector_load %arg10[%swap3A_570, %swap3A_571] {strides = array<i32>} : memref<20x32xi32, #tpu.memory_space<vmem>>, vector<16xi32>,
      tpu.vector_store %arg10[%swap3A_570, %swap3A_571], %and3A_568 {strides = array<i32>} : memref<20x32xi32, #tpu.memory_space<vmem>>, vector<16xi32>,
      %mul3A_573 = arith.constant 9834 : i32
      %mul3A_574 = vector.broadcast %mul3A_573 : i32 to vector<16xi32>
      %mul3A_575 = arith.muli %gather3A_536, %mul3A_574 : vector<16xi32>
      %and3A_576 = arith.constant 1048575 : i32
      %and3A_577 = vector.broadcast %and3A_576 : i32 to vector<16xi32>
      %and3A_578 = arith.andi %mul3A_575, %and3A_577 : vector<16xi32>
      %add3A_579 = arith.constant 387991 : i32
      %add3A_580 = vector.broadcast %add3A_579 : i32 to vector<16xi32>
      %add3A_581 = arith.addi %and3A_578, %add3A_580 : vector<16xi32>
      %and3A_582 = arith.constant 1048575 : i32
      %and3A_583 = vector.broadcast %and3A_582 : i32 to vector<16xi32>
      %and3A_584 = arith.andi %add3A_581, %and3A_583 : vector<16xi32>
      %swap3A_585 = arith.constant 8 : i32
      %swap3A_586 = arith.index_cast %swap3A_585 : i32 to index
      %swap3A_587 = arith.constant 16 : index
      %swap3A_588 = tpu.vector_load %arg10[%swap3A_586, %swap3A_587] {strides = array<i32>} : memref<20x32xi32, #tpu.memory_space<vmem>>, vector<16xi32>,
      tpu.vector_store %arg10[%swap3A_586, %swap3A_587], %and3A_584 {strides = array<i32>} : memref<20x32xi32, #tpu.memory_space<vmem>>, vector<16xi32>,
      %mul3A_589 = arith.constant 5 : i32
      %mul3A_590 = vector.broadcast %mul3A_589 : i32 to vector<16xi32>
      %mul3A_591 = arith.muli %add3A_361, %mul3A_590 : vector<16xi32>
      %add3A_592 = arith.constant 3 : i32
      %add3A_593 = vector.broadcast %add3A_592 : i32 to vector<16xi32>
      %add3A_594 = arith.addi %mul3A_591, %add3A_593 : vector<16xi32>
      %gather3A_595 = tpu.vector_load_idx %arg8[%add3A_594] : memref<160xi32, #tpu.memory_space<vmem>>[vector<16xi32>], vector<16xi32>,
      %swap3A_596 = arith.constant 18 : i32
      %swap3A_597 = arith.index_cast %swap3A_596 : i32 to index
      %swap3A_598 = arith.constant 16 : index
      %swap3A_599 = tpu.vector_load %arg10[%swap3A_597, %swap3A_598] {strides = array<i32>} : memref<20x32xi32, #tpu.memory_space<vmem>>, vector<16xi32>,
      tpu.vector_store %arg10[%swap3A_597, %swap3A_598], %gather3A_595 {strides = array<i32>} : memref<20x32xi32, #tpu.memory_space<vmem>>, vector<16xi32>,
      %mul3A_600 = arith.constant 5136 : i32
      %mul3A_601 = vector.broadcast %mul3A_600 : i32 to vector<16xi32>
      %mul3A_602 = arith.muli %gather3A_595, %mul3A_601 : vector<16xi32>
      %and3A_603 = arith.constant 1048575 : i32
      %and3A_604 = vector.broadcast %and3A_603 : i32 to vector<16xi32>
      %and3A_605 = arith.andi %mul3A_602, %and3A_604 : vector<16xi32>
      %add3A_606 = arith.constant 34350 : i32
      %add3A_607 = vector.broadcast %add3A_606 : i32 to vector<16xi32>
      %add3A_608 = arith.addi %and3A_605, %add3A_607 : vector<16xi32>
      %and3A_609 = arith.constant 1048575 : i32
      %and3A_610 = vector.broadcast %and3A_609 : i32 to vector<16xi32>
      %and3A_611 = arith.andi %add3A_608, %and3A_610 : vector<16xi32>
      %swap3A_612 = arith.constant 9 : i32
      %swap3A_613 = arith.index_cast %swap3A_612 : i32 to index
      %swap3A_614 = arith.constant 16 : index
      %swap3A_615 = tpu.vector_load %arg10[%swap3A_613, %swap3A_614] {strides = array<i32>} : memref<20x32xi32, #tpu.memory_space<vmem>>, vector<16xi32>,
      tpu.vector_store %arg10[%swap3A_613, %swap3A_614], %and3A_611 {strides = array<i32>} : memref<20x32xi32, #tpu.memory_space<vmem>>, vector<16xi32>,
      %mul3A_616 = arith.constant 7347 : i32
      %mul3A_617 = vector.broadcast %mul3A_616 : i32 to vector<16xi32>
      %mul3A_618 = arith.muli %gather3A_595, %mul3A_617 : vector<16xi32>
      %and3A_619 = arith.constant 1048575 : i32
      %and3A_620 = vector.broadcast %and3A_619 : i32 to vector<16xi32>
      %and3A_621 = arith.andi %mul3A_618, %and3A_620 : vector<16xi32>
      %add3A_622 = arith.constant 440172 : i32
      %add3A_623 = vector.broadcast %add3A_622 : i32 to vector<16xi32>
      %add3A_624 = arith.addi %and3A_621, %add3A_623 : vector<16xi32>
      %and3A_625 = arith.constant 1048575 : i32
      %and3A_626 = vector.broadcast %and3A_625 : i32 to vector<16xi32>
      %and3A_627 = arith.andi %add3A_624, %and3A_626 : vector<16xi32>
      %swap3A_628 = arith.constant 10 : i32
      %swap3A_629 = arith.index_cast %swap3A_628 : i32 to index
      %swap3A_630 = arith.constant 16 : index
      %swap3A_631 = tpu.vector_load %arg10[%swap3A_629, %swap3A_630] {strides = array<i32>} : memref<20x32xi32, #tpu.memory_space<vmem>>, vector<16xi32>,
      tpu.vector_store %arg10[%swap3A_629, %swap3A_630], %and3A_627 {strides = array<i32>} : memref<20x32xi32, #tpu.memory_space<vmem>>, vector<16xi32>,
      %mul3A_632 = arith.constant 9834 : i32
      %mul3A_633 = vector.broadcast %mul3A_632 : i32 to vector<16xi32>
      %mul3A_634 = arith.muli %gather3A_595, %mul3A_633 : vector<16xi32>
      %and3A_635 = arith.constant 1048575 : i32
      %and3A_636 = vector.broadcast %and3A_635 : i32 to vector<16xi32>
      %and3A_637 = arith.andi %mul3A_634, %and3A_636 : vector<16xi32>
      %add3A_638 = arith.constant 387991 : i32
      %add3A_639 = vector.broadcast %add3A_638 : i32 to vector<16xi32>
      %add3A_640 = arith.addi %and3A_637, %add3A_639 : vector<16xi32>
      %and3A_641 = arith.constant 1048575 : i32
      %and3A_642 = vector.broadcast %and3A_641 : i32 to vector<16xi32>
      %and3A_643 = arith.andi %add3A_640, %and3A_642 : vector<16xi32>
      %swap3A_644 = arith.constant 11 : i32
      %swap3A_645 = arith.index_cast %swap3A_644 : i32 to index
      %swap3A_646 = arith.constant 16 : index
      %swap3A_647 = tpu.vector_load %arg10[%swap3A_645, %swap3A_646] {strides = array<i32>} : memref<20x32xi32, #tpu.memory_space<vmem>>, vector<16xi32>,
      tpu.vector_store %arg10[%swap3A_645, %swap3A_646], %and3A_643 {strides = array<i32>} : memref<20x32xi32, #tpu.memory_space<vmem>>, vector<16xi32>,
      %mul3A_648 = arith.constant 5 : i32
      %mul3A_649 = vector.broadcast %mul3A_648 : i32 to vector<16xi32>
      %mul3A_650 = arith.muli %add3A_361, %mul3A_649 : vector<16xi32>
      %add3A_651 = arith.constant 4 : i32
      %add3A_652 = vector.broadcast %add3A_651 : i32 to vector<16xi32>
      %add3A_653 = arith.addi %mul3A_650, %add3A_652 : vector<16xi32>
      %gather3A_654 = tpu.vector_load_idx %arg8[%add3A_653] : memref<160xi32, #tpu.memory_space<vmem>>[vector<16xi32>], vector<16xi32>,
      %swap3A_655 = arith.constant 19 : i32
      %swap3A_656 = arith.index_cast %swap3A_655 : i32 to index
      %swap3A_657 = arith.constant 16 : index
      %swap3A_658 = tpu.vector_load %arg10[%swap3A_656, %swap3A_657] {strides = array<i32>} : memref<20x32xi32, #tpu.memory_space<vmem>>, vector<16xi32>,
      tpu.vector_store %arg10[%swap3A_656, %swap3A_657], %gather3A_654 {strides = array<i32>} : memref<20x32xi32, #tpu.memory_space<vmem>>, vector<16xi32>,
      %mul3A_659 = arith.constant 5136 : i32
      %mul3A_660 = vector.broadcast %mul3A_659 : i32 to vector<16xi32>
      %mul3A_661 = arith.muli %gather3A_654, %mul3A_660 : vector<16xi32>
      %and3A_662 = arith.constant 1048575 : i32
      %and3A_663 = vector.broadcast %and3A_662 : i32 to vector<16xi32>
      %and3A_664 = arith.andi %mul3A_661, %and3A_663 : vector<16xi32>
      %add3A_665 = arith.constant 34350 : i32
      %add3A_666 = vector.broadcast %add3A_665 : i32 to vector<16xi32>
      %add3A_667 = arith.addi %and3A_664, %add3A_666 : vector<16xi32>
      %and3A_668 = arith.constant 1048575 : i32
      %and3A_669 = vector.broadcast %and3A_668 : i32 to vector<16xi32>
      %and3A_670 = arith.andi %add3A_667, %and3A_669 : vector<16xi32>
      %swap3A_671 = arith.constant 12 : i32
      %swap3A_672 = arith.index_cast %swap3A_671 : i32 to index
      %swap3A_673 = arith.constant 16 : index
      %swap3A_674 = tpu.vector_load %arg10[%swap3A_672, %swap3A_673] {strides = array<i32>} : memref<20x32xi32, #tpu.memory_space<vmem>>, vector<16xi32>,
      tpu.vector_store %arg10[%swap3A_672, %swap3A_673], %and3A_670 {strides = array<i32>} : memref<20x32xi32, #tpu.memory_space<vmem>>, vector<16xi32>,
      %mul3A_675 = arith.constant 7347 : i32
      %mul3A_676 = vector.broadcast %mul3A_675 : i32 to vector<16xi32>
      %mul3A_677 = arith.muli %gather3A_654, %mul3A_676 : vector<16xi32>
      %and3A_678 = arith.constant 1048575 : i32
      %and3A_679 = vector.broadcast %and3A_678 : i32 to vector<16xi32>
      %and3A_680 = arith.andi %mul3A_677, %and3A_679 : vector<16xi32>
      %add3A_681 = arith.constant 440172 : i32
      %add3A_682 = vector.broadcast %add3A_681 : i32 to vector<16xi32>
      %add3A_683 = arith.addi %and3A_680, %add3A_682 : vector<16xi32>
      %and3A_684 = arith.constant 1048575 : i32
      %and3A_685 = vector.broadcast %and3A_684 : i32 to vector<16xi32>
      %and3A_686 = arith.andi %add3A_683, %and3A_685 : vector<16xi32>
      %swap3A_687 = arith.constant 13 : i32
      %swap3A_688 = arith.index_cast %swap3A_687 : i32 to index
      %swap3A_689 = arith.constant 16 : index
      %swap3A_690 = tpu.vector_load %arg10[%swap3A_688, %swap3A_689] {strides = array<i32>} : memref<20x32xi32, #tpu.memory_space<vmem>>, vector<16xi32>,
      tpu.vector_store %arg10[%swap3A_688, %swap3A_689], %and3A_686 {strides = array<i32>} : memref<20x32xi32, #tpu.memory_space<vmem>>, vector<16xi32>,
      %mul3A_691 = arith.constant 9834 : i32
      %mul3A_692 = vector.broadcast %mul3A_691 : i32 to vector<16xi32>
      %mul3A_693 = arith.muli %gather3A_654, %mul3A_692 : vector<16xi32>
      %and3A_694 = arith.constant 1048575 : i32
      %and3A_695 = vector.broadcast %and3A_694 : i32 to vector<16xi32>
      %and3A_696 = arith.andi %mul3A_693, %and3A_695 : vector<16xi32>
      %add3A_697 = arith.constant 387991 : i32
      %add3A_698 = vector.broadcast %add3A_697 : i32 to vector<16xi32>
      %add3A_699 = arith.addi %and3A_696, %add3A_698 : vector<16xi32>
      %and3A_700 = arith.constant 1048575 : i32
      %and3A_701 = vector.broadcast %and3A_700 : i32 to vector<16xi32>
      %and3A_702 = arith.andi %add3A_699, %and3A_701 : vector<16xi32>
      %swap3A_703 = arith.constant 14 : i32
      %swap3A_704 = arith.index_cast %swap3A_703 : i32 to index
      %swap3A_705 = arith.constant 16 : index
      %swap3A_706 = tpu.vector_load %arg10[%swap3A_704, %swap3A_705] {strides = array<i32>} : memref<20x32xi32, #tpu.memory_space<vmem>>, vector<16xi32>,
      tpu.vector_store %arg10[%swap3A_704, %swap3A_705], %and3A_702 {strides = array<i32>} : memref<20x32xi32, #tpu.memory_space<vmem>>, vector<16xi32>,
      %dma_start3A = arith.constant 0 : i32
      %dma_start3A_707 = arith.constant 0 : i32
      %dma_start3A_708 = tpu.memref_slice %arg5[%dma_start3A, %dma_start3A_707] : memref<100000x128xf32, #tpu.memory_space<hbm>> -> memref<100000x128xf32, #tpu.memory_space<hbm>>
      tpu.enqueue_indirect_dma source(%dma_start3A_708 : memref<100000x128xf32, #tpu.memory_space<hbm>>) target(%arg11 : memref<32x128xf32, #tpu.memory_space<vmem>>) offsets(%arg7 : memref<32xi32, #tpu.memory_space<vmem>>) semaphore(%arg16 : memref<!tpu.dma_semaphore, #tpu.memory_space<semaphore_mem>>)
      %dma_start3A_709 = arith.constant 0 : i32
      %dma_start3A_710 = arith.constant 0 : i32
      %dma_start3A_711 = arith.constant 0 : i32
      %dma_start3A_712 = arith.constant 0 : i32
      %dma_start3A_713 = tpu.memref_slice %arg13[%dma_start3A_710, %dma_start3A_711, %dma_start3A_712] : memref<3x32x128xf32, #tpu.memory_space<vmem>> -> memref<1x32x128xf32, #tpu.memory_space<vmem>>
      %dma_start3A_714 = tpu.memref_squeeze %dma_start3A_713 : memref<1x32x128xf32, #tpu.memory_space<vmem>> -> memref<32x128xf32, #tpu.memory_space<vmem>>
      %dma_start3A_715 = arith.constant 0 : i32
      %dma_start3A_716 = tpu.memref_slice %arg9[%dma_start3A_709, %dma_start3A_715] : memref<3x32xi32, #tpu.memory_space<vmem>> -> memref<1x32xi32, #tpu.memory_space<vmem>>
      %dma_start3A_717 = tpu.memref_squeeze %dma_start3A_716 : memref<1x32xi32, #tpu.memory_space<vmem>> -> memref<32xi32, #tpu.memory_space<vmem>>
      %dma_start3A_718 = arith.constant 0 : i32
      %dma_start3A_719 = arith.constant 0 : i32
      %dma_start3A_720 = tpu.memref_slice %arg4[%dma_start3A_718, %dma_start3A_719] : memref<1048576x128xf32, #tpu.memory_space<hbm>> -> memref<1048576x128xf32, #tpu.memory_space<hbm>>
      tpu.enqueue_indirect_dma source(%dma_start3A_720 : memref<1048576x128xf32, #tpu.memory_space<hbm>>) target(%dma_start3A_714 : memref<32x128xf32, #tpu.memory_space<vmem>>) offsets(%dma_start3A_717 : memref<32xi32, #tpu.memory_space<vmem>>) semaphore(%arg16 : memref<!tpu.dma_semaphore, #tpu.memory_space<semaphore_mem>>)
      %dma_start3A_721 = arith.constant 1 : i32
      %dma_start3A_722 = arith.constant 1 : i32
      %dma_start3A_723 = arith.constant 0 : i32
      %dma_start3A_724 = arith.constant 0 : i32
      %dma_start3A_725 = tpu.memref_slice %arg13[%dma_start3A_722, %dma_start3A_723, %dma_start3A_724] : memref<3x32x128xf32, #tpu.memory_space<vmem>> -> memref<1x32x128xf32, #tpu.memory_space<vmem>>
      %dma_start3A_726 = tpu.memref_squeeze %dma_start3A_725 : memref<1x32x128xf32, #tpu.memory_space<vmem>> -> memref<32x128xf32, #tpu.memory_space<vmem>>
      %dma_start3A_727 = arith.constant 0 : i32
      %dma_start3A_728 = tpu.memref_slice %arg9[%dma_start3A_721, %dma_start3A_727] : memref<3x32xi32, #tpu.memory_space<vmem>> -> memref<1x32xi32, #tpu.memory_space<vmem>>
      %dma_start3A_729 = tpu.memref_squeeze %dma_start3A_728 : memref<1x32xi32, #tpu.memory_space<vmem>> -> memref<32xi32, #tpu.memory_space<vmem>>
      %dma_start3A_730 = arith.constant 0 : i32
      %dma_start3A_731 = arith.constant 0 : i32
      %dma_start3A_732 = tpu.memref_slice %arg4[%dma_start3A_730, %dma_start3A_731] : memref<1048576x128xf32, #tpu.memory_space<hbm>> -> memref<1048576x128xf32, #tpu.memory_space<hbm>>
      tpu.enqueue_indirect_dma source(%dma_start3A_732 : memref<1048576x128xf32, #tpu.memory_space<hbm>>) target(%dma_start3A_726 : memref<32x128xf32, #tpu.memory_space<vmem>>) offsets(%dma_start3A_729 : memref<32xi32, #tpu.memory_space<vmem>>) semaphore(%arg16 : memref<!tpu.dma_semaphore, #tpu.memory_space<semaphore_mem>>)
      %dma_start3A_733 = arith.constant 2 : i32
      %dma_start3A_734 = arith.constant 2 : i32
      %dma_start3A_735 = arith.constant 0 : i32
      %dma_start3A_736 = arith.constant 0 : i32
      %dma_start3A_737 = tpu.memref_slice %arg13[%dma_start3A_734, %dma_start3A_735, %dma_start3A_736] : memref<3x32x128xf32, #tpu.memory_space<vmem>> -> memref<1x32x128xf32, #tpu.memory_space<vmem>>
      %dma_start3A_738 = tpu.memref_squeeze %dma_start3A_737 : memref<1x32x128xf32, #tpu.memory_space<vmem>> -> memref<32x128xf32, #tpu.memory_space<vmem>>
      %dma_start3A_739 = arith.constant 0 : i32
      %dma_start3A_740 = tpu.memref_slice %arg9[%dma_start3A_733, %dma_start3A_739] : memref<3x32xi32, #tpu.memory_space<vmem>> -> memref<1x32xi32, #tpu.memory_space<vmem>>
      %dma_start3A_741 = tpu.memref_squeeze %dma_start3A_740 : memref<1x32xi32, #tpu.memory_space<vmem>> -> memref<32xi32, #tpu.memory_space<vmem>>
      %dma_start3A_742 = arith.constant 0 : i32
      %dma_start3A_743 = arith.constant 0 : i32
      %dma_start3A_744 = tpu.memref_slice %arg4[%dma_start3A_742, %dma_start3A_743] : memref<1048576x128xf32, #tpu.memory_space<hbm>> -> memref<1048576x128xf32, #tpu.memory_space<hbm>>
      tpu.enqueue_indirect_dma source(%dma_start3A_744 : memref<1048576x128xf32, #tpu.memory_space<hbm>>) target(%dma_start3A_738 : memref<32x128xf32, #tpu.memory_space<vmem>>) offsets(%dma_start3A_741 : memref<32xi32, #tpu.memory_space<vmem>>) semaphore(%arg16 : memref<!tpu.dma_semaphore, #tpu.memory_space<semaphore_mem>>)
      %dma_start3A_745 = arith.constant 0 : i32
      %dma_start3A_746 = arith.constant 0 : i32
      %dma_start3A_747 = arith.constant 0 : i32
      %dma_start3A_748 = arith.constant 0 : i32
      %dma_start3A_749 = tpu.memref_slice %arg14[%dma_start3A_746, %dma_start3A_747, %dma_start3A_748] : memref<15x32x128xf32, #tpu.memory_space<vmem>> -> memref<1x32x128xf32, #tpu.memory_space<vmem>>
      %dma_start3A_750 = tpu.memref_squeeze %dma_start3A_749 : memref<1x32x128xf32, #tpu.memory_space<vmem>> -> memref<32x128xf32, #tpu.memory_space<vmem>>
      %dma_start3A_751 = arith.constant 0 : i32
      %dma_start3A_752 = tpu.memref_slice %arg10[%dma_start3A_745, %dma_start3A_751] : memref<20x32xi32, #tpu.memory_space<vmem>> -> memref<1x32xi32, #tpu.memory_space<vmem>>
      %dma_start3A_753 = tpu.memref_squeeze %dma_start3A_752 : memref<1x32xi32, #tpu.memory_space<vmem>> -> memref<32xi32, #tpu.memory_space<vmem>>
      %dma_start3A_754 = arith.constant 0 : i32
      %dma_start3A_755 = arith.constant 0 : i32
      %dma_start3A_756 = tpu.memref_slice %arg4[%dma_start3A_754, %dma_start3A_755] : memref<1048576x128xf32, #tpu.memory_space<hbm>> -> memref<1048576x128xf32, #tpu.memory_space<hbm>>
      tpu.enqueue_indirect_dma source(%dma_start3A_756 : memref<1048576x128xf32, #tpu.memory_space<hbm>>) target(%dma_start3A_750 : memref<32x128xf32, #tpu.memory_space<vmem>>) offsets(%dma_start3A_753 : memref<32xi32, #tpu.memory_space<vmem>>) semaphore(%arg16 : memref<!tpu.dma_semaphore, #tpu.memory_space<semaphore_mem>>)
      %dma_start3A_757 = arith.constant 1 : i32
      %dma_start3A_758 = arith.constant 1 : i32
      %dma_start3A_759 = arith.constant 0 : i32
      %dma_start3A_760 = arith.constant 0 : i32
      %dma_start3A_761 = tpu.memref_slice %arg14[%dma_start3A_758, %dma_start3A_759, %dma_start3A_760] : memref<15x32x128xf32, #tpu.memory_space<vmem>> -> memref<1x32x128xf32, #tpu.memory_space<vmem>>
      %dma_start3A_762 = tpu.memref_squeeze %dma_start3A_761 : memref<1x32x128xf32, #tpu.memory_space<vmem>> -> memref<32x128xf32, #tpu.memory_space<vmem>>
      %dma_start3A_763 = arith.constant 0 : i32
      %dma_start3A_764 = tpu.memref_slice %arg10[%dma_start3A_757, %dma_start3A_763] : memref<20x32xi32, #tpu.memory_space<vmem>> -> memref<1x32xi32, #tpu.memory_space<vmem>>
      %dma_start3A_765 = tpu.memref_squeeze %dma_start3A_764 : memref<1x32xi32, #tpu.memory_space<vmem>> -> memref<32xi32, #tpu.memory_space<vmem>>
      %dma_start3A_766 = arith.constant 0 : i32
      %dma_start3A_767 = arith.constant 0 : i32
      %dma_start3A_768 = tpu.memref_slice %arg4[%dma_start3A_766, %dma_start3A_767] : memref<1048576x128xf32, #tpu.memory_space<hbm>> -> memref<1048576x128xf32, #tpu.memory_space<hbm>>
      tpu.enqueue_indirect_dma source(%dma_start3A_768 : memref<1048576x128xf32, #tpu.memory_space<hbm>>) target(%dma_start3A_762 : memref<32x128xf32, #tpu.memory_space<vmem>>) offsets(%dma_start3A_765 : memref<32xi32, #tpu.memory_space<vmem>>) semaphore(%arg16 : memref<!tpu.dma_semaphore, #tpu.memory_space<semaphore_mem>>)
      %dma_start3A_769 = arith.constant 2 : i32
      %dma_start3A_770 = arith.constant 2 : i32
      %dma_start3A_771 = arith.constant 0 : i32
      %dma_start3A_772 = arith.constant 0 : i32
      %dma_start3A_773 = tpu.memref_slice %arg14[%dma_start3A_770, %dma_start3A_771, %dma_start3A_772] : memref<15x32x128xf32, #tpu.memory_space<vmem>> -> memref<1x32x128xf32, #tpu.memory_space<vmem>>
      %dma_start3A_774 = tpu.memref_squeeze %dma_start3A_773 : memref<1x32x128xf32, #tpu.memory_space<vmem>> -> memref<32x128xf32, #tpu.memory_space<vmem>>
      %dma_start3A_775 = arith.constant 0 : i32
      %dma_start3A_776 = tpu.memref_slice %arg10[%dma_start3A_769, %dma_start3A_775] : memref<20x32xi32, #tpu.memory_space<vmem>> -> memref<1x32xi32, #tpu.memory_space<vmem>>
      %dma_start3A_777 = tpu.memref_squeeze %dma_start3A_776 : memref<1x32xi32, #tpu.memory_space<vmem>> -> memref<32xi32, #tpu.memory_space<vmem>>
      %dma_start3A_778 = arith.constant 0 : i32
      %dma_start3A_779 = arith.constant 0 : i32
      %dma_start3A_780 = tpu.memref_slice %arg4[%dma_start3A_778, %dma_start3A_779] : memref<1048576x128xf32, #tpu.memory_space<hbm>> -> memref<1048576x128xf32, #tpu.memory_space<hbm>>
      tpu.enqueue_indirect_dma source(%dma_start3A_780 : memref<1048576x128xf32, #tpu.memory_space<hbm>>) target(%dma_start3A_774 : memref<32x128xf32, #tpu.memory_space<vmem>>) offsets(%dma_start3A_777 : memref<32xi32, #tpu.memory_space<vmem>>) semaphore(%arg16 : memref<!tpu.dma_semaphore, #tpu.memory_space<semaphore_mem>>)
      %dma_start3A_781 = arith.constant 3 : i32
      %dma_start3A_782 = arith.constant 3 : i32
      %dma_start3A_783 = arith.constant 0 : i32
      %dma_start3A_784 = arith.constant 0 : i32
      %dma_start3A_785 = tpu.memref_slice %arg14[%dma_start3A_782, %dma_start3A_783, %dma_start3A_784] : memref<15x32x128xf32, #tpu.memory_space<vmem>> -> memref<1x32x128xf32, #tpu.memory_space<vmem>>
      %dma_start3A_786 = tpu.memref_squeeze %dma_start3A_785 : memref<1x32x128xf32, #tpu.memory_space<vmem>> -> memref<32x128xf32, #tpu.memory_space<vmem>>
      %dma_start3A_787 = arith.constant 0 : i32
      %dma_start3A_788 = tpu.memref_slice %arg10[%dma_start3A_781, %dma_start3A_787] : memref<20x32xi32, #tpu.memory_space<vmem>> -> memref<1x32xi32, #tpu.memory_space<vmem>>
      %dma_start3A_789 = tpu.memref_squeeze %dma_start3A_788 : memref<1x32xi32, #tpu.memory_space<vmem>> -> memref<32xi32, #tpu.memory_space<vmem>>
      %dma_start3A_790 = arith.constant 0 : i32
      %dma_start3A_791 = arith.constant 0 : i32
      %dma_start3A_792 = tpu.memref_slice %arg4[%dma_start3A_790, %dma_start3A_791] : memref<1048576x128xf32, #tpu.memory_space<hbm>> -> memref<1048576x128xf32, #tpu.memory_space<hbm>>
      tpu.enqueue_indirect_dma source(%dma_start3A_792 : memref<1048576x128xf32, #tpu.memory_space<hbm>>) target(%dma_start3A_786 : memref<32x128xf32, #tpu.memory_space<vmem>>) offsets(%dma_start3A_789 : memref<32xi32, #tpu.memory_space<vmem>>) semaphore(%arg16 : memref<!tpu.dma_semaphore, #tpu.memory_space<semaphore_mem>>)
      %dma_start3A_793 = arith.constant 4 : i32
      %dma_start3A_794 = arith.constant 4 : i32
      %dma_start3A_795 = arith.constant 0 : i32
      %dma_start3A_796 = arith.constant 0 : i32
      %dma_start3A_797 = tpu.memref_slice %arg14[%dma_start3A_794, %dma_start3A_795, %dma_start3A_796] : memref<15x32x128xf32, #tpu.memory_space<vmem>> -> memref<1x32x128xf32, #tpu.memory_space<vmem>>
      %dma_start3A_798 = tpu.memref_squeeze %dma_start3A_797 : memref<1x32x128xf32, #tpu.memory_space<vmem>> -> memref<32x128xf32, #tpu.memory_space<vmem>>
      %dma_start3A_799 = arith.constant 0 : i32
      %dma_start3A_800 = tpu.memref_slice %arg10[%dma_start3A_793, %dma_start3A_799] : memref<20x32xi32, #tpu.memory_space<vmem>> -> memref<1x32xi32, #tpu.memory_space<vmem>>
      %dma_start3A_801 = tpu.memref_squeeze %dma_start3A_800 : memref<1x32xi32, #tpu.memory_space<vmem>> -> memref<32xi32, #tpu.memory_space<vmem>>
      %dma_start3A_802 = arith.constant 0 : i32
      %dma_start3A_803 = arith.constant 0 : i32
      %dma_start3A_804 = tpu.memref_slice %arg4[%dma_start3A_802, %dma_start3A_803] : memref<1048576x128xf32, #tpu.memory_space<hbm>> -> memref<1048576x128xf32, #tpu.memory_space<hbm>>
      tpu.enqueue_indirect_dma source(%dma_start3A_804 : memref<1048576x128xf32, #tpu.memory_space<hbm>>) target(%dma_start3A_798 : memref<32x128xf32, #tpu.memory_space<vmem>>) offsets(%dma_start3A_801 : memref<32xi32, #tpu.memory_space<vmem>>) semaphore(%arg16 : memref<!tpu.dma_semaphore, #tpu.memory_space<semaphore_mem>>)
      %dma_start3A_805 = arith.constant 5 : i32
      %dma_start3A_806 = arith.constant 5 : i32
      %dma_start3A_807 = arith.constant 0 : i32
      %dma_start3A_808 = arith.constant 0 : i32
      %dma_start3A_809 = tpu.memref_slice %arg14[%dma_start3A_806, %dma_start3A_807, %dma_start3A_808] : memref<15x32x128xf32, #tpu.memory_space<vmem>> -> memref<1x32x128xf32, #tpu.memory_space<vmem>>
      %dma_start3A_810 = tpu.memref_squeeze %dma_start3A_809 : memref<1x32x128xf32, #tpu.memory_space<vmem>> -> memref<32x128xf32, #tpu.memory_space<vmem>>
      %dma_start3A_811 = arith.constant 0 : i32
      %dma_start3A_812 = tpu.memref_slice %arg10[%dma_start3A_805, %dma_start3A_811] : memref<20x32xi32, #tpu.memory_space<vmem>> -> memref<1x32xi32, #tpu.memory_space<vmem>>
      %dma_start3A_813 = tpu.memref_squeeze %dma_start3A_812 : memref<1x32xi32, #tpu.memory_space<vmem>> -> memref<32xi32, #tpu.memory_space<vmem>>
      %dma_start3A_814 = arith.constant 0 : i32
      %dma_start3A_815 = arith.constant 0 : i32
      %dma_start3A_816 = tpu.memref_slice %arg4[%dma_start3A_814, %dma_start3A_815] : memref<1048576x128xf32, #tpu.memory_space<hbm>> -> memref<1048576x128xf32, #tpu.memory_space<hbm>>
      tpu.enqueue_indirect_dma source(%dma_start3A_816 : memref<1048576x128xf32, #tpu.memory_space<hbm>>) target(%dma_start3A_810 : memref<32x128xf32, #tpu.memory_space<vmem>>) offsets(%dma_start3A_813 : memref<32xi32, #tpu.memory_space<vmem>>) semaphore(%arg16 : memref<!tpu.dma_semaphore, #tpu.memory_space<semaphore_mem>>)
      %dma_start3A_817 = arith.constant 6 : i32
      %dma_start3A_818 = arith.constant 6 : i32
      %dma_start3A_819 = arith.constant 0 : i32
      %dma_start3A_820 = arith.constant 0 : i32
      %dma_start3A_821 = tpu.memref_slice %arg14[%dma_start3A_818, %dma_start3A_819, %dma_start3A_820] : memref<15x32x128xf32, #tpu.memory_space<vmem>> -> memref<1x32x128xf32, #tpu.memory_space<vmem>>
      %dma_start3A_822 = tpu.memref_squeeze %dma_start3A_821 : memref<1x32x128xf32, #tpu.memory_space<vmem>> -> memref<32x128xf32, #tpu.memory_space<vmem>>
      %dma_start3A_823 = arith.constant 0 : i32
      %dma_start3A_824 = tpu.memref_slice %arg10[%dma_start3A_817, %dma_start3A_823] : memref<20x32xi32, #tpu.memory_space<vmem>> -> memref<1x32xi32, #tpu.memory_space<vmem>>
      %dma_start3A_825 = tpu.memref_squeeze %dma_start3A_824 : memref<1x32xi32, #tpu.memory_space<vmem>> -> memref<32xi32, #tpu.memory_space<vmem>>
      %dma_start3A_826 = arith.constant 0 : i32
      %dma_start3A_827 = arith.constant 0 : i32
      %dma_start3A_828 = tpu.memref_slice %arg4[%dma_start3A_826, %dma_start3A_827] : memref<1048576x128xf32, #tpu.memory_space<hbm>> -> memref<1048576x128xf32, #tpu.memory_space<hbm>>
      tpu.enqueue_indirect_dma source(%dma_start3A_828 : memref<1048576x128xf32, #tpu.memory_space<hbm>>) target(%dma_start3A_822 : memref<32x128xf32, #tpu.memory_space<vmem>>) offsets(%dma_start3A_825 : memref<32xi32, #tpu.memory_space<vmem>>) semaphore(%arg16 : memref<!tpu.dma_semaphore, #tpu.memory_space<semaphore_mem>>)
      %dma_start3A_829 = arith.constant 7 : i32
      %dma_start3A_830 = arith.constant 7 : i32
      %dma_start3A_831 = arith.constant 0 : i32
      %dma_start3A_832 = arith.constant 0 : i32
      %dma_start3A_833 = tpu.memref_slice %arg14[%dma_start3A_830, %dma_start3A_831, %dma_start3A_832] : memref<15x32x128xf32, #tpu.memory_space<vmem>> -> memref<1x32x128xf32, #tpu.memory_space<vmem>>
      %dma_start3A_834 = tpu.memref_squeeze %dma_start3A_833 : memref<1x32x128xf32, #tpu.memory_space<vmem>> -> memref<32x128xf32, #tpu.memory_space<vmem>>
      %dma_start3A_835 = arith.constant 0 : i32
      %dma_start3A_836 = tpu.memref_slice %arg10[%dma_start3A_829, %dma_start3A_835] : memref<20x32xi32, #tpu.memory_space<vmem>> -> memref<1x32xi32, #tpu.memory_space<vmem>>
      %dma_start3A_837 = tpu.memref_squeeze %dma_start3A_836 : memref<1x32xi32, #tpu.memory_space<vmem>> -> memref<32xi32, #tpu.memory_space<vmem>>
      %dma_start3A_838 = arith.constant 0 : i32
      %dma_start3A_839 = arith.constant 0 : i32
      %dma_start3A_840 = tpu.memref_slice %arg4[%dma_start3A_838, %dma_start3A_839] : memref<1048576x128xf32, #tpu.memory_space<hbm>> -> memref<1048576x128xf32, #tpu.memory_space<hbm>>
      tpu.enqueue_indirect_dma source(%dma_start3A_840 : memref<1048576x128xf32, #tpu.memory_space<hbm>>) target(%dma_start3A_834 : memref<32x128xf32, #tpu.memory_space<vmem>>) offsets(%dma_start3A_837 : memref<32xi32, #tpu.memory_space<vmem>>) semaphore(%arg16 : memref<!tpu.dma_semaphore, #tpu.memory_space<semaphore_mem>>)
      %dma_start3A_841 = arith.constant 8 : i32
      %dma_start3A_842 = arith.constant 8 : i32
      %dma_start3A_843 = arith.constant 0 : i32
      %dma_start3A_844 = arith.constant 0 : i32
      %dma_start3A_845 = tpu.memref_slice %arg14[%dma_start3A_842, %dma_start3A_843, %dma_start3A_844] : memref<15x32x128xf32, #tpu.memory_space<vmem>> -> memref<1x32x128xf32, #tpu.memory_space<vmem>>
      %dma_start3A_846 = tpu.memref_squeeze %dma_start3A_845 : memref<1x32x128xf32, #tpu.memory_space<vmem>> -> memref<32x128xf32, #tpu.memory_space<vmem>>
      %dma_start3A_847 = arith.constant 0 : i32
      %dma_start3A_848 = tpu.memref_slice %arg10[%dma_start3A_841, %dma_start3A_847] : memref<20x32xi32, #tpu.memory_space<vmem>> -> memref<1x32xi32, #tpu.memory_space<vmem>>
      %dma_start3A_849 = tpu.memref_squeeze %dma_start3A_848 : memref<1x32xi32, #tpu.memory_space<vmem>> -> memref<32xi32, #tpu.memory_space<vmem>>
      %dma_start3A_850 = arith.constant 0 : i32
      %dma_start3A_851 = arith.constant 0 : i32
      %dma_start3A_852 = tpu.memref_slice %arg4[%dma_start3A_850, %dma_start3A_851] : memref<1048576x128xf32, #tpu.memory_space<hbm>> -> memref<1048576x128xf32, #tpu.memory_space<hbm>>
      tpu.enqueue_indirect_dma source(%dma_start3A_852 : memref<1048576x128xf32, #tpu.memory_space<hbm>>) target(%dma_start3A_846 : memref<32x128xf32, #tpu.memory_space<vmem>>) offsets(%dma_start3A_849 : memref<32xi32, #tpu.memory_space<vmem>>) semaphore(%arg16 : memref<!tpu.dma_semaphore, #tpu.memory_space<semaphore_mem>>)
      %dma_start3A_853 = arith.constant 9 : i32
      %dma_start3A_854 = arith.constant 9 : i32
      %dma_start3A_855 = arith.constant 0 : i32
      %dma_start3A_856 = arith.constant 0 : i32
      %dma_start3A_857 = tpu.memref_slice %arg14[%dma_start3A_854, %dma_start3A_855, %dma_start3A_856] : memref<15x32x128xf32, #tpu.memory_space<vmem>> -> memref<1x32x128xf32, #tpu.memory_space<vmem>>
      %dma_start3A_858 = tpu.memref_squeeze %dma_start3A_857 : memref<1x32x128xf32, #tpu.memory_space<vmem>> -> memref<32x128xf32, #tpu.memory_space<vmem>>
      %dma_start3A_859 = arith.constant 0 : i32
      %dma_start3A_860 = tpu.memref_slice %arg10[%dma_start3A_853, %dma_start3A_859] : memref<20x32xi32, #tpu.memory_space<vmem>> -> memref<1x32xi32, #tpu.memory_space<vmem>>
      %dma_start3A_861 = tpu.memref_squeeze %dma_start3A_860 : memref<1x32xi32, #tpu.memory_space<vmem>> -> memref<32xi32, #tpu.memory_space<vmem>>
      %dma_start3A_862 = arith.constant 0 : i32
      %dma_start3A_863 = arith.constant 0 : i32
      %dma_start3A_864 = tpu.memref_slice %arg4[%dma_start3A_862, %dma_start3A_863] : memref<1048576x128xf32, #tpu.memory_space<hbm>> -> memref<1048576x128xf32, #tpu.memory_space<hbm>>
      tpu.enqueue_indirect_dma source(%dma_start3A_864 : memref<1048576x128xf32, #tpu.memory_space<hbm>>) target(%dma_start3A_858 : memref<32x128xf32, #tpu.memory_space<vmem>>) offsets(%dma_start3A_861 : memref<32xi32, #tpu.memory_space<vmem>>) semaphore(%arg16 : memref<!tpu.dma_semaphore, #tpu.memory_space<semaphore_mem>>)
      %dma_start3A_865 = arith.constant 10 : i32
      %dma_start3A_866 = arith.constant 10 : i32
      %dma_start3A_867 = arith.constant 0 : i32
      %dma_start3A_868 = arith.constant 0 : i32
      %dma_start3A_869 = tpu.memref_slice %arg14[%dma_start3A_866, %dma_start3A_867, %dma_start3A_868] : memref<15x32x128xf32, #tpu.memory_space<vmem>> -> memref<1x32x128xf32, #tpu.memory_space<vmem>>
      %dma_start3A_870 = tpu.memref_squeeze %dma_start3A_869 : memref<1x32x128xf32, #tpu.memory_space<vmem>> -> memref<32x128xf32, #tpu.memory_space<vmem>>
      %dma_start3A_871 = arith.constant 0 : i32
      %dma_start3A_872 = tpu.memref_slice %arg10[%dma_start3A_865, %dma_start3A_871] : memref<20x32xi32, #tpu.memory_space<vmem>> -> memref<1x32xi32, #tpu.memory_space<vmem>>
      %dma_start3A_873 = tpu.memref_squeeze %dma_start3A_872 : memref<1x32xi32, #tpu.memory_space<vmem>> -> memref<32xi32, #tpu.memory_space<vmem>>
      %dma_start3A_874 = arith.constant 0 : i32
      %dma_start3A_875 = arith.constant 0 : i32
      %dma_start3A_876 = tpu.memref_slice %arg4[%dma_start3A_874, %dma_start3A_875] : memref<1048576x128xf32, #tpu.memory_space<hbm>> -> memref<1048576x128xf32, #tpu.memory_space<hbm>>
      tpu.enqueue_indirect_dma source(%dma_start3A_876 : memref<1048576x128xf32, #tpu.memory_space<hbm>>) target(%dma_start3A_870 : memref<32x128xf32, #tpu.memory_space<vmem>>) offsets(%dma_start3A_873 : memref<32xi32, #tpu.memory_space<vmem>>) semaphore(%arg16 : memref<!tpu.dma_semaphore, #tpu.memory_space<semaphore_mem>>)
      %dma_start3A_877 = arith.constant 11 : i32
      %dma_start3A_878 = arith.constant 11 : i32
      %dma_start3A_879 = arith.constant 0 : i32
      %dma_start3A_880 = arith.constant 0 : i32
      %dma_start3A_881 = tpu.memref_slice %arg14[%dma_start3A_878, %dma_start3A_879, %dma_start3A_880] : memref<15x32x128xf32, #tpu.memory_space<vmem>> -> memref<1x32x128xf32, #tpu.memory_space<vmem>>
      %dma_start3A_882 = tpu.memref_squeeze %dma_start3A_881 : memref<1x32x128xf32, #tpu.memory_space<vmem>> -> memref<32x128xf32, #tpu.memory_space<vmem>>
      %dma_start3A_883 = arith.constant 0 : i32
      %dma_start3A_884 = tpu.memref_slice %arg10[%dma_start3A_877, %dma_start3A_883] : memref<20x32xi32, #tpu.memory_space<vmem>> -> memref<1x32xi32, #tpu.memory_space<vmem>>
      %dma_start3A_885 = tpu.memref_squeeze %dma_start3A_884 : memref<1x32xi32, #tpu.memory_space<vmem>> -> memref<32xi32, #tpu.memory_space<vmem>>
      %dma_start3A_886 = arith.constant 0 : i32
      %dma_start3A_887 = arith.constant 0 : i32
      %dma_start3A_888 = tpu.memref_slice %arg4[%dma_start3A_886, %dma_start3A_887] : memref<1048576x128xf32, #tpu.memory_space<hbm>> -> memref<1048576x128xf32, #tpu.memory_space<hbm>>
      tpu.enqueue_indirect_dma source(%dma_start3A_888 : memref<1048576x128xf32, #tpu.memory_space<hbm>>) target(%dma_start3A_882 : memref<32x128xf32, #tpu.memory_space<vmem>>) offsets(%dma_start3A_885 : memref<32xi32, #tpu.memory_space<vmem>>) semaphore(%arg16 : memref<!tpu.dma_semaphore, #tpu.memory_space<semaphore_mem>>)
      %dma_start3A_889 = arith.constant 12 : i32
      %dma_start3A_890 = arith.constant 12 : i32
      %dma_start3A_891 = arith.constant 0 : i32
      %dma_start3A_892 = arith.constant 0 : i32
      %dma_start3A_893 = tpu.memref_slice %arg14[%dma_start3A_890, %dma_start3A_891, %dma_start3A_892] : memref<15x32x128xf32, #tpu.memory_space<vmem>> -> memref<1x32x128xf32, #tpu.memory_space<vmem>>
      %dma_start3A_894 = tpu.memref_squeeze %dma_start3A_893 : memref<1x32x128xf32, #tpu.memory_space<vmem>> -> memref<32x128xf32, #tpu.memory_space<vmem>>
      %dma_start3A_895 = arith.constant 0 : i32
      %dma_start3A_896 = tpu.memref_slice %arg10[%dma_start3A_889, %dma_start3A_895] : memref<20x32xi32, #tpu.memory_space<vmem>> -> memref<1x32xi32, #tpu.memory_space<vmem>>
      %dma_start3A_897 = tpu.memref_squeeze %dma_start3A_896 : memref<1x32xi32, #tpu.memory_space<vmem>> -> memref<32xi32, #tpu.memory_space<vmem>>
      %dma_start3A_898 = arith.constant 0 : i32
      %dma_start3A_899 = arith.constant 0 : i32
      %dma_start3A_900 = tpu.memref_slice %arg4[%dma_start3A_898, %dma_start3A_899] : memref<1048576x128xf32, #tpu.memory_space<hbm>> -> memref<1048576x128xf32, #tpu.memory_space<hbm>>
      tpu.enqueue_indirect_dma source(%dma_start3A_900 : memref<1048576x128xf32, #tpu.memory_space<hbm>>) target(%dma_start3A_894 : memref<32x128xf32, #tpu.memory_space<vmem>>) offsets(%dma_start3A_897 : memref<32xi32, #tpu.memory_space<vmem>>) semaphore(%arg16 : memref<!tpu.dma_semaphore, #tpu.memory_space<semaphore_mem>>)
      %dma_start3A_901 = arith.constant 13 : i32
      %dma_start3A_902 = arith.constant 13 : i32
      %dma_start3A_903 = arith.constant 0 : i32
      %dma_start3A_904 = arith.constant 0 : i32
      %dma_start3A_905 = tpu.memref_slice %arg14[%dma_start3A_902, %dma_start3A_903, %dma_start3A_904] : memref<15x32x128xf32, #tpu.memory_space<vmem>> -> memref<1x32x128xf32, #tpu.memory_space<vmem>>
      %dma_start3A_906 = tpu.memref_squeeze %dma_start3A_905 : memref<1x32x128xf32, #tpu.memory_space<vmem>> -> memref<32x128xf32, #tpu.memory_space<vmem>>
      %dma_start3A_907 = arith.constant 0 : i32
      %dma_start3A_908 = tpu.memref_slice %arg10[%dma_start3A_901, %dma_start3A_907] : memref<20x32xi32, #tpu.memory_space<vmem>> -> memref<1x32xi32, #tpu.memory_space<vmem>>
      %dma_start3A_909 = tpu.memref_squeeze %dma_start3A_908 : memref<1x32xi32, #tpu.memory_space<vmem>> -> memref<32xi32, #tpu.memory_space<vmem>>
      %dma_start3A_910 = arith.constant 0 : i32
      %dma_start3A_911 = arith.constant 0 : i32
      %dma_start3A_912 = tpu.memref_slice %arg4[%dma_start3A_910, %dma_start3A_911] : memref<1048576x128xf32, #tpu.memory_space<hbm>> -> memref<1048576x128xf32, #tpu.memory_space<hbm>>
      tpu.enqueue_indirect_dma source(%dma_start3A_912 : memref<1048576x128xf32, #tpu.memory_space<hbm>>) target(%dma_start3A_906 : memref<32x128xf32, #tpu.memory_space<vmem>>) offsets(%dma_start3A_909 : memref<32xi32, #tpu.memory_space<vmem>>) semaphore(%arg16 : memref<!tpu.dma_semaphore, #tpu.memory_space<semaphore_mem>>)
      %dma_start3A_913 = arith.constant 14 : i32
      %dma_start3A_914 = arith.constant 14 : i32
      %dma_start3A_915 = arith.constant 0 : i32
      %dma_start3A_916 = arith.constant 0 : i32
      %dma_start3A_917 = tpu.memref_slice %arg14[%dma_start3A_914, %dma_start3A_915, %dma_start3A_916] : memref<15x32x128xf32, #tpu.memory_space<vmem>> -> memref<1x32x128xf32, #tpu.memory_space<vmem>>
      %dma_start3A_918 = tpu.memref_squeeze %dma_start3A_917 : memref<1x32x128xf32, #tpu.memory_space<vmem>> -> memref<32x128xf32, #tpu.memory_space<vmem>>
      %dma_start3A_919 = arith.constant 0 : i32
      %dma_start3A_920 = tpu.memref_slice %arg10[%dma_start3A_913, %dma_start3A_919] : memref<20x32xi32, #tpu.memory_space<vmem>> -> memref<1x32xi32, #tpu.memory_space<vmem>>
      %dma_start3A_921 = tpu.memref_squeeze %dma_start3A_920 : memref<1x32xi32, #tpu.memory_space<vmem>> -> memref<32xi32, #tpu.memory_space<vmem>>
      %dma_start3A_922 = arith.constant 0 : i32
      %dma_start3A_923 = arith.constant 0 : i32
      %dma_start3A_924 = tpu.memref_slice %arg4[%dma_start3A_922, %dma_start3A_923] : memref<1048576x128xf32, #tpu.memory_space<hbm>> -> memref<1048576x128xf32, #tpu.memory_space<hbm>>
      tpu.enqueue_indirect_dma source(%dma_start3A_924 : memref<1048576x128xf32, #tpu.memory_space<hbm>>) target(%dma_start3A_918 : memref<32x128xf32, #tpu.memory_space<vmem>>) offsets(%dma_start3A_921 : memref<32xi32, #tpu.memory_space<vmem>>) semaphore(%arg16 : memref<!tpu.dma_semaphore, #tpu.memory_space<semaphore_mem>>)
      %dma_start3A_925 = arith.constant 15 : i32
      %dma_start3A_926 = arith.constant 0 : i32
      %dma_start3A_927 = arith.constant 0 : i32
      %dma_start3A_928 = arith.constant 0 : i32
      %dma_start3A_929 = tpu.memref_slice %arg12[%dma_start3A_926, %dma_start3A_927, %dma_start3A_928] : memref<5x32x128xf32, #tpu.memory_space<vmem>> -> memref<1x32x128xf32, #tpu.memory_space<vmem>>
      %dma_start3A_930 = tpu.memref_squeeze %dma_start3A_929 : memref<1x32x128xf32, #tpu.memory_space<vmem>> -> memref<32x128xf32, #tpu.memory_space<vmem>>
      %dma_start3A_931 = arith.constant 0 : i32
      %dma_start3A_932 = tpu.memref_slice %arg10[%dma_start3A_925, %dma_start3A_931] : memref<20x32xi32, #tpu.memory_space<vmem>> -> memref<1x32xi32, #tpu.memory_space<vmem>>
      %dma_start3A_933 = tpu.memref_squeeze %dma_start3A_932 : memref<1x32xi32, #tpu.memory_space<vmem>> -> memref<32xi32, #tpu.memory_space<vmem>>
      %dma_start3A_934 = arith.constant 0 : i32
      %dma_start3A_935 = arith.constant 0 : i32
      %dma_start3A_936 = tpu.memref_slice %arg5[%dma_start3A_934, %dma_start3A_935] : memref<100000x128xf32, #tpu.memory_space<hbm>> -> memref<100000x128xf32, #tpu.memory_space<hbm>>
      tpu.enqueue_indirect_dma source(%dma_start3A_936 : memref<100000x128xf32, #tpu.memory_space<hbm>>) target(%dma_start3A_930 : memref<32x128xf32, #tpu.memory_space<vmem>>) offsets(%dma_start3A_933 : memref<32xi32, #tpu.memory_space<vmem>>) semaphore(%arg16 : memref<!tpu.dma_semaphore, #tpu.memory_space<semaphore_mem>>)
      %dma_start3A_937 = arith.constant 16 : i32
      %dma_start3A_938 = arith.constant 1 : i32
      %dma_start3A_939 = arith.constant 0 : i32
      %dma_start3A_940 = arith.constant 0 : i32
      %dma_start3A_941 = tpu.memref_slice %arg12[%dma_start3A_938, %dma_start3A_939, %dma_start3A_940] : memref<5x32x128xf32, #tpu.memory_space<vmem>> -> memref<1x32x128xf32, #tpu.memory_space<vmem>>
      %dma_start3A_942 = tpu.memref_squeeze %dma_start3A_941 : memref<1x32x128xf32, #tpu.memory_space<vmem>> -> memref<32x128xf32, #tpu.memory_space<vmem>>
      %dma_start3A_943 = arith.constant 0 : i32
      %dma_start3A_944 = tpu.memref_slice %arg10[%dma_start3A_937, %dma_start3A_943] : memref<20x32xi32, #tpu.memory_space<vmem>> -> memref<1x32xi32, #tpu.memory_space<vmem>>
      %dma_start3A_945 = tpu.memref_squeeze %dma_start3A_944 : memref<1x32xi32, #tpu.memory_space<vmem>> -> memref<32xi32, #tpu.memory_space<vmem>>
      %dma_start3A_946 = arith.constant 0 : i32
      %dma_start3A_947 = arith.constant 0 : i32
      %dma_start3A_948 = tpu.memref_slice %arg5[%dma_start3A_946, %dma_start3A_947] : memref<100000x128xf32, #tpu.memory_space<hbm>> -> memref<100000x128xf32, #tpu.memory_space<hbm>>
      tpu.enqueue_indirect_dma source(%dma_start3A_948 : memref<100000x128xf32, #tpu.memory_space<hbm>>) target(%dma_start3A_942 : memref<32x128xf32, #tpu.memory_space<vmem>>) offsets(%dma_start3A_945 : memref<32xi32, #tpu.memory_space<vmem>>) semaphore(%arg16 : memref<!tpu.dma_semaphore, #tpu.memory_space<semaphore_mem>>)
      %dma_start3A_949 = arith.constant 17 : i32
      %dma_start3A_950 = arith.constant 2 : i32
      %dma_start3A_951 = arith.constant 0 : i32
      %dma_start3A_952 = arith.constant 0 : i32
      %dma_start3A_953 = tpu.memref_slice %arg12[%dma_start3A_950, %dma_start3A_951, %dma_start3A_952] : memref<5x32x128xf32, #tpu.memory_space<vmem>> -> memref<1x32x128xf32, #tpu.memory_space<vmem>>
      %dma_start3A_954 = tpu.memref_squeeze %dma_start3A_953 : memref<1x32x128xf32, #tpu.memory_space<vmem>> -> memref<32x128xf32, #tpu.memory_space<vmem>>
      %dma_start3A_955 = arith.constant 0 : i32
      %dma_start3A_956 = tpu.memref_slice %arg10[%dma_start3A_949, %dma_start3A_955] : memref<20x32xi32, #tpu.memory_space<vmem>> -> memref<1x32xi32, #tpu.memory_space<vmem>>
      %dma_start3A_957 = tpu.memref_squeeze %dma_start3A_956 : memref<1x32xi32, #tpu.memory_space<vmem>> -> memref<32xi32, #tpu.memory_space<vmem>>
      %dma_start3A_958 = arith.constant 0 : i32
      %dma_start3A_959 = arith.constant 0 : i32
      %dma_start3A_960 = tpu.memref_slice %arg5[%dma_start3A_958, %dma_start3A_959] : memref<100000x128xf32, #tpu.memory_space<hbm>> -> memref<100000x128xf32, #tpu.memory_space<hbm>>
      tpu.enqueue_indirect_dma source(%dma_start3A_960 : memref<100000x128xf32, #tpu.memory_space<hbm>>) target(%dma_start3A_954 : memref<32x128xf32, #tpu.memory_space<vmem>>) offsets(%dma_start3A_957 : memref<32xi32, #tpu.memory_space<vmem>>) semaphore(%arg16 : memref<!tpu.dma_semaphore, #tpu.memory_space<semaphore_mem>>)
      %dma_start3A_961 = arith.constant 18 : i32
      %dma_start3A_962 = arith.constant 3 : i32
      %dma_start3A_963 = arith.constant 0 : i32
      %dma_start3A_964 = arith.constant 0 : i32
      %dma_start3A_965 = tpu.memref_slice %arg12[%dma_start3A_962, %dma_start3A_963, %dma_start3A_964] : memref<5x32x128xf32, #tpu.memory_space<vmem>> -> memref<1x32x128xf32, #tpu.memory_space<vmem>>
      %dma_start3A_966 = tpu.memref_squeeze %dma_start3A_965 : memref<1x32x128xf32, #tpu.memory_space<vmem>> -> memref<32x128xf32, #tpu.memory_space<vmem>>
      %dma_start3A_967 = arith.constant 0 : i32
      %dma_start3A_968 = tpu.memref_slice %arg10[%dma_start3A_961, %dma_start3A_967] : memref<20x32xi32, #tpu.memory_space<vmem>> -> memref<1x32xi32, #tpu.memory_space<vmem>>
      %dma_start3A_969 = tpu.memref_squeeze %dma_start3A_968 : memref<1x32xi32, #tpu.memory_space<vmem>> -> memref<32xi32, #tpu.memory_space<vmem>>
      %dma_start3A_970 = arith.constant 0 : i32
      %dma_start3A_971 = arith.constant 0 : i32
      %dma_start3A_972 = tpu.memref_slice %arg5[%dma_start3A_970, %dma_start3A_971] : memref<100000x128xf32, #tpu.memory_space<hbm>> -> memref<100000x128xf32, #tpu.memory_space<hbm>>
      tpu.enqueue_indirect_dma source(%dma_start3A_972 : memref<100000x128xf32, #tpu.memory_space<hbm>>) target(%dma_start3A_966 : memref<32x128xf32, #tpu.memory_space<vmem>>) offsets(%dma_start3A_969 : memref<32xi32, #tpu.memory_space<vmem>>) semaphore(%arg16 : memref<!tpu.dma_semaphore, #tpu.memory_space<semaphore_mem>>)
      %dma_start3A_973 = arith.constant 19 : i32
      %dma_start3A_974 = arith.constant 4 : i32
      %dma_start3A_975 = arith.constant 0 : i32
      %dma_start3A_976 = arith.constant 0 : i32
      %dma_start3A_977 = tpu.memref_slice %arg12[%dma_start3A_974, %dma_start3A_975, %dma_start3A_976] : memref<5x32x128xf32, #tpu.memory_space<vmem>> -> memref<1x32x128xf32, #tpu.memory_space<vmem>>
      %dma_start3A_978 = tpu.memref_squeeze %dma_start3A_977 : memref<1x32x128xf32, #tpu.memory_space<vmem>> -> memref<32x128xf32, #tpu.memory_space<vmem>>
      %dma_start3A_979 = arith.constant 0 : i32
      %dma_start3A_980 = tpu.memref_slice %arg10[%dma_start3A_973, %dma_start3A_979] : memref<20x32xi32, #tpu.memory_space<vmem>> -> memref<1x32xi32, #tpu.memory_space<vmem>>
      %dma_start3A_981 = tpu.memref_squeeze %dma_start3A_980 : memref<1x32xi32, #tpu.memory_space<vmem>> -> memref<32xi32, #tpu.memory_space<vmem>>
      %dma_start3A_982 = arith.constant 0 : i32
      %dma_start3A_983 = arith.constant 0 : i32
      %dma_start3A_984 = tpu.memref_slice %arg5[%dma_start3A_982, %dma_start3A_983] : memref<100000x128xf32, #tpu.memory_space<hbm>> -> memref<100000x128xf32, #tpu.memory_space<hbm>>
      tpu.enqueue_indirect_dma source(%dma_start3A_984 : memref<100000x128xf32, #tpu.memory_space<hbm>>) target(%dma_start3A_978 : memref<32x128xf32, #tpu.memory_space<vmem>>) offsets(%dma_start3A_981 : memref<32xi32, #tpu.memory_space<vmem>>) semaphore(%arg16 : memref<!tpu.dma_semaphore, #tpu.memory_space<semaphore_mem>>)
      %dma_wait3A = arith.constant 0 : i32
      %dma_wait3A_985 = arith.constant 0 : i32
      %dma_wait3A_986 = tpu.memref_slice %arg5[%dma_wait3A, %dma_wait3A_985] : memref<100000x128xf32, #tpu.memory_space<hbm>> -> memref<100000x128xf32, #tpu.memory_space<hbm>>
      tpu.wait_indirect_dma semaphore(%arg16 : memref<!tpu.dma_semaphore, #tpu.memory_space<semaphore_mem>>) src(%dma_wait3A_986 : memref<100000x128xf32, #tpu.memory_space<hbm>>) dst(%arg11 : memref<32x128xf32, #tpu.memory_space<vmem>>)
      %dma_wait3A_987 = arith.constant 0 : i32
      %dma_wait3A_988 = arith.constant 0 : i32
      %dma_wait3A_989 = arith.constant 0 : i32
      %dma_wait3A_990 = arith.constant 0 : i32
      %dma_wait3A_991 = tpu.memref_slice %arg13[%dma_wait3A_988, %dma_wait3A_989, %dma_wait3A_990] : memref<3x32x128xf32, #tpu.memory_space<vmem>> -> memref<1x32x128xf32, #tpu.memory_space<vmem>>
      %dma_wait3A_992 = tpu.memref_squeeze %dma_wait3A_991 : memref<1x32x128xf32, #tpu.memory_space<vmem>> -> memref<32x128xf32, #tpu.memory_space<vmem>>
      %dma_wait3A_993 = arith.constant 0 : i32
      %dma_wait3A_994 = tpu.memref_slice %arg9[%dma_wait3A_987, %dma_wait3A_993] : memref<3x32xi32, #tpu.memory_space<vmem>> -> memref<1x32xi32, #tpu.memory_space<vmem>>
      %dma_wait3A_995 = tpu.memref_squeeze %dma_wait3A_994 : memref<1x32xi32, #tpu.memory_space<vmem>> -> memref<32xi32, #tpu.memory_space<vmem>>
      %dma_wait3A_996 = arith.constant 0 : i32
      %dma_wait3A_997 = arith.constant 0 : i32
      %dma_wait3A_998 = tpu.memref_slice %arg4[%dma_wait3A_996, %dma_wait3A_997] : memref<1048576x128xf32, #tpu.memory_space<hbm>> -> memref<1048576x128xf32, #tpu.memory_space<hbm>>
      tpu.wait_indirect_dma semaphore(%arg16 : memref<!tpu.dma_semaphore, #tpu.memory_space<semaphore_mem>>) src(%dma_wait3A_998 : memref<1048576x128xf32, #tpu.memory_space<hbm>>) dst(%dma_wait3A_992 : memref<32x128xf32, #tpu.memory_space<vmem>>)
      %dma_wait3A_999 = arith.constant 1 : i32
      %dma_wait3A_1000 = arith.constant 1 : i32
      %dma_wait3A_1001 = arith.constant 0 : i32
      %dma_wait3A_1002 = arith.constant 0 : i32
      %dma_wait3A_1003 = tpu.memref_slice %arg13[%dma_wait3A_1000, %dma_wait3A_1001, %dma_wait3A_1002] : memref<3x32x128xf32, #tpu.memory_space<vmem>> -> memref<1x32x128xf32, #tpu.memory_space<vmem>>
      %dma_wait3A_1004 = tpu.memref_squeeze %dma_wait3A_1003 : memref<1x32x128xf32, #tpu.memory_space<vmem>> -> memref<32x128xf32, #tpu.memory_space<vmem>>
      %dma_wait3A_1005 = arith.constant 0 : i32
      %dma_wait3A_1006 = tpu.memref_slice %arg9[%dma_wait3A_999, %dma_wait3A_1005] : memref<3x32xi32, #tpu.memory_space<vmem>> -> memref<1x32xi32, #tpu.memory_space<vmem>>
      %dma_wait3A_1007 = tpu.memref_squeeze %dma_wait3A_1006 : memref<1x32xi32, #tpu.memory_space<vmem>> -> memref<32xi32, #tpu.memory_space<vmem>>
      %dma_wait3A_1008 = arith.constant 0 : i32
      %dma_wait3A_1009 = arith.constant 0 : i32
      %dma_wait3A_1010 = tpu.memref_slice %arg4[%dma_wait3A_1008, %dma_wait3A_1009] : memref<1048576x128xf32, #tpu.memory_space<hbm>> -> memref<1048576x128xf32, #tpu.memory_space<hbm>>
      tpu.wait_indirect_dma semaphore(%arg16 : memref<!tpu.dma_semaphore, #tpu.memory_space<semaphore_mem>>) src(%dma_wait3A_1010 : memref<1048576x128xf32, #tpu.memory_space<hbm>>) dst(%dma_wait3A_1004 : memref<32x128xf32, #tpu.memory_space<vmem>>)
      %dma_wait3A_1011 = arith.constant 2 : i32
      %dma_wait3A_1012 = arith.constant 2 : i32
      %dma_wait3A_1013 = arith.constant 0 : i32
      %dma_wait3A_1014 = arith.constant 0 : i32
      %dma_wait3A_1015 = tpu.memref_slice %arg13[%dma_wait3A_1012, %dma_wait3A_1013, %dma_wait3A_1014] : memref<3x32x128xf32, #tpu.memory_space<vmem>> -> memref<1x32x128xf32, #tpu.memory_space<vmem>>
      %dma_wait3A_1016 = tpu.memref_squeeze %dma_wait3A_1015 : memref<1x32x128xf32, #tpu.memory_space<vmem>> -> memref<32x128xf32, #tpu.memory_space<vmem>>
      %dma_wait3A_1017 = arith.constant 0 : i32
      %dma_wait3A_1018 = tpu.memref_slice %arg9[%dma_wait3A_1011, %dma_wait3A_1017] : memref<3x32xi32, #tpu.memory_space<vmem>> -> memref<1x32xi32, #tpu.memory_space<vmem>>
      %dma_wait3A_1019 = tpu.memref_squeeze %dma_wait3A_1018 : memref<1x32xi32, #tpu.memory_space<vmem>> -> memref<32xi32, #tpu.memory_space<vmem>>
      %dma_wait3A_1020 = arith.constant 0 : i32
      %dma_wait3A_1021 = arith.constant 0 : i32
      %dma_wait3A_1022 = tpu.memref_slice %arg4[%dma_wait3A_1020, %dma_wait3A_1021] : memref<1048576x128xf32, #tpu.memory_space<hbm>> -> memref<1048576x128xf32, #tpu.memory_space<hbm>>
      tpu.wait_indirect_dma semaphore(%arg16 : memref<!tpu.dma_semaphore, #tpu.memory_space<semaphore_mem>>) src(%dma_wait3A_1022 : memref<1048576x128xf32, #tpu.memory_space<hbm>>) dst(%dma_wait3A_1016 : memref<32x128xf32, #tpu.memory_space<vmem>>)
      %dma_wait3A_1023 = arith.constant 0 : i32
      %dma_wait3A_1024 = arith.constant 0 : i32
      %dma_wait3A_1025 = arith.constant 0 : i32
      %dma_wait3A_1026 = arith.constant 0 : i32
      %dma_wait3A_1027 = tpu.memref_slice %arg14[%dma_wait3A_1024, %dma_wait3A_1025, %dma_wait3A_1026] : memref<15x32x128xf32, #tpu.memory_space<vmem>> -> memref<1x32x128xf32, #tpu.memory_space<vmem>>
      %dma_wait3A_1028 = tpu.memref_squeeze %dma_wait3A_1027 : memref<1x32x128xf32, #tpu.memory_space<vmem>> -> memref<32x128xf32, #tpu.memory_space<vmem>>
      %dma_wait3A_1029 = arith.constant 0 : i32
      %dma_wait3A_1030 = tpu.memref_slice %arg10[%dma_wait3A_1023, %dma_wait3A_1029] : memref<20x32xi32, #tpu.memory_space<vmem>> -> memref<1x32xi32, #tpu.memory_space<vmem>>
      %dma_wait3A_1031 = tpu.memref_squeeze %dma_wait3A_1030 : memref<1x32xi32, #tpu.memory_space<vmem>> -> memref<32xi32, #tpu.memory_space<vmem>>
      %dma_wait3A_1032 = arith.constant 0 : i32
      %dma_wait3A_1033 = arith.constant 0 : i32
      %dma_wait3A_1034 = tpu.memref_slice %arg4[%dma_wait3A_1032, %dma_wait3A_1033] : memref<1048576x128xf32, #tpu.memory_space<hbm>> -> memref<1048576x128xf32, #tpu.memory_space<hbm>>
      tpu.wait_indirect_dma semaphore(%arg16 : memref<!tpu.dma_semaphore, #tpu.memory_space<semaphore_mem>>) src(%dma_wait3A_1034 : memref<1048576x128xf32, #tpu.memory_space<hbm>>) dst(%dma_wait3A_1028 : memref<32x128xf32, #tpu.memory_space<vmem>>)
      %dma_wait3A_1035 = arith.constant 1 : i32
      %dma_wait3A_1036 = arith.constant 1 : i32
      %dma_wait3A_1037 = arith.constant 0 : i32
      %dma_wait3A_1038 = arith.constant 0 : i32
      %dma_wait3A_1039 = tpu.memref_slice %arg14[%dma_wait3A_1036, %dma_wait3A_1037, %dma_wait3A_1038] : memref<15x32x128xf32, #tpu.memory_space<vmem>> -> memref<1x32x128xf32, #tpu.memory_space<vmem>>
      %dma_wait3A_1040 = tpu.memref_squeeze %dma_wait3A_1039 : memref<1x32x128xf32, #tpu.memory_space<vmem>> -> memref<32x128xf32, #tpu.memory_space<vmem>>
      %dma_wait3A_1041 = arith.constant 0 : i32
      %dma_wait3A_1042 = tpu.memref_slice %arg10[%dma_wait3A_1035, %dma_wait3A_1041] : memref<20x32xi32, #tpu.memory_space<vmem>> -> memref<1x32xi32, #tpu.memory_space<vmem>>
      %dma_wait3A_1043 = tpu.memref_squeeze %dma_wait3A_1042 : memref<1x32xi32, #tpu.memory_space<vmem>> -> memref<32xi32, #tpu.memory_space<vmem>>
      %dma_wait3A_1044 = arith.constant 0 : i32
      %dma_wait3A_1045 = arith.constant 0 : i32
      %dma_wait3A_1046 = tpu.memref_slice %arg4[%dma_wait3A_1044, %dma_wait3A_1045] : memref<1048576x128xf32, #tpu.memory_space<hbm>> -> memref<1048576x128xf32, #tpu.memory_space<hbm>>
      tpu.wait_indirect_dma semaphore(%arg16 : memref<!tpu.dma_semaphore, #tpu.memory_space<semaphore_mem>>) src(%dma_wait3A_1046 : memref<1048576x128xf32, #tpu.memory_space<hbm>>) dst(%dma_wait3A_1040 : memref<32x128xf32, #tpu.memory_space<vmem>>)
      %dma_wait3A_1047 = arith.constant 2 : i32
      %dma_wait3A_1048 = arith.constant 2 : i32
      %dma_wait3A_1049 = arith.constant 0 : i32
      %dma_wait3A_1050 = arith.constant 0 : i32
      %dma_wait3A_1051 = tpu.memref_slice %arg14[%dma_wait3A_1048, %dma_wait3A_1049, %dma_wait3A_1050] : memref<15x32x128xf32, #tpu.memory_space<vmem>> -> memref<1x32x128xf32, #tpu.memory_space<vmem>>
      %dma_wait3A_1052 = tpu.memref_squeeze %dma_wait3A_1051 : memref<1x32x128xf32, #tpu.memory_space<vmem>> -> memref<32x128xf32, #tpu.memory_space<vmem>>
      %dma_wait3A_1053 = arith.constant 0 : i32
      %dma_wait3A_1054 = tpu.memref_slice %arg10[%dma_wait3A_1047, %dma_wait3A_1053] : memref<20x32xi32, #tpu.memory_space<vmem>> -> memref<1x32xi32, #tpu.memory_space<vmem>>
      %dma_wait3A_1055 = tpu.memref_squeeze %dma_wait3A_1054 : memref<1x32xi32, #tpu.memory_space<vmem>> -> memref<32xi32, #tpu.memory_space<vmem>>
      %dma_wait3A_1056 = arith.constant 0 : i32
      %dma_wait3A_1057 = arith.constant 0 : i32
      %dma_wait3A_1058 = tpu.memref_slice %arg4[%dma_wait3A_1056, %dma_wait3A_1057] : memref<1048576x128xf32, #tpu.memory_space<hbm>> -> memref<1048576x128xf32, #tpu.memory_space<hbm>>
      tpu.wait_indirect_dma semaphore(%arg16 : memref<!tpu.dma_semaphore, #tpu.memory_space<semaphore_mem>>) src(%dma_wait3A_1058 : memref<1048576x128xf32, #tpu.memory_space<hbm>>) dst(%dma_wait3A_1052 : memref<32x128xf32, #tpu.memory_space<vmem>>)
      %dma_wait3A_1059 = arith.constant 3 : i32
      %dma_wait3A_1060 = arith.constant 3 : i32
      %dma_wait3A_1061 = arith.constant 0 : i32
      %dma_wait3A_1062 = arith.constant 0 : i32
      %dma_wait3A_1063 = tpu.memref_slice %arg14[%dma_wait3A_1060, %dma_wait3A_1061, %dma_wait3A_1062] : memref<15x32x128xf32, #tpu.memory_space<vmem>> -> memref<1x32x128xf32, #tpu.memory_space<vmem>>
      %dma_wait3A_1064 = tpu.memref_squeeze %dma_wait3A_1063 : memref<1x32x128xf32, #tpu.memory_space<vmem>> -> memref<32x128xf32, #tpu.memory_space<vmem>>
      %dma_wait3A_1065 = arith.constant 0 : i32
      %dma_wait3A_1066 = tpu.memref_slice %arg10[%dma_wait3A_1059, %dma_wait3A_1065] : memref<20x32xi32, #tpu.memory_space<vmem>> -> memref<1x32xi32, #tpu.memory_space<vmem>>
      %dma_wait3A_1067 = tpu.memref_squeeze %dma_wait3A_1066 : memref<1x32xi32, #tpu.memory_space<vmem>> -> memref<32xi32, #tpu.memory_space<vmem>>
      %dma_wait3A_1068 = arith.constant 0 : i32
      %dma_wait3A_1069 = arith.constant 0 : i32
      %dma_wait3A_1070 = tpu.memref_slice %arg4[%dma_wait3A_1068, %dma_wait3A_1069] : memref<1048576x128xf32, #tpu.memory_space<hbm>> -> memref<1048576x128xf32, #tpu.memory_space<hbm>>
      tpu.wait_indirect_dma semaphore(%arg16 : memref<!tpu.dma_semaphore, #tpu.memory_space<semaphore_mem>>) src(%dma_wait3A_1070 : memref<1048576x128xf32, #tpu.memory_space<hbm>>) dst(%dma_wait3A_1064 : memref<32x128xf32, #tpu.memory_space<vmem>>)
      %dma_wait3A_1071 = arith.constant 4 : i32
      %dma_wait3A_1072 = arith.constant 4 : i32
      %dma_wait3A_1073 = arith.constant 0 : i32
      %dma_wait3A_1074 = arith.constant 0 : i32
      %dma_wait3A_1075 = tpu.memref_slice %arg14[%dma_wait3A_1072, %dma_wait3A_1073, %dma_wait3A_1074] : memref<15x32x128xf32, #tpu.memory_space<vmem>> -> memref<1x32x128xf32, #tpu.memory_space<vmem>>
      %dma_wait3A_1076 = tpu.memref_squeeze %dma_wait3A_1075 : memref<1x32x128xf32, #tpu.memory_space<vmem>> -> memref<32x128xf32, #tpu.memory_space<vmem>>
      %dma_wait3A_1077 = arith.constant 0 : i32
      %dma_wait3A_1078 = tpu.memref_slice %arg10[%dma_wait3A_1071, %dma_wait3A_1077] : memref<20x32xi32, #tpu.memory_space<vmem>> -> memref<1x32xi32, #tpu.memory_space<vmem>>
      %dma_wait3A_1079 = tpu.memref_squeeze %dma_wait3A_1078 : memref<1x32xi32, #tpu.memory_space<vmem>> -> memref<32xi32, #tpu.memory_space<vmem>>
      %dma_wait3A_1080 = arith.constant 0 : i32
      %dma_wait3A_1081 = arith.constant 0 : i32
      %dma_wait3A_1082 = tpu.memref_slice %arg4[%dma_wait3A_1080, %dma_wait3A_1081] : memref<1048576x128xf32, #tpu.memory_space<hbm>> -> memref<1048576x128xf32, #tpu.memory_space<hbm>>
      tpu.wait_indirect_dma semaphore(%arg16 : memref<!tpu.dma_semaphore, #tpu.memory_space<semaphore_mem>>) src(%dma_wait3A_1082 : memref<1048576x128xf32, #tpu.memory_space<hbm>>) dst(%dma_wait3A_1076 : memref<32x128xf32, #tpu.memory_space<vmem>>)
      %dma_wait3A_1083 = arith.constant 5 : i32
      %dma_wait3A_1084 = arith.constant 5 : i32
      %dma_wait3A_1085 = arith.constant 0 : i32
      %dma_wait3A_1086 = arith.constant 0 : i32
      %dma_wait3A_1087 = tpu.memref_slice %arg14[%dma_wait3A_1084, %dma_wait3A_1085, %dma_wait3A_1086] : memref<15x32x128xf32, #tpu.memory_space<vmem>> -> memref<1x32x128xf32, #tpu.memory_space<vmem>>
      %dma_wait3A_1088 = tpu.memref_squeeze %dma_wait3A_1087 : memref<1x32x128xf32, #tpu.memory_space<vmem>> -> memref<32x128xf32, #tpu.memory_space<vmem>>
      %dma_wait3A_1089 = arith.constant 0 : i32
      %dma_wait3A_1090 = tpu.memref_slice %arg10[%dma_wait3A_1083, %dma_wait3A_1089] : memref<20x32xi32, #tpu.memory_space<vmem>> -> memref<1x32xi32, #tpu.memory_space<vmem>>
      %dma_wait3A_1091 = tpu.memref_squeeze %dma_wait3A_1090 : memref<1x32xi32, #tpu.memory_space<vmem>> -> memref<32xi32, #tpu.memory_space<vmem>>
      %dma_wait3A_1092 = arith.constant 0 : i32
      %dma_wait3A_1093 = arith.constant 0 : i32
      %dma_wait3A_1094 = tpu.memref_slice %arg4[%dma_wait3A_1092, %dma_wait3A_1093] : memref<1048576x128xf32, #tpu.memory_space<hbm>> -> memref<1048576x128xf32, #tpu.memory_space<hbm>>
      tpu.wait_indirect_dma semaphore(%arg16 : memref<!tpu.dma_semaphore, #tpu.memory_space<semaphore_mem>>) src(%dma_wait3A_1094 : memref<1048576x128xf32, #tpu.memory_space<hbm>>) dst(%dma_wait3A_1088 : memref<32x128xf32, #tpu.memory_space<vmem>>)
      %dma_wait3A_1095 = arith.constant 6 : i32
      %dma_wait3A_1096 = arith.constant 6 : i32
      %dma_wait3A_1097 = arith.constant 0 : i32
      %dma_wait3A_1098 = arith.constant 0 : i32
      %dma_wait3A_1099 = tpu.memref_slice %arg14[%dma_wait3A_1096, %dma_wait3A_1097, %dma_wait3A_1098] : memref<15x32x128xf32, #tpu.memory_space<vmem>> -> memref<1x32x128xf32, #tpu.memory_space<vmem>>
      %dma_wait3A_1100 = tpu.memref_squeeze %dma_wait3A_1099 : memref<1x32x128xf32, #tpu.memory_space<vmem>> -> memref<32x128xf32, #tpu.memory_space<vmem>>
      %dma_wait3A_1101 = arith.constant 0 : i32
      %dma_wait3A_1102 = tpu.memref_slice %arg10[%dma_wait3A_1095, %dma_wait3A_1101] : memref<20x32xi32, #tpu.memory_space<vmem>> -> memref<1x32xi32, #tpu.memory_space<vmem>>
      %dma_wait3A_1103 = tpu.memref_squeeze %dma_wait3A_1102 : memref<1x32xi32, #tpu.memory_space<vmem>> -> memref<32xi32, #tpu.memory_space<vmem>>
      %dma_wait3A_1104 = arith.constant 0 : i32
      %dma_wait3A_1105 = arith.constant 0 : i32
      %dma_wait3A_1106 = tpu.memref_slice %arg4[%dma_wait3A_1104, %dma_wait3A_1105] : memref<1048576x128xf32, #tpu.memory_space<hbm>> -> memref<1048576x128xf32, #tpu.memory_space<hbm>>
      tpu.wait_indirect_dma semaphore(%arg16 : memref<!tpu.dma_semaphore, #tpu.memory_space<semaphore_mem>>) src(%dma_wait3A_1106 : memref<1048576x128xf32, #tpu.memory_space<hbm>>) dst(%dma_wait3A_1100 : memref<32x128xf32, #tpu.memory_space<vmem>>)
      %dma_wait3A_1107 = arith.constant 7 : i32
      %dma_wait3A_1108 = arith.constant 7 : i32
      %dma_wait3A_1109 = arith.constant 0 : i32
      %dma_wait3A_1110 = arith.constant 0 : i32
      %dma_wait3A_1111 = tpu.memref_slice %arg14[%dma_wait3A_1108, %dma_wait3A_1109, %dma_wait3A_1110] : memref<15x32x128xf32, #tpu.memory_space<vmem>> -> memref<1x32x128xf32, #tpu.memory_space<vmem>>
      %dma_wait3A_1112 = tpu.memref_squeeze %dma_wait3A_1111 : memref<1x32x128xf32, #tpu.memory_space<vmem>> -> memref<32x128xf32, #tpu.memory_space<vmem>>
      %dma_wait3A_1113 = arith.constant 0 : i32
      %dma_wait3A_1114 = tpu.memref_slice %arg10[%dma_wait3A_1107, %dma_wait3A_1113] : memref<20x32xi32, #tpu.memory_space<vmem>> -> memref<1x32xi32, #tpu.memory_space<vmem>>
      %dma_wait3A_1115 = tpu.memref_squeeze %dma_wait3A_1114 : memref<1x32xi32, #tpu.memory_space<vmem>> -> memref<32xi32, #tpu.memory_space<vmem>>
      %dma_wait3A_1116 = arith.constant 0 : i32
      %dma_wait3A_1117 = arith.constant 0 : i32
      %dma_wait3A_1118 = tpu.memref_slice %arg4[%dma_wait3A_1116, %dma_wait3A_1117] : memref<1048576x128xf32, #tpu.memory_space<hbm>> -> memref<1048576x128xf32, #tpu.memory_space<hbm>>
      tpu.wait_indirect_dma semaphore(%arg16 : memref<!tpu.dma_semaphore, #tpu.memory_space<semaphore_mem>>) src(%dma_wait3A_1118 : memref<1048576x128xf32, #tpu.memory_space<hbm>>) dst(%dma_wait3A_1112 : memref<32x128xf32, #tpu.memory_space<vmem>>)
      %dma_wait3A_1119 = arith.constant 8 : i32
      %dma_wait3A_1120 = arith.constant 8 : i32
      %dma_wait3A_1121 = arith.constant 0 : i32
      %dma_wait3A_1122 = arith.constant 0 : i32
      %dma_wait3A_1123 = tpu.memref_slice %arg14[%dma_wait3A_1120, %dma_wait3A_1121, %dma_wait3A_1122] : memref<15x32x128xf32, #tpu.memory_space<vmem>> -> memref<1x32x128xf32, #tpu.memory_space<vmem>>
      %dma_wait3A_1124 = tpu.memref_squeeze %dma_wait3A_1123 : memref<1x32x128xf32, #tpu.memory_space<vmem>> -> memref<32x128xf32, #tpu.memory_space<vmem>>
      %dma_wait3A_1125 = arith.constant 0 : i32
      %dma_wait3A_1126 = tpu.memref_slice %arg10[%dma_wait3A_1119, %dma_wait3A_1125] : memref<20x32xi32, #tpu.memory_space<vmem>> -> memref<1x32xi32, #tpu.memory_space<vmem>>
      %dma_wait3A_1127 = tpu.memref_squeeze %dma_wait3A_1126 : memref<1x32xi32, #tpu.memory_space<vmem>> -> memref<32xi32, #tpu.memory_space<vmem>>
      %dma_wait3A_1128 = arith.constant 0 : i32
      %dma_wait3A_1129 = arith.constant 0 : i32
      %dma_wait3A_1130 = tpu.memref_slice %arg4[%dma_wait3A_1128, %dma_wait3A_1129] : memref<1048576x128xf32, #tpu.memory_space<hbm>> -> memref<1048576x128xf32, #tpu.memory_space<hbm>>
      tpu.wait_indirect_dma semaphore(%arg16 : memref<!tpu.dma_semaphore, #tpu.memory_space<semaphore_mem>>) src(%dma_wait3A_1130 : memref<1048576x128xf32, #tpu.memory_space<hbm>>) dst(%dma_wait3A_1124 : memref<32x128xf32, #tpu.memory_space<vmem>>)
      %dma_wait3A_1131 = arith.constant 9 : i32
      %dma_wait3A_1132 = arith.constant 9 : i32
      %dma_wait3A_1133 = arith.constant 0 : i32
      %dma_wait3A_1134 = arith.constant 0 : i32
      %dma_wait3A_1135 = tpu.memref_slice %arg14[%dma_wait3A_1132, %dma_wait3A_1133, %dma_wait3A_1134] : memref<15x32x128xf32, #tpu.memory_space<vmem>> -> memref<1x32x128xf32, #tpu.memory_space<vmem>>
      %dma_wait3A_1136 = tpu.memref_squeeze %dma_wait3A_1135 : memref<1x32x128xf32, #tpu.memory_space<vmem>> -> memref<32x128xf32, #tpu.memory_space<vmem>>
      %dma_wait3A_1137 = arith.constant 0 : i32
      %dma_wait3A_1138 = tpu.memref_slice %arg10[%dma_wait3A_1131, %dma_wait3A_1137] : memref<20x32xi32, #tpu.memory_space<vmem>> -> memref<1x32xi32, #tpu.memory_space<vmem>>
      %dma_wait3A_1139 = tpu.memref_squeeze %dma_wait3A_1138 : memref<1x32xi32, #tpu.memory_space<vmem>> -> memref<32xi32, #tpu.memory_space<vmem>>
      %dma_wait3A_1140 = arith.constant 0 : i32
      %dma_wait3A_1141 = arith.constant 0 : i32
      %dma_wait3A_1142 = tpu.memref_slice %arg4[%dma_wait3A_1140, %dma_wait3A_1141] : memref<1048576x128xf32, #tpu.memory_space<hbm>> -> memref<1048576x128xf32, #tpu.memory_space<hbm>>
      tpu.wait_indirect_dma semaphore(%arg16 : memref<!tpu.dma_semaphore, #tpu.memory_space<semaphore_mem>>) src(%dma_wait3A_1142 : memref<1048576x128xf32, #tpu.memory_space<hbm>>) dst(%dma_wait3A_1136 : memref<32x128xf32, #tpu.memory_space<vmem>>)
      %dma_wait3A_1143 = arith.constant 10 : i32
      %dma_wait3A_1144 = arith.constant 10 : i32
      %dma_wait3A_1145 = arith.constant 0 : i32
      %dma_wait3A_1146 = arith.constant 0 : i32
      %dma_wait3A_1147 = tpu.memref_slice %arg14[%dma_wait3A_1144, %dma_wait3A_1145, %dma_wait3A_1146] : memref<15x32x128xf32, #tpu.memory_space<vmem>> -> memref<1x32x128xf32, #tpu.memory_space<vmem>>
      %dma_wait3A_1148 = tpu.memref_squeeze %dma_wait3A_1147 : memref<1x32x128xf32, #tpu.memory_space<vmem>> -> memref<32x128xf32, #tpu.memory_space<vmem>>
      %dma_wait3A_1149 = arith.constant 0 : i32
      %dma_wait3A_1150 = tpu.memref_slice %arg10[%dma_wait3A_1143, %dma_wait3A_1149] : memref<20x32xi32, #tpu.memory_space<vmem>> -> memref<1x32xi32, #tpu.memory_space<vmem>>
      %dma_wait3A_1151 = tpu.memref_squeeze %dma_wait3A_1150 : memref<1x32xi32, #tpu.memory_space<vmem>> -> memref<32xi32, #tpu.memory_space<vmem>>
      %dma_wait3A_1152 = arith.constant 0 : i32
      %dma_wait3A_1153 = arith.constant 0 : i32
      %dma_wait3A_1154 = tpu.memref_slice %arg4[%dma_wait3A_1152, %dma_wait3A_1153] : memref<1048576x128xf32, #tpu.memory_space<hbm>> -> memref<1048576x128xf32, #tpu.memory_space<hbm>>
      tpu.wait_indirect_dma semaphore(%arg16 : memref<!tpu.dma_semaphore, #tpu.memory_space<semaphore_mem>>) src(%dma_wait3A_1154 : memref<1048576x128xf32, #tpu.memory_space<hbm>>) dst(%dma_wait3A_1148 : memref<32x128xf32, #tpu.memory_space<vmem>>)
      %dma_wait3A_1155 = arith.constant 11 : i32
      %dma_wait3A_1156 = arith.constant 11 : i32
      %dma_wait3A_1157 = arith.constant 0 : i32
      %dma_wait3A_1158 = arith.constant 0 : i32
      %dma_wait3A_1159 = tpu.memref_slice %arg14[%dma_wait3A_1156, %dma_wait3A_1157, %dma_wait3A_1158] : memref<15x32x128xf32, #tpu.memory_space<vmem>> -> memref<1x32x128xf32, #tpu.memory_space<vmem>>
      %dma_wait3A_1160 = tpu.memref_squeeze %dma_wait3A_1159 : memref<1x32x128xf32, #tpu.memory_space<vmem>> -> memref<32x128xf32, #tpu.memory_space<vmem>>
      %dma_wait3A_1161 = arith.constant 0 : i32
      %dma_wait3A_1162 = tpu.memref_slice %arg10[%dma_wait3A_1155, %dma_wait3A_1161] : memref<20x32xi32, #tpu.memory_space<vmem>> -> memref<1x32xi32, #tpu.memory_space<vmem>>
      %dma_wait3A_1163 = tpu.memref_squeeze %dma_wait3A_1162 : memref<1x32xi32, #tpu.memory_space<vmem>> -> memref<32xi32, #tpu.memory_space<vmem>>
      %dma_wait3A_1164 = arith.constant 0 : i32
      %dma_wait3A_1165 = arith.constant 0 : i32
      %dma_wait3A_1166 = tpu.memref_slice %arg4[%dma_wait3A_1164, %dma_wait3A_1165] : memref<1048576x128xf32, #tpu.memory_space<hbm>> -> memref<1048576x128xf32, #tpu.memory_space<hbm>>
      tpu.wait_indirect_dma semaphore(%arg16 : memref<!tpu.dma_semaphore, #tpu.memory_space<semaphore_mem>>) src(%dma_wait3A_1166 : memref<1048576x128xf32, #tpu.memory_space<hbm>>) dst(%dma_wait3A_1160 : memref<32x128xf32, #tpu.memory_space<vmem>>)
      %dma_wait3A_1167 = arith.constant 12 : i32
      %dma_wait3A_1168 = arith.constant 12 : i32
      %dma_wait3A_1169 = arith.constant 0 : i32
      %dma_wait3A_1170 = arith.constant 0 : i32
      %dma_wait3A_1171 = tpu.memref_slice %arg14[%dma_wait3A_1168, %dma_wait3A_1169, %dma_wait3A_1170] : memref<15x32x128xf32, #tpu.memory_space<vmem>> -> memref<1x32x128xf32, #tpu.memory_space<vmem>>
      %dma_wait3A_1172 = tpu.memref_squeeze %dma_wait3A_1171 : memref<1x32x128xf32, #tpu.memory_space<vmem>> -> memref<32x128xf32, #tpu.memory_space<vmem>>
      %dma_wait3A_1173 = arith.constant 0 : i32
      %dma_wait3A_1174 = tpu.memref_slice %arg10[%dma_wait3A_1167, %dma_wait3A_1173] : memref<20x32xi32, #tpu.memory_space<vmem>> -> memref<1x32xi32, #tpu.memory_space<vmem>>
      %dma_wait3A_1175 = tpu.memref_squeeze %dma_wait3A_1174 : memref<1x32xi32, #tpu.memory_space<vmem>> -> memref<32xi32, #tpu.memory_space<vmem>>
      %dma_wait3A_1176 = arith.constant 0 : i32
      %dma_wait3A_1177 = arith.constant 0 : i32
      %dma_wait3A_1178 = tpu.memref_slice %arg4[%dma_wait3A_1176, %dma_wait3A_1177] : memref<1048576x128xf32, #tpu.memory_space<hbm>> -> memref<1048576x128xf32, #tpu.memory_space<hbm>>
      tpu.wait_indirect_dma semaphore(%arg16 : memref<!tpu.dma_semaphore, #tpu.memory_space<semaphore_mem>>) src(%dma_wait3A_1178 : memref<1048576x128xf32, #tpu.memory_space<hbm>>) dst(%dma_wait3A_1172 : memref<32x128xf32, #tpu.memory_space<vmem>>)
      %dma_wait3A_1179 = arith.constant 13 : i32
      %dma_wait3A_1180 = arith.constant 13 : i32
      %dma_wait3A_1181 = arith.constant 0 : i32
      %dma_wait3A_1182 = arith.constant 0 : i32
      %dma_wait3A_1183 = tpu.memref_slice %arg14[%dma_wait3A_1180, %dma_wait3A_1181, %dma_wait3A_1182] : memref<15x32x128xf32, #tpu.memory_space<vmem>> -> memref<1x32x128xf32, #tpu.memory_space<vmem>>
      %dma_wait3A_1184 = tpu.memref_squeeze %dma_wait3A_1183 : memref<1x32x128xf32, #tpu.memory_space<vmem>> -> memref<32x128xf32, #tpu.memory_space<vmem>>
      %dma_wait3A_1185 = arith.constant 0 : i32
      %dma_wait3A_1186 = tpu.memref_slice %arg10[%dma_wait3A_1179, %dma_wait3A_1185] : memref<20x32xi32, #tpu.memory_space<vmem>> -> memref<1x32xi32, #tpu.memory_space<vmem>>
      %dma_wait3A_1187 = tpu.memref_squeeze %dma_wait3A_1186 : memref<1x32xi32, #tpu.memory_space<vmem>> -> memref<32xi32, #tpu.memory_space<vmem>>
      %dma_wait3A_1188 = arith.constant 0 : i32
      %dma_wait3A_1189 = arith.constant 0 : i32
      %dma_wait3A_1190 = tpu.memref_slice %arg4[%dma_wait3A_1188, %dma_wait3A_1189] : memref<1048576x128xf32, #tpu.memory_space<hbm>> -> memref<1048576x128xf32, #tpu.memory_space<hbm>>
      tpu.wait_indirect_dma semaphore(%arg16 : memref<!tpu.dma_semaphore, #tpu.memory_space<semaphore_mem>>) src(%dma_wait3A_1190 : memref<1048576x128xf32, #tpu.memory_space<hbm>>) dst(%dma_wait3A_1184 : memref<32x128xf32, #tpu.memory_space<vmem>>)
      %dma_wait3A_1191 = arith.constant 14 : i32
      %dma_wait3A_1192 = arith.constant 14 : i32
      %dma_wait3A_1193 = arith.constant 0 : i32
      %dma_wait3A_1194 = arith.constant 0 : i32
      %dma_wait3A_1195 = tpu.memref_slice %arg14[%dma_wait3A_1192, %dma_wait3A_1193, %dma_wait3A_1194] : memref<15x32x128xf32, #tpu.memory_space<vmem>> -> memref<1x32x128xf32, #tpu.memory_space<vmem>>
      %dma_wait3A_1196 = tpu.memref_squeeze %dma_wait3A_1195 : memref<1x32x128xf32, #tpu.memory_space<vmem>> -> memref<32x128xf32, #tpu.memory_space<vmem>>
      %dma_wait3A_1197 = arith.constant 0 : i32
      %dma_wait3A_1198 = tpu.memref_slice %arg10[%dma_wait3A_1191, %dma_wait3A_1197] : memref<20x32xi32, #tpu.memory_space<vmem>> -> memref<1x32xi32, #tpu.memory_space<vmem>>
      %dma_wait3A_1199 = tpu.memref_squeeze %dma_wait3A_1198 : memref<1x32xi32, #tpu.memory_space<vmem>> -> memref<32xi32, #tpu.memory_space<vmem>>
      %dma_wait3A_1200 = arith.constant 0 : i32
      %dma_wait3A_1201 = arith.constant 0 : i32
      %dma_wait3A_1202 = tpu.memref_slice %arg4[%dma_wait3A_1200, %dma_wait3A_1201] : memref<1048576x128xf32, #tpu.memory_space<hbm>> -> memref<1048576x128xf32, #tpu.memory_space<hbm>>
      tpu.wait_indirect_dma semaphore(%arg16 : memref<!tpu.dma_semaphore, #tpu.memory_space<semaphore_mem>>) src(%dma_wait3A_1202 : memref<1048576x128xf32, #tpu.memory_space<hbm>>) dst(%dma_wait3A_1196 : memref<32x128xf32, #tpu.memory_space<vmem>>)
      %dma_wait3A_1203 = arith.constant 15 : i32
      %dma_wait3A_1204 = arith.constant 0 : i32
      %dma_wait3A_1205 = arith.constant 0 : i32
      %dma_wait3A_1206 = arith.constant 0 : i32
      %dma_wait3A_1207 = tpu.memref_slice %arg12[%dma_wait3A_1204, %dma_wait3A_1205, %dma_wait3A_1206] : memref<5x32x128xf32, #tpu.memory_space<vmem>> -> memref<1x32x128xf32, #tpu.memory_space<vmem>>
      %dma_wait3A_1208 = tpu.memref_squeeze %dma_wait3A_1207 : memref<1x32x128xf32, #tpu.memory_space<vmem>> -> memref<32x128xf32, #tpu.memory_space<vmem>>
      %dma_wait3A_1209 = arith.constant 0 : i32
      %dma_wait3A_1210 = tpu.memref_slice %arg10[%dma_wait3A_1203, %dma_wait3A_1209] : memref<20x32xi32, #tpu.memory_space<vmem>> -> memref<1x32xi32, #tpu.memory_space<vmem>>
      %dma_wait3A_1211 = tpu.memref_squeeze %dma_wait3A_1210 : memref<1x32xi32, #tpu.memory_space<vmem>> -> memref<32xi32, #tpu.memory_space<vmem>>
      %dma_wait3A_1212 = arith.constant 0 : i32
      %dma_wait3A_1213 = arith.constant 0 : i32
      %dma_wait3A_1214 = tpu.memref_slice %arg5[%dma_wait3A_1212, %dma_wait3A_1213] : memref<100000x128xf32, #tpu.memory_space<hbm>> -> memref<100000x128xf32, #tpu.memory_space<hbm>>
      tpu.wait_indirect_dma semaphore(%arg16 : memref<!tpu.dma_semaphore, #tpu.memory_space<semaphore_mem>>) src(%dma_wait3A_1214 : memref<100000x128xf32, #tpu.memory_space<hbm>>) dst(%dma_wait3A_1208 : memref<32x128xf32, #tpu.memory_space<vmem>>)
      %dma_wait3A_1215 = arith.constant 16 : i32
      %dma_wait3A_1216 = arith.constant 1 : i32
      %dma_wait3A_1217 = arith.constant 0 : i32
      %dma_wait3A_1218 = arith.constant 0 : i32
      %dma_wait3A_1219 = tpu.memref_slice %arg12[%dma_wait3A_1216, %dma_wait3A_1217, %dma_wait3A_1218] : memref<5x32x128xf32, #tpu.memory_space<vmem>> -> memref<1x32x128xf32, #tpu.memory_space<vmem>>
      %dma_wait3A_1220 = tpu.memref_squeeze %dma_wait3A_1219 : memref<1x32x128xf32, #tpu.memory_space<vmem>> -> memref<32x128xf32, #tpu.memory_space<vmem>>
      %dma_wait3A_1221 = arith.constant 0 : i32
      %dma_wait3A_1222 = tpu.memref_slice %arg10[%dma_wait3A_1215, %dma_wait3A_1221] : memref<20x32xi32, #tpu.memory_space<vmem>> -> memref<1x32xi32, #tpu.memory_space<vmem>>
      %dma_wait3A_1223 = tpu.memref_squeeze %dma_wait3A_1222 : memref<1x32xi32, #tpu.memory_space<vmem>> -> memref<32xi32, #tpu.memory_space<vmem>>
      %dma_wait3A_1224 = arith.constant 0 : i32
      %dma_wait3A_1225 = arith.constant 0 : i32
      %dma_wait3A_1226 = tpu.memref_slice %arg5[%dma_wait3A_1224, %dma_wait3A_1225] : memref<100000x128xf32, #tpu.memory_space<hbm>> -> memref<100000x128xf32, #tpu.memory_space<hbm>>
      tpu.wait_indirect_dma semaphore(%arg16 : memref<!tpu.dma_semaphore, #tpu.memory_space<semaphore_mem>>) src(%dma_wait3A_1226 : memref<100000x128xf32, #tpu.memory_space<hbm>>) dst(%dma_wait3A_1220 : memref<32x128xf32, #tpu.memory_space<vmem>>)
      %dma_wait3A_1227 = arith.constant 17 : i32
      %dma_wait3A_1228 = arith.constant 2 : i32
      %dma_wait3A_1229 = arith.constant 0 : i32
      %dma_wait3A_1230 = arith.constant 0 : i32
      %dma_wait3A_1231 = tpu.memref_slice %arg12[%dma_wait3A_1228, %dma_wait3A_1229, %dma_wait3A_1230] : memref<5x32x128xf32, #tpu.memory_space<vmem>> -> memref<1x32x128xf32, #tpu.memory_space<vmem>>
      %dma_wait3A_1232 = tpu.memref_squeeze %dma_wait3A_1231 : memref<1x32x128xf32, #tpu.memory_space<vmem>> -> memref<32x128xf32, #tpu.memory_space<vmem>>
      %dma_wait3A_1233 = arith.constant 0 : i32
      %dma_wait3A_1234 = tpu.memref_slice %arg10[%dma_wait3A_1227, %dma_wait3A_1233] : memref<20x32xi32, #tpu.memory_space<vmem>> -> memref<1x32xi32, #tpu.memory_space<vmem>>
      %dma_wait3A_1235 = tpu.memref_squeeze %dma_wait3A_1234 : memref<1x32xi32, #tpu.memory_space<vmem>> -> memref<32xi32, #tpu.memory_space<vmem>>
      %dma_wait3A_1236 = arith.constant 0 : i32
      %dma_wait3A_1237 = arith.constant 0 : i32
      %dma_wait3A_1238 = tpu.memref_slice %arg5[%dma_wait3A_1236, %dma_wait3A_1237] : memref<100000x128xf32, #tpu.memory_space<hbm>> -> memref<100000x128xf32, #tpu.memory_space<hbm>>
      tpu.wait_indirect_dma semaphore(%arg16 : memref<!tpu.dma_semaphore, #tpu.memory_space<semaphore_mem>>) src(%dma_wait3A_1238 : memref<100000x128xf32, #tpu.memory_space<hbm>>) dst(%dma_wait3A_1232 : memref<32x128xf32, #tpu.memory_space<vmem>>)
      %dma_wait3A_1239 = arith.constant 18 : i32
      %dma_wait3A_1240 = arith.constant 3 : i32
      %dma_wait3A_1241 = arith.constant 0 : i32
      %dma_wait3A_1242 = arith.constant 0 : i32
      %dma_wait3A_1243 = tpu.memref_slice %arg12[%dma_wait3A_1240, %dma_wait3A_1241, %dma_wait3A_1242] : memref<5x32x128xf32, #tpu.memory_space<vmem>> -> memref<1x32x128xf32, #tpu.memory_space<vmem>>
      %dma_wait3A_1244 = tpu.memref_squeeze %dma_wait3A_1243 : memref<1x32x128xf32, #tpu.memory_space<vmem>> -> memref<32x128xf32, #tpu.memory_space<vmem>>
      %dma_wait3A_1245 = arith.constant 0 : i32
      %dma_wait3A_1246 = tpu.memref_slice %arg10[%dma_wait3A_1239, %dma_wait3A_1245] : memref<20x32xi32, #tpu.memory_space<vmem>> -> memref<1x32xi32, #tpu.memory_space<vmem>>
      %dma_wait3A_1247 = tpu.memref_squeeze %dma_wait3A_1246 : memref<1x32xi32, #tpu.memory_space<vmem>> -> memref<32xi32, #tpu.memory_space<vmem>>
      %dma_wait3A_1248 = arith.constant 0 : i32
      %dma_wait3A_1249 = arith.constant 0 : i32
      %dma_wait3A_1250 = tpu.memref_slice %arg5[%dma_wait3A_1248, %dma_wait3A_1249] : memref<100000x128xf32, #tpu.memory_space<hbm>> -> memref<100000x128xf32, #tpu.memory_space<hbm>>
      tpu.wait_indirect_dma semaphore(%arg16 : memref<!tpu.dma_semaphore, #tpu.memory_space<semaphore_mem>>) src(%dma_wait3A_1250 : memref<100000x128xf32, #tpu.memory_space<hbm>>) dst(%dma_wait3A_1244 : memref<32x128xf32, #tpu.memory_space<vmem>>)
      %dma_wait3A_1251 = arith.constant 19 : i32
      %dma_wait3A_1252 = arith.constant 4 : i32
      %dma_wait3A_1253 = arith.constant 0 : i32
      %dma_wait3A_1254 = arith.constant 0 : i32
      %dma_wait3A_1255 = tpu.memref_slice %arg12[%dma_wait3A_1252, %dma_wait3A_1253, %dma_wait3A_1254] : memref<5x32x128xf32, #tpu.memory_space<vmem>> -> memref<1x32x128xf32, #tpu.memory_space<vmem>>
      %dma_wait3A_1256 = tpu.memref_squeeze %dma_wait3A_1255 : memref<1x32x128xf32, #tpu.memory_space<vmem>> -> memref<32x128xf32, #tpu.memory_space<vmem>>
      %dma_wait3A_1257 = arith.constant 0 : i32
      %dma_wait3A_1258 = tpu.memref_slice %arg10[%dma_wait3A_1251, %dma_wait3A_1257] : memref<20x32xi32, #tpu.memory_space<vmem>> -> memref<1x32xi32, #tpu.memory_space<vmem>>
      %dma_wait3A_1259 = tpu.memref_squeeze %dma_wait3A_1258 : memref<1x32xi32, #tpu.memory_space<vmem>> -> memref<32xi32, #tpu.memory_space<vmem>>
      %dma_wait3A_1260 = arith.constant 0 : i32
      %dma_wait3A_1261 = arith.constant 0 : i32
      %dma_wait3A_1262 = tpu.memref_slice %arg5[%dma_wait3A_1260, %dma_wait3A_1261] : memref<100000x128xf32, #tpu.memory_space<hbm>> -> memref<100000x128xf32, #tpu.memory_space<hbm>>
      tpu.wait_indirect_dma semaphore(%arg16 : memref<!tpu.dma_semaphore, #tpu.memory_space<semaphore_mem>>) src(%dma_wait3A_1262 : memref<100000x128xf32, #tpu.memory_space<hbm>>) dst(%dma_wait3A_1256 : memref<32x128xf32, #tpu.memory_space<vmem>>)
      %iota3A_1263 = tpu.iota {dimensions = array<i32: 0>} : vector<16xi32>
      %add3A_1264 = arith.constant 0 : i32
      %add3A_1265 = vector.broadcast %add3A_1264 : i32 to vector<16xi32>
      %add3A_1266 = arith.addi %iota3A_1263, %add3A_1265 : vector<16xi32>
      %broadcast_in_dim3A = arith.constant 0 : i32
      %broadcast_in_dim3A_1267 = vector.broadcast %broadcast_in_dim3A : i32 to vector<16xi32>
      %broadcast_in_dim3A_1268 = arith.constant 1 : i32
      %broadcast_in_dim3A_1269 = vector.broadcast %broadcast_in_dim3A_1268 : i32 to vector<16xi32>
      %broadcast_in_dim3A_1270 = arith.constant 2 : i32
      %broadcast_in_dim3A_1271 = vector.broadcast %broadcast_in_dim3A_1270 : i32 to vector<16xi32>
      %broadcast_in_dim3A_1272 = arith.constant 3 : i32
      %broadcast_in_dim3A_1273 = vector.broadcast %broadcast_in_dim3A_1272 : i32 to vector<16xi32>
      %broadcast_in_dim3A_1274 = arith.constant 4 : i32
      %broadcast_in_dim3A_1275 = vector.broadcast %broadcast_in_dim3A_1274 : i32 to vector<16xi32>
      %broadcast_in_dim3A_1276 = arith.constant 5 : i32
      %broadcast_in_dim3A_1277 = vector.broadcast %broadcast_in_dim3A_1276 : i32 to vector<16xi32>
      %broadcast_in_dim3A_1278 = arith.constant 0 : i32
      %broadcast_in_dim3A_1279 = vector.broadcast %broadcast_in_dim3A_1278 : i32 to vector<16xi32>
      %broadcast_in_dim3A_1280 = arith.constant 1 : i32
      %broadcast_in_dim3A_1281 = vector.broadcast %broadcast_in_dim3A_1280 : i32 to vector<16xi32>
      %broadcast_in_dim3A_1282 = arith.constant 2 : i32
      %broadcast_in_dim3A_1283 = vector.broadcast %broadcast_in_dim3A_1282 : i32 to vector<16xi32>
      %broadcast_in_dim3A_1284 = arith.constant 3 : i32
      %broadcast_in_dim3A_1285 = vector.broadcast %broadcast_in_dim3A_1284 : i32 to vector<16xi32>
      %broadcast_in_dim3A_1286 = arith.constant 4 : i32
      %broadcast_in_dim3A_1287 = vector.broadcast %broadcast_in_dim3A_1286 : i32 to vector<16xi32>
      %broadcast_in_dim3A_1288 = arith.constant 5 : i32
      %broadcast_in_dim3A_1289 = vector.broadcast %broadcast_in_dim3A_1288 : i32 to vector<16xi32>
      %broadcast_in_dim3A_1290 = arith.constant 6 : i32
      %broadcast_in_dim3A_1291 = vector.broadcast %broadcast_in_dim3A_1290 : i32 to vector<16xi32>
      %broadcast_in_dim3A_1292 = arith.constant 7 : i32
      %broadcast_in_dim3A_1293 = vector.broadcast %broadcast_in_dim3A_1292 : i32 to vector<16xi32>
      %broadcast_in_dim3A_1294 = arith.constant 8 : i32
      %broadcast_in_dim3A_1295 = vector.broadcast %broadcast_in_dim3A_1294 : i32 to vector<16xi32>
      %broadcast_in_dim3A_1296 = arith.constant 9 : i32
      %broadcast_in_dim3A_1297 = vector.broadcast %broadcast_in_dim3A_1296 : i32 to vector<16xi32>
      %broadcast_in_dim3A_1298 = arith.constant 10 : i32
      %broadcast_in_dim3A_1299 = vector.broadcast %broadcast_in_dim3A_1298 : i32 to vector<16xi32>
      %broadcast_in_dim3A_1300 = arith.constant 11 : i32
      %broadcast_in_dim3A_1301 = vector.broadcast %broadcast_in_dim3A_1300 : i32 to vector<16xi32>
      %broadcast_in_dim3A_1302 = arith.constant 12 : i32
      %broadcast_in_dim3A_1303 = vector.broadcast %broadcast_in_dim3A_1302 : i32 to vector<16xi32>
      %broadcast_in_dim3A_1304 = arith.constant 13 : i32
      %broadcast_in_dim3A_1305 = vector.broadcast %broadcast_in_dim3A_1304 : i32 to vector<16xi32>
      %broadcast_in_dim3A_1306 = arith.constant 14 : i32
      %broadcast_in_dim3A_1307 = vector.broadcast %broadcast_in_dim3A_1306 : i32 to vector<16xi32>
      %broadcast_in_dim3A_1308 = arith.constant 0 : i32
      %broadcast_in_dim3A_1309 = vector.broadcast %broadcast_in_dim3A_1308 : i32 to vector<16xi32>
      %broadcast_in_dim3A_1310 = arith.constant 1 : i32
      %broadcast_in_dim3A_1311 = vector.broadcast %broadcast_in_dim3A_1310 : i32 to vector<16xi32>
      %broadcast_in_dim3A_1312 = arith.constant 2 : i32
      %broadcast_in_dim3A_1313 = vector.broadcast %broadcast_in_dim3A_1312 : i32 to vector<16xi32>
      %broadcast_in_dim3A_1314 = arith.constant 3 : i32
      %broadcast_in_dim3A_1315 = vector.broadcast %broadcast_in_dim3A_1314 : i32 to vector<16xi32>
      %broadcast_in_dim3A_1316 = arith.constant 4 : i32
      %broadcast_in_dim3A_1317 = vector.broadcast %broadcast_in_dim3A_1316 : i32 to vector<16xi32>
      %gather3A_1318 = tpu.vector_load_idx %arg11[%add3A_1266, %broadcast_in_dim3A_1267] : memref<32x128xf32, #tpu.memory_space<vmem>>[vector<16xi32>, vector<16xi32>], vector<16xf32>,
      %gather3A_1319 = tpu.vector_load_idx %arg11[%add3A_1266, %broadcast_in_dim3A_1269] : memref<32x128xf32, #tpu.memory_space<vmem>>[vector<16xi32>, vector<16xi32>], vector<16xf32>,
      %gather3A_1320 = tpu.vector_load_idx %arg11[%add3A_1266, %broadcast_in_dim3A_1271] : memref<32x128xf32, #tpu.memory_space<vmem>>[vector<16xi32>, vector<16xi32>], vector<16xf32>,
      %gather3A_1321 = tpu.vector_load_idx %arg12[%broadcast_in_dim3A_1309, %add3A_1266, %broadcast_in_dim3A_1273] : memref<5x32x128xf32, #tpu.memory_space<vmem>>[vector<16xi32>, vector<16xi32>, vector<16xi32>], vector<16xf32>,
      %gather3A_1322 = tpu.vector_load_idx %arg12[%broadcast_in_dim3A_1309, %add3A_1266, %broadcast_in_dim3A_1275] : memref<5x32x128xf32, #tpu.memory_space<vmem>>[vector<16xi32>, vector<16xi32>, vector<16xi32>], vector<16xf32>,
      %gather3A_1323 = tpu.vector_load_idx %arg12[%broadcast_in_dim3A_1309, %add3A_1266, %broadcast_in_dim3A_1277] : memref<5x32x128xf32, #tpu.memory_space<vmem>>[vector<16xi32>, vector<16xi32>, vector<16xi32>], vector<16xf32>,
      %gather3A_1324 = tpu.vector_load_idx %arg12[%broadcast_in_dim3A_1311, %add3A_1266, %broadcast_in_dim3A_1273] : memref<5x32x128xf32, #tpu.memory_space<vmem>>[vector<16xi32>, vector<16xi32>, vector<16xi32>], vector<16xf32>,
      %gather3A_1325 = tpu.vector_load_idx %arg12[%broadcast_in_dim3A_1311, %add3A_1266, %broadcast_in_dim3A_1275] : memref<5x32x128xf32, #tpu.memory_space<vmem>>[vector<16xi32>, vector<16xi32>, vector<16xi32>], vector<16xf32>,
      %gather3A_1326 = tpu.vector_load_idx %arg12[%broadcast_in_dim3A_1311, %add3A_1266, %broadcast_in_dim3A_1277] : memref<5x32x128xf32, #tpu.memory_space<vmem>>[vector<16xi32>, vector<16xi32>, vector<16xi32>], vector<16xf32>,
      %gather3A_1327 = tpu.vector_load_idx %arg12[%broadcast_in_dim3A_1313, %add3A_1266, %broadcast_in_dim3A_1273] : memref<5x32x128xf32, #tpu.memory_space<vmem>>[vector<16xi32>, vector<16xi32>, vector<16xi32>], vector<16xf32>,
      %gather3A_1328 = tpu.vector_load_idx %arg12[%broadcast_in_dim3A_1313, %add3A_1266, %broadcast_in_dim3A_1275] : memref<5x32x128xf32, #tpu.memory_space<vmem>>[vector<16xi32>, vector<16xi32>, vector<16xi32>], vector<16xf32>,
      %gather3A_1329 = tpu.vector_load_idx %arg12[%broadcast_in_dim3A_1313, %add3A_1266, %broadcast_in_dim3A_1277] : memref<5x32x128xf32, #tpu.memory_space<vmem>>[vector<16xi32>, vector<16xi32>, vector<16xi32>], vector<16xf32>,
      %gather3A_1330 = tpu.vector_load_idx %arg12[%broadcast_in_dim3A_1315, %add3A_1266, %broadcast_in_dim3A_1273] : memref<5x32x128xf32, #tpu.memory_space<vmem>>[vector<16xi32>, vector<16xi32>, vector<16xi32>], vector<16xf32>,
      %gather3A_1331 = tpu.vector_load_idx %arg12[%broadcast_in_dim3A_1315, %add3A_1266, %broadcast_in_dim3A_1275] : memref<5x32x128xf32, #tpu.memory_space<vmem>>[vector<16xi32>, vector<16xi32>, vector<16xi32>], vector<16xf32>,
      %gather3A_1332 = tpu.vector_load_idx %arg12[%broadcast_in_dim3A_1315, %add3A_1266, %broadcast_in_dim3A_1277] : memref<5x32x128xf32, #tpu.memory_space<vmem>>[vector<16xi32>, vector<16xi32>, vector<16xi32>], vector<16xf32>,
      %gather3A_1333 = tpu.vector_load_idx %arg12[%broadcast_in_dim3A_1317, %add3A_1266, %broadcast_in_dim3A_1273] : memref<5x32x128xf32, #tpu.memory_space<vmem>>[vector<16xi32>, vector<16xi32>, vector<16xi32>], vector<16xf32>,
      %gather3A_1334 = tpu.vector_load_idx %arg12[%broadcast_in_dim3A_1317, %add3A_1266, %broadcast_in_dim3A_1275] : memref<5x32x128xf32, #tpu.memory_space<vmem>>[vector<16xi32>, vector<16xi32>, vector<16xi32>], vector<16xf32>,
      %gather3A_1335 = tpu.vector_load_idx %arg12[%broadcast_in_dim3A_1317, %add3A_1266, %broadcast_in_dim3A_1277] : memref<5x32x128xf32, #tpu.memory_space<vmem>>[vector<16xi32>, vector<16xi32>, vector<16xi32>], vector<16xf32>,
      %broadcast_in_dim3A_1336 = arith.constant 0.000000e+00 : f32
      %broadcast_in_dim3A_1337 = vector.broadcast %broadcast_in_dim3A_1336 : f32 to vector<16xf32>
      %broadcast_in_dim3A_1338 = arith.constant 0.000000e+00 : f32
      %broadcast_in_dim3A_1339 = vector.broadcast %broadcast_in_dim3A_1338 : f32 to vector<16xf32>
      %broadcast_in_dim3A_1340 = arith.constant 0.000000e+00 : f32
      %broadcast_in_dim3A_1341 = vector.broadcast %broadcast_in_dim3A_1340 : f32 to vector<16xf32>
      %broadcast_in_dim3A_1342 = arith.constant 0.000000e+00 : f32
      %broadcast_in_dim3A_1343 = vector.broadcast %broadcast_in_dim3A_1342 : f32 to vector<16xf32>
      %broadcast_in_dim3A_1344 = arith.constant 0.000000e+00 : f32
      %broadcast_in_dim3A_1345 = vector.broadcast %broadcast_in_dim3A_1344 : f32 to vector<16xf32>
      %parallel_loop3A = arith.constant 0 : i32
      %parallel_loop3A_1346 = arith.constant 64 : i32
      %parallel_loop3A_1347 = arith.constant 1 : i32
      %parallel_loop3A_1348:5 = scf.for %parallel_loop3A_1499 = %parallel_loop3A to %parallel_loop3A_1346 step %parallel_loop3A_1347 iter_args(%parallel_loop3A_1500 = %broadcast_in_dim3A_1337, %parallel_loop3A_1501 = %broadcast_in_dim3A_1339, %parallel_loop3A_1502 = %broadcast_in_dim3A_1341, %parallel_loop3A_1503 = %broadcast_in_dim3A_1343, %parallel_loop3A_1504 = %broadcast_in_dim3A_1345) -> (vector<16xf32>, vector<16xf32>, vector<16xf32>, vector<16xf32>, vector<16xf32>)  : i32 {
        %parallel_loop3A_1505 = vector.broadcast %parallel_loop3A_1499 : i32 to vector<16xi32>
        %parallel_loop3A_1506 = arith.constant 64 : i32
        %parallel_loop3A_1507 = arith.addi %parallel_loop3A_1499, %parallel_loop3A_1506 : i32
        %parallel_loop3A_1508 = vector.broadcast %parallel_loop3A_1507 : i32 to vector<16xi32>
        %parallel_loop3A_1509 = tpu.vector_load_idx %arg13[%broadcast_in_dim3A_1267, %add3A_1266, %parallel_loop3A_1505] : memref<3x32x128xf32, #tpu.memory_space<vmem>>[vector<16xi32>, vector<16xi32>, vector<16xi32>], vector<16xf32>,
        %parallel_loop3A_1510 = arith.mulf %gather3A_1318, %parallel_loop3A_1509 : vector<16xf32>
        %parallel_loop3A_1511 = tpu.vector_load_idx %arg13[%broadcast_in_dim3A_1269, %add3A_1266, %parallel_loop3A_1505] : memref<3x32x128xf32, #tpu.memory_space<vmem>>[vector<16xi32>, vector<16xi32>, vector<16xi32>], vector<16xf32>,
        %parallel_loop3A_1512 = arith.mulf %gather3A_1319, %parallel_loop3A_1511 : vector<16xf32>
        %parallel_loop3A_1513 = arith.addf %parallel_loop3A_1510, %parallel_loop3A_1512 : vector<16xf32>
        %parallel_loop3A_1514 = tpu.vector_load_idx %arg13[%broadcast_in_dim3A_1271, %add3A_1266, %parallel_loop3A_1505] : memref<3x32x128xf32, #tpu.memory_space<vmem>>[vector<16xi32>, vector<16xi32>, vector<16xi32>], vector<16xf32>,
        %parallel_loop3A_1515 = arith.mulf %gather3A_1320, %parallel_loop3A_1514 : vector<16xf32>
        %parallel_loop3A_1516 = arith.addf %parallel_loop3A_1513, %parallel_loop3A_1515 : vector<16xf32>
        %parallel_loop3A_1517 = tpu.vector_load_idx %arg14[%broadcast_in_dim3A_1279, %add3A_1266, %parallel_loop3A_1508] : memref<15x32x128xf32, #tpu.memory_space<vmem>>[vector<16xi32>, vector<16xi32>, vector<16xi32>], vector<16xf32>,
        %parallel_loop3A_1518 = arith.mulf %gather3A_1321, %parallel_loop3A_1517 : vector<16xf32>
        %parallel_loop3A_1519 = tpu.vector_load_idx %arg14[%broadcast_in_dim3A_1281, %add3A_1266, %parallel_loop3A_1508] : memref<15x32x128xf32, #tpu.memory_space<vmem>>[vector<16xi32>, vector<16xi32>, vector<16xi32>], vector<16xf32>,
        %parallel_loop3A_1520 = arith.mulf %gather3A_1322, %parallel_loop3A_1519 : vector<16xf32>
        %parallel_loop3A_1521 = arith.addf %parallel_loop3A_1518, %parallel_loop3A_1520 : vector<16xf32>
        %parallel_loop3A_1522 = tpu.vector_load_idx %arg14[%broadcast_in_dim3A_1283, %add3A_1266, %parallel_loop3A_1508] : memref<15x32x128xf32, #tpu.memory_space<vmem>>[vector<16xi32>, vector<16xi32>, vector<16xi32>], vector<16xf32>,
        %parallel_loop3A_1523 = arith.mulf %gather3A_1323, %parallel_loop3A_1522 : vector<16xf32>
        %parallel_loop3A_1524 = arith.addf %parallel_loop3A_1521, %parallel_loop3A_1523 : vector<16xf32>
        %parallel_loop3A_1525 = arith.mulf %parallel_loop3A_1516, %parallel_loop3A_1524 : vector<16xf32>
        %parallel_loop3A_1526 = arith.addf %parallel_loop3A_1500, %parallel_loop3A_1525 : vector<16xf32>
        %parallel_loop3A_1527 = tpu.vector_load_idx %arg14[%broadcast_in_dim3A_1285, %add3A_1266, %parallel_loop3A_1508] : memref<15x32x128xf32, #tpu.memory_space<vmem>>[vector<16xi32>, vector<16xi32>, vector<16xi32>], vector<16xf32>,
        %parallel_loop3A_1528 = arith.mulf %gather3A_1324, %parallel_loop3A_1527 : vector<16xf32>
        %parallel_loop3A_1529 = tpu.vector_load_idx %arg14[%broadcast_in_dim3A_1287, %add3A_1266, %parallel_loop3A_1508] : memref<15x32x128xf32, #tpu.memory_space<vmem>>[vector<16xi32>, vector<16xi32>, vector<16xi32>], vector<16xf32>,
        %parallel_loop3A_1530 = arith.mulf %gather3A_1325, %parallel_loop3A_1529 : vector<16xf32>
        %parallel_loop3A_1531 = arith.addf %parallel_loop3A_1528, %parallel_loop3A_1530 : vector<16xf32>
        %parallel_loop3A_1532 = tpu.vector_load_idx %arg14[%broadcast_in_dim3A_1289, %add3A_1266, %parallel_loop3A_1508] : memref<15x32x128xf32, #tpu.memory_space<vmem>>[vector<16xi32>, vector<16xi32>, vector<16xi32>], vector<16xf32>,
        %parallel_loop3A_1533 = arith.mulf %gather3A_1326, %parallel_loop3A_1532 : vector<16xf32>
        %parallel_loop3A_1534 = arith.addf %parallel_loop3A_1531, %parallel_loop3A_1533 : vector<16xf32>
        %parallel_loop3A_1535 = arith.mulf %parallel_loop3A_1516, %parallel_loop3A_1534 : vector<16xf32>
        %parallel_loop3A_1536 = arith.addf %parallel_loop3A_1501, %parallel_loop3A_1535 : vector<16xf32>
        %parallel_loop3A_1537 = tpu.vector_load_idx %arg14[%broadcast_in_dim3A_1291, %add3A_1266, %parallel_loop3A_1508] : memref<15x32x128xf32, #tpu.memory_space<vmem>>[vector<16xi32>, vector<16xi32>, vector<16xi32>], vector<16xf32>,
        %parallel_loop3A_1538 = arith.mulf %gather3A_1327, %parallel_loop3A_1537 : vector<16xf32>
        %parallel_loop3A_1539 = tpu.vector_load_idx %arg14[%broadcast_in_dim3A_1293, %add3A_1266, %parallel_loop3A_1508] : memref<15x32x128xf32, #tpu.memory_space<vmem>>[vector<16xi32>, vector<16xi32>, vector<16xi32>], vector<16xf32>,
        %parallel_loop3A_1540 = arith.mulf %gather3A_1328, %parallel_loop3A_1539 : vector<16xf32>
        %parallel_loop3A_1541 = arith.addf %parallel_loop3A_1538, %parallel_loop3A_1540 : vector<16xf32>
        %parallel_loop3A_1542 = tpu.vector_load_idx %arg14[%broadcast_in_dim3A_1295, %add3A_1266, %parallel_loop3A_1508] : memref<15x32x128xf32, #tpu.memory_space<vmem>>[vector<16xi32>, vector<16xi32>, vector<16xi32>], vector<16xf32>,
        %parallel_loop3A_1543 = arith.mulf %gather3A_1329, %parallel_loop3A_1542 : vector<16xf32>
        %parallel_loop3A_1544 = arith.addf %parallel_loop3A_1541, %parallel_loop3A_1543 : vector<16xf32>
        %parallel_loop3A_1545 = arith.mulf %parallel_loop3A_1516, %parallel_loop3A_1544 : vector<16xf32>
        %parallel_loop3A_1546 = arith.addf %parallel_loop3A_1502, %parallel_loop3A_1545 : vector<16xf32>
        %parallel_loop3A_1547 = tpu.vector_load_idx %arg14[%broadcast_in_dim3A_1297, %add3A_1266, %parallel_loop3A_1508] : memref<15x32x128xf32, #tpu.memory_space<vmem>>[vector<16xi32>, vector<16xi32>, vector<16xi32>], vector<16xf32>,
        %parallel_loop3A_1548 = arith.mulf %gather3A_1330, %parallel_loop3A_1547 : vector<16xf32>
        %parallel_loop3A_1549 = tpu.vector_load_idx %arg14[%broadcast_in_dim3A_1299, %add3A_1266, %parallel_loop3A_1508] : memref<15x32x128xf32, #tpu.memory_space<vmem>>[vector<16xi32>, vector<16xi32>, vector<16xi32>], vector<16xf32>,
        %parallel_loop3A_1550 = arith.mulf %gather3A_1331, %parallel_loop3A_1549 : vector<16xf32>
        %parallel_loop3A_1551 = arith.addf %parallel_loop3A_1548, %parallel_loop3A_1550 : vector<16xf32>
        %parallel_loop3A_1552 = tpu.vector_load_idx %arg14[%broadcast_in_dim3A_1301, %add3A_1266, %parallel_loop3A_1508] : memref<15x32x128xf32, #tpu.memory_space<vmem>>[vector<16xi32>, vector<16xi32>, vector<16xi32>], vector<16xf32>,
        %parallel_loop3A_1553 = arith.mulf %gather3A_1332, %parallel_loop3A_1552 : vector<16xf32>
        %parallel_loop3A_1554 = arith.addf %parallel_loop3A_1551, %parallel_loop3A_1553 : vector<16xf32>
        %parallel_loop3A_1555 = arith.mulf %parallel_loop3A_1516, %parallel_loop3A_1554 : vector<16xf32>
        %parallel_loop3A_1556 = arith.addf %parallel_loop3A_1503, %parallel_loop3A_1555 : vector<16xf32>
        %parallel_loop3A_1557 = tpu.vector_load_idx %arg14[%broadcast_in_dim3A_1303, %add3A_1266, %parallel_loop3A_1508] : memref<15x32x128xf32, #tpu.memory_space<vmem>>[vector<16xi32>, vector<16xi32>, vector<16xi32>], vector<16xf32>,
        %parallel_loop3A_1558 = arith.mulf %gather3A_1333, %parallel_loop3A_1557 : vector<16xf32>
        %parallel_loop3A_1559 = tpu.vector_load_idx %arg14[%broadcast_in_dim3A_1305, %add3A_1266, %parallel_loop3A_1508] : memref<15x32x128xf32, #tpu.memory_space<vmem>>[vector<16xi32>, vector<16xi32>, vector<16xi32>], vector<16xf32>,
        %parallel_loop3A_1560 = arith.mulf %gather3A_1334, %parallel_loop3A_1559 : vector<16xf32>
        %parallel_loop3A_1561 = arith.addf %parallel_loop3A_1558, %parallel_loop3A_1560 : vector<16xf32>
        %parallel_loop3A_1562 = tpu.vector_load_idx %arg14[%broadcast_in_dim3A_1307, %add3A_1266, %parallel_loop3A_1508] : memref<15x32x128xf32, #tpu.memory_space<vmem>>[vector<16xi32>, vector<16xi32>, vector<16xi32>], vector<16xf32>,
        %parallel_loop3A_1563 = arith.mulf %gather3A_1335, %parallel_loop3A_1562 : vector<16xf32>
        %parallel_loop3A_1564 = arith.addf %parallel_loop3A_1561, %parallel_loop3A_1563 : vector<16xf32>
        %parallel_loop3A_1565 = arith.mulf %parallel_loop3A_1516, %parallel_loop3A_1564 : vector<16xf32>
        %parallel_loop3A_1566 = arith.addf %parallel_loop3A_1504, %parallel_loop3A_1565 : vector<16xf32>
        scf.yield %parallel_loop3A_1526, %parallel_loop3A_1536, %parallel_loop3A_1546, %parallel_loop3A_1556, %parallel_loop3A_1566 : vector<16xf32>, vector<16xf32>, vector<16xf32>, vector<16xf32>, vector<16xf32>
      } {sc.loop_unroll_factor = 4 : i64, sc.parallel_access}
      %mul3A_1349 = arith.constant 5 : i32
      %mul3A_1350 = vector.broadcast %mul3A_1349 : i32 to vector<16xi32>
      %mul3A_1351 = arith.muli %add3A_1266, %mul3A_1350 : vector<16xi32>
      %add3A_1352 = arith.constant 0 : i32
      %add3A_1353 = vector.broadcast %add3A_1352 : i32 to vector<16xi32>
      %add3A_1354 = arith.addi %mul3A_1351, %add3A_1353 : vector<16xi32>
      tpu.vector_store_idx %arg15[%add3A_1354], %parallel_loop3A_1348#0 : memref<160xf32, #tpu.memory_space<vmem>>[vector<16xi32>], vector<16xf32>,
      %mul3A_1355 = arith.constant 5 : i32
      %mul3A_1356 = vector.broadcast %mul3A_1355 : i32 to vector<16xi32>
      %mul3A_1357 = arith.muli %add3A_1266, %mul3A_1356 : vector<16xi32>
      %add3A_1358 = arith.constant 1 : i32
      %add3A_1359 = vector.broadcast %add3A_1358 : i32 to vector<16xi32>
      %add3A_1360 = arith.addi %mul3A_1357, %add3A_1359 : vector<16xi32>
      tpu.vector_store_idx %arg15[%add3A_1360], %parallel_loop3A_1348#1 : memref<160xf32, #tpu.memory_space<vmem>>[vector<16xi32>], vector<16xf32>,
      %mul3A_1361 = arith.constant 5 : i32
      %mul3A_1362 = vector.broadcast %mul3A_1361 : i32 to vector<16xi32>
      %mul3A_1363 = arith.muli %add3A_1266, %mul3A_1362 : vector<16xi32>
      %add3A_1364 = arith.constant 2 : i32
      %add3A_1365 = vector.broadcast %add3A_1364 : i32 to vector<16xi32>
      %add3A_1366 = arith.addi %mul3A_1363, %add3A_1365 : vector<16xi32>
      tpu.vector_store_idx %arg15[%add3A_1366], %parallel_loop3A_1348#2 : memref<160xf32, #tpu.memory_space<vmem>>[vector<16xi32>], vector<16xf32>,
      %mul3A_1367 = arith.constant 5 : i32
      %mul3A_1368 = vector.broadcast %mul3A_1367 : i32 to vector<16xi32>
      %mul3A_1369 = arith.muli %add3A_1266, %mul3A_1368 : vector<16xi32>
      %add3A_1370 = arith.constant 3 : i32
      %add3A_1371 = vector.broadcast %add3A_1370 : i32 to vector<16xi32>
      %add3A_1372 = arith.addi %mul3A_1369, %add3A_1371 : vector<16xi32>
      tpu.vector_store_idx %arg15[%add3A_1372], %parallel_loop3A_1348#3 : memref<160xf32, #tpu.memory_space<vmem>>[vector<16xi32>], vector<16xf32>,
      %mul3A_1373 = arith.constant 5 : i32
      %mul3A_1374 = vector.broadcast %mul3A_1373 : i32 to vector<16xi32>
      %mul3A_1375 = arith.muli %add3A_1266, %mul3A_1374 : vector<16xi32>
      %add3A_1376 = arith.constant 4 : i32
      %add3A_1377 = vector.broadcast %add3A_1376 : i32 to vector<16xi32>
      %add3A_1378 = arith.addi %mul3A_1375, %add3A_1377 : vector<16xi32>
      tpu.vector_store_idx %arg15[%add3A_1378], %parallel_loop3A_1348#4 : memref<160xf32, #tpu.memory_space<vmem>>[vector<16xi32>], vector<16xf32>,
      %iota3A_1379 = tpu.iota {dimensions = array<i32: 0>} : vector<16xi32>
      %add3A_1380 = arith.constant 16 : i32
      %add3A_1381 = vector.broadcast %add3A_1380 : i32 to vector<16xi32>
      %add3A_1382 = arith.addi %iota3A_1379, %add3A_1381 : vector<16xi32>
      %broadcast_in_dim3A_1383 = arith.constant 0 : i32
      %broadcast_in_dim3A_1384 = vector.broadcast %broadcast_in_dim3A_1383 : i32 to vector<16xi32>
      %broadcast_in_dim3A_1385 = arith.constant 1 : i32
      %broadcast_in_dim3A_1386 = vector.broadcast %broadcast_in_dim3A_1385 : i32 to vector<16xi32>
      %broadcast_in_dim3A_1387 = arith.constant 2 : i32
      %broadcast_in_dim3A_1388 = vector.broadcast %broadcast_in_dim3A_1387 : i32 to vector<16xi32>
      %broadcast_in_dim3A_1389 = arith.constant 3 : i32
      %broadcast_in_dim3A_1390 = vector.broadcast %broadcast_in_dim3A_1389 : i32 to vector<16xi32>
      %broadcast_in_dim3A_1391 = arith.constant 4 : i32
      %broadcast_in_dim3A_1392 = vector.broadcast %broadcast_in_dim3A_1391 : i32 to vector<16xi32>
      %broadcast_in_dim3A_1393 = arith.constant 5 : i32
      %broadcast_in_dim3A_1394 = vector.broadcast %broadcast_in_dim3A_1393 : i32 to vector<16xi32>
      %broadcast_in_dim3A_1395 = arith.constant 0 : i32
      %broadcast_in_dim3A_1396 = vector.broadcast %broadcast_in_dim3A_1395 : i32 to vector<16xi32>
      %broadcast_in_dim3A_1397 = arith.constant 1 : i32
      %broadcast_in_dim3A_1398 = vector.broadcast %broadcast_in_dim3A_1397 : i32 to vector<16xi32>
      %broadcast_in_dim3A_1399 = arith.constant 2 : i32
      %broadcast_in_dim3A_1400 = vector.broadcast %broadcast_in_dim3A_1399 : i32 to vector<16xi32>
      %broadcast_in_dim3A_1401 = arith.constant 3 : i32
      %broadcast_in_dim3A_1402 = vector.broadcast %broadcast_in_dim3A_1401 : i32 to vector<16xi32>
      %broadcast_in_dim3A_1403 = arith.constant 4 : i32
      %broadcast_in_dim3A_1404 = vector.broadcast %broadcast_in_dim3A_1403 : i32 to vector<16xi32>
      %broadcast_in_dim3A_1405 = arith.constant 5 : i32
      %broadcast_in_dim3A_1406 = vector.broadcast %broadcast_in_dim3A_1405 : i32 to vector<16xi32>
      %broadcast_in_dim3A_1407 = arith.constant 6 : i32
      %broadcast_in_dim3A_1408 = vector.broadcast %broadcast_in_dim3A_1407 : i32 to vector<16xi32>
      %broadcast_in_dim3A_1409 = arith.constant 7 : i32
      %broadcast_in_dim3A_1410 = vector.broadcast %broadcast_in_dim3A_1409 : i32 to vector<16xi32>
      %broadcast_in_dim3A_1411 = arith.constant 8 : i32
      %broadcast_in_dim3A_1412 = vector.broadcast %broadcast_in_dim3A_1411 : i32 to vector<16xi32>
      %broadcast_in_dim3A_1413 = arith.constant 9 : i32
      %broadcast_in_dim3A_1414 = vector.broadcast %broadcast_in_dim3A_1413 : i32 to vector<16xi32>
      %broadcast_in_dim3A_1415 = arith.constant 10 : i32
      %broadcast_in_dim3A_1416 = vector.broadcast %broadcast_in_dim3A_1415 : i32 to vector<16xi32>
      %broadcast_in_dim3A_1417 = arith.constant 11 : i32
      %broadcast_in_dim3A_1418 = vector.broadcast %broadcast_in_dim3A_1417 : i32 to vector<16xi32>
      %broadcast_in_dim3A_1419 = arith.constant 12 : i32
      %broadcast_in_dim3A_1420 = vector.broadcast %broadcast_in_dim3A_1419 : i32 to vector<16xi32>
      %broadcast_in_dim3A_1421 = arith.constant 13 : i32
      %broadcast_in_dim3A_1422 = vector.broadcast %broadcast_in_dim3A_1421 : i32 to vector<16xi32>
      %broadcast_in_dim3A_1423 = arith.constant 14 : i32
      %broadcast_in_dim3A_1424 = vector.broadcast %broadcast_in_dim3A_1423 : i32 to vector<16xi32>
      %broadcast_in_dim3A_1425 = arith.constant 0 : i32
      %broadcast_in_dim3A_1426 = vector.broadcast %broadcast_in_dim3A_1425 : i32 to vector<16xi32>
      %broadcast_in_dim3A_1427 = arith.constant 1 : i32
      %broadcast_in_dim3A_1428 = vector.broadcast %broadcast_in_dim3A_1427 : i32 to vector<16xi32>
      %broadcast_in_dim3A_1429 = arith.constant 2 : i32
      %broadcast_in_dim3A_1430 = vector.broadcast %broadcast_in_dim3A_1429 : i32 to vector<16xi32>
      %broadcast_in_dim3A_1431 = arith.constant 3 : i32
      %broadcast_in_dim3A_1432 = vector.broadcast %broadcast_in_dim3A_1431 : i32 to vector<16xi32>
      %broadcast_in_dim3A_1433 = arith.constant 4 : i32
      %broadcast_in_dim3A_1434 = vector.broadcast %broadcast_in_dim3A_1433 : i32 to vector<16xi32>
      %gather3A_1435 = tpu.vector_load_idx %arg11[%add3A_1382, %broadcast_in_dim3A_1384] : memref<32x128xf32, #tpu.memory_space<vmem>>[vector<16xi32>, vector<16xi32>], vector<16xf32>,
      %gather3A_1436 = tpu.vector_load_idx %arg11[%add3A_1382, %broadcast_in_dim3A_1386] : memref<32x128xf32, #tpu.memory_space<vmem>>[vector<16xi32>, vector<16xi32>], vector<16xf32>,
      %gather3A_1437 = tpu.vector_load_idx %arg11[%add3A_1382, %broadcast_in_dim3A_1388] : memref<32x128xf32, #tpu.memory_space<vmem>>[vector<16xi32>, vector<16xi32>], vector<16xf32>,
      %gather3A_1438 = tpu.vector_load_idx %arg12[%broadcast_in_dim3A_1426, %add3A_1382, %broadcast_in_dim3A_1390] : memref<5x32x128xf32, #tpu.memory_space<vmem>>[vector<16xi32>, vector<16xi32>, vector<16xi32>], vector<16xf32>,
      %gather3A_1439 = tpu.vector_load_idx %arg12[%broadcast_in_dim3A_1426, %add3A_1382, %broadcast_in_dim3A_1392] : memref<5x32x128xf32, #tpu.memory_space<vmem>>[vector<16xi32>, vector<16xi32>, vector<16xi32>], vector<16xf32>,
      %gather3A_1440 = tpu.vector_load_idx %arg12[%broadcast_in_dim3A_1426, %add3A_1382, %broadcast_in_dim3A_1394] : memref<5x32x128xf32, #tpu.memory_space<vmem>>[vector<16xi32>, vector<16xi32>, vector<16xi32>], vector<16xf32>,
      %gather3A_1441 = tpu.vector_load_idx %arg12[%broadcast_in_dim3A_1428, %add3A_1382, %broadcast_in_dim3A_1390] : memref<5x32x128xf32, #tpu.memory_space<vmem>>[vector<16xi32>, vector<16xi32>, vector<16xi32>], vector<16xf32>,
      %gather3A_1442 = tpu.vector_load_idx %arg12[%broadcast_in_dim3A_1428, %add3A_1382, %broadcast_in_dim3A_1392] : memref<5x32x128xf32, #tpu.memory_space<vmem>>[vector<16xi32>, vector<16xi32>, vector<16xi32>], vector<16xf32>,
      %gather3A_1443 = tpu.vector_load_idx %arg12[%broadcast_in_dim3A_1428, %add3A_1382, %broadcast_in_dim3A_1394] : memref<5x32x128xf32, #tpu.memory_space<vmem>>[vector<16xi32>, vector<16xi32>, vector<16xi32>], vector<16xf32>,
      %gather3A_1444 = tpu.vector_load_idx %arg12[%broadcast_in_dim3A_1430, %add3A_1382, %broadcast_in_dim3A_1390] : memref<5x32x128xf32, #tpu.memory_space<vmem>>[vector<16xi32>, vector<16xi32>, vector<16xi32>], vector<16xf32>,
      %gather3A_1445 = tpu.vector_load_idx %arg12[%broadcast_in_dim3A_1430, %add3A_1382, %broadcast_in_dim3A_1392] : memref<5x32x128xf32, #tpu.memory_space<vmem>>[vector<16xi32>, vector<16xi32>, vector<16xi32>], vector<16xf32>,
      %gather3A_1446 = tpu.vector_load_idx %arg12[%broadcast_in_dim3A_1430, %add3A_1382, %broadcast_in_dim3A_1394] : memref<5x32x128xf32, #tpu.memory_space<vmem>>[vector<16xi32>, vector<16xi32>, vector<16xi32>], vector<16xf32>,
      %gather3A_1447 = tpu.vector_load_idx %arg12[%broadcast_in_dim3A_1432, %add3A_1382, %broadcast_in_dim3A_1390] : memref<5x32x128xf32, #tpu.memory_space<vmem>>[vector<16xi32>, vector<16xi32>, vector<16xi32>], vector<16xf32>,
      %gather3A_1448 = tpu.vector_load_idx %arg12[%broadcast_in_dim3A_1432, %add3A_1382, %broadcast_in_dim3A_1392] : memref<5x32x128xf32, #tpu.memory_space<vmem>>[vector<16xi32>, vector<16xi32>, vector<16xi32>], vector<16xf32>,
      %gather3A_1449 = tpu.vector_load_idx %arg12[%broadcast_in_dim3A_1432, %add3A_1382, %broadcast_in_dim3A_1394] : memref<5x32x128xf32, #tpu.memory_space<vmem>>[vector<16xi32>, vector<16xi32>, vector<16xi32>], vector<16xf32>,
      %gather3A_1450 = tpu.vector_load_idx %arg12[%broadcast_in_dim3A_1434, %add3A_1382, %broadcast_in_dim3A_1390] : memref<5x32x128xf32, #tpu.memory_space<vmem>>[vector<16xi32>, vector<16xi32>, vector<16xi32>], vector<16xf32>,
      %gather3A_1451 = tpu.vector_load_idx %arg12[%broadcast_in_dim3A_1434, %add3A_1382, %broadcast_in_dim3A_1392] : memref<5x32x128xf32, #tpu.memory_space<vmem>>[vector<16xi32>, vector<16xi32>, vector<16xi32>], vector<16xf32>,
      %gather3A_1452 = tpu.vector_load_idx %arg12[%broadcast_in_dim3A_1434, %add3A_1382, %broadcast_in_dim3A_1394] : memref<5x32x128xf32, #tpu.memory_space<vmem>>[vector<16xi32>, vector<16xi32>, vector<16xi32>], vector<16xf32>,
      %broadcast_in_dim3A_1453 = arith.constant 0.000000e+00 : f32
      %broadcast_in_dim3A_1454 = vector.broadcast %broadcast_in_dim3A_1453 : f32 to vector<16xf32>
      %broadcast_in_dim3A_1455 = arith.constant 0.000000e+00 : f32
      %broadcast_in_dim3A_1456 = vector.broadcast %broadcast_in_dim3A_1455 : f32 to vector<16xf32>
      %broadcast_in_dim3A_1457 = arith.constant 0.000000e+00 : f32
      %broadcast_in_dim3A_1458 = vector.broadcast %broadcast_in_dim3A_1457 : f32 to vector<16xf32>
      %broadcast_in_dim3A_1459 = arith.constant 0.000000e+00 : f32
      %broadcast_in_dim3A_1460 = vector.broadcast %broadcast_in_dim3A_1459 : f32 to vector<16xf32>
      %broadcast_in_dim3A_1461 = arith.constant 0.000000e+00 : f32
      %broadcast_in_dim3A_1462 = vector.broadcast %broadcast_in_dim3A_1461 : f32 to vector<16xf32>
      %parallel_loop3A_1463 = arith.constant 0 : i32
      %parallel_loop3A_1464 = arith.constant 64 : i32
      %parallel_loop3A_1465 = arith.constant 1 : i32
      %parallel_loop3A_1466:5 = scf.for %parallel_loop3A_1499 = %parallel_loop3A_1463 to %parallel_loop3A_1464 step %parallel_loop3A_1465 iter_args(%parallel_loop3A_1500 = %broadcast_in_dim3A_1454, %parallel_loop3A_1501 = %broadcast_in_dim3A_1456, %parallel_loop3A_1502 = %broadcast_in_dim3A_1458, %parallel_loop3A_1503 = %broadcast_in_dim3A_1460, %parallel_loop3A_1504 = %broadcast_in_dim3A_1462) -> (vector<16xf32>, vector<16xf32>, vector<16xf32>, vector<16xf32>, vector<16xf32>)  : i32 {
        %parallel_loop3A_1505 = vector.broadcast %parallel_loop3A_1499 : i32 to vector<16xi32>
        %parallel_loop3A_1506 = arith.constant 64 : i32
        %parallel_loop3A_1507 = arith.addi %parallel_loop3A_1499, %parallel_loop3A_1506 : i32
        %parallel_loop3A_1508 = vector.broadcast %parallel_loop3A_1507 : i32 to vector<16xi32>
        %parallel_loop3A_1509 = tpu.vector_load_idx %arg13[%broadcast_in_dim3A_1384, %add3A_1382, %parallel_loop3A_1505] : memref<3x32x128xf32, #tpu.memory_space<vmem>>[vector<16xi32>, vector<16xi32>, vector<16xi32>], vector<16xf32>,
        %parallel_loop3A_1510 = arith.mulf %gather3A_1435, %parallel_loop3A_1509 : vector<16xf32>
        %parallel_loop3A_1511 = tpu.vector_load_idx %arg13[%broadcast_in_dim3A_1386, %add3A_1382, %parallel_loop3A_1505] : memref<3x32x128xf32, #tpu.memory_space<vmem>>[vector<16xi32>, vector<16xi32>, vector<16xi32>], vector<16xf32>,
        %parallel_loop3A_1512 = arith.mulf %gather3A_1436, %parallel_loop3A_1511 : vector<16xf32>
        %parallel_loop3A_1513 = arith.addf %parallel_loop3A_1510, %parallel_loop3A_1512 : vector<16xf32>
        %parallel_loop3A_1514 = tpu.vector_load_idx %arg13[%broadcast_in_dim3A_1388, %add3A_1382, %parallel_loop3A_1505] : memref<3x32x128xf32, #tpu.memory_space<vmem>>[vector<16xi32>, vector<16xi32>, vector<16xi32>], vector<16xf32>,
        %parallel_loop3A_1515 = arith.mulf %gather3A_1437, %parallel_loop3A_1514 : vector<16xf32>
        %parallel_loop3A_1516 = arith.addf %parallel_loop3A_1513, %parallel_loop3A_1515 : vector<16xf32>
        %parallel_loop3A_1517 = tpu.vector_load_idx %arg14[%broadcast_in_dim3A_1396, %add3A_1382, %parallel_loop3A_1508] : memref<15x32x128xf32, #tpu.memory_space<vmem>>[vector<16xi32>, vector<16xi32>, vector<16xi32>], vector<16xf32>,
        %parallel_loop3A_1518 = arith.mulf %gather3A_1438, %parallel_loop3A_1517 : vector<16xf32>
        %parallel_loop3A_1519 = tpu.vector_load_idx %arg14[%broadcast_in_dim3A_1398, %add3A_1382, %parallel_loop3A_1508] : memref<15x32x128xf32, #tpu.memory_space<vmem>>[vector<16xi32>, vector<16xi32>, vector<16xi32>], vector<16xf32>,
        %parallel_loop3A_1520 = arith.mulf %gather3A_1439, %parallel_loop3A_1519 : vector<16xf32>
        %parallel_loop3A_1521 = arith.addf %parallel_loop3A_1518, %parallel_loop3A_1520 : vector<16xf32>
        %parallel_loop3A_1522 = tpu.vector_load_idx %arg14[%broadcast_in_dim3A_1400, %add3A_1382, %parallel_loop3A_1508] : memref<15x32x128xf32, #tpu.memory_space<vmem>>[vector<16xi32>, vector<16xi32>, vector<16xi32>], vector<16xf32>,
        %parallel_loop3A_1523 = arith.mulf %gather3A_1440, %parallel_loop3A_1522 : vector<16xf32>
        %parallel_loop3A_1524 = arith.addf %parallel_loop3A_1521, %parallel_loop3A_1523 : vector<16xf32>
        %parallel_loop3A_1525 = arith.mulf %parallel_loop3A_1516, %parallel_loop3A_1524 : vector<16xf32>
        %parallel_loop3A_1526 = arith.addf %parallel_loop3A_1500, %parallel_loop3A_1525 : vector<16xf32>
        %parallel_loop3A_1527 = tpu.vector_load_idx %arg14[%broadcast_in_dim3A_1402, %add3A_1382, %parallel_loop3A_1508] : memref<15x32x128xf32, #tpu.memory_space<vmem>>[vector<16xi32>, vector<16xi32>, vector<16xi32>], vector<16xf32>,
        %parallel_loop3A_1528 = arith.mulf %gather3A_1441, %parallel_loop3A_1527 : vector<16xf32>
        %parallel_loop3A_1529 = tpu.vector_load_idx %arg14[%broadcast_in_dim3A_1404, %add3A_1382, %parallel_loop3A_1508] : memref<15x32x128xf32, #tpu.memory_space<vmem>>[vector<16xi32>, vector<16xi32>, vector<16xi32>], vector<16xf32>,
        %parallel_loop3A_1530 = arith.mulf %gather3A_1442, %parallel_loop3A_1529 : vector<16xf32>
        %parallel_loop3A_1531 = arith.addf %parallel_loop3A_1528, %parallel_loop3A_1530 : vector<16xf32>
        %parallel_loop3A_1532 = tpu.vector_load_idx %arg14[%broadcast_in_dim3A_1406, %add3A_1382, %parallel_loop3A_1508] : memref<15x32x128xf32, #tpu.memory_space<vmem>>[vector<16xi32>, vector<16xi32>, vector<16xi32>], vector<16xf32>,
        %parallel_loop3A_1533 = arith.mulf %gather3A_1443, %parallel_loop3A_1532 : vector<16xf32>
        %parallel_loop3A_1534 = arith.addf %parallel_loop3A_1531, %parallel_loop3A_1533 : vector<16xf32>
        %parallel_loop3A_1535 = arith.mulf %parallel_loop3A_1516, %parallel_loop3A_1534 : vector<16xf32>
        %parallel_loop3A_1536 = arith.addf %parallel_loop3A_1501, %parallel_loop3A_1535 : vector<16xf32>
        %parallel_loop3A_1537 = tpu.vector_load_idx %arg14[%broadcast_in_dim3A_1408, %add3A_1382, %parallel_loop3A_1508] : memref<15x32x128xf32, #tpu.memory_space<vmem>>[vector<16xi32>, vector<16xi32>, vector<16xi32>], vector<16xf32>,
        %parallel_loop3A_1538 = arith.mulf %gather3A_1444, %parallel_loop3A_1537 : vector<16xf32>
        %parallel_loop3A_1539 = tpu.vector_load_idx %arg14[%broadcast_in_dim3A_1410, %add3A_1382, %parallel_loop3A_1508] : memref<15x32x128xf32, #tpu.memory_space<vmem>>[vector<16xi32>, vector<16xi32>, vector<16xi32>], vector<16xf32>,
        %parallel_loop3A_1540 = arith.mulf %gather3A_1445, %parallel_loop3A_1539 : vector<16xf32>
        %parallel_loop3A_1541 = arith.addf %parallel_loop3A_1538, %parallel_loop3A_1540 : vector<16xf32>
        %parallel_loop3A_1542 = tpu.vector_load_idx %arg14[%broadcast_in_dim3A_1412, %add3A_1382, %parallel_loop3A_1508] : memref<15x32x128xf32, #tpu.memory_space<vmem>>[vector<16xi32>, vector<16xi32>, vector<16xi32>], vector<16xf32>,
        %parallel_loop3A_1543 = arith.mulf %gather3A_1446, %parallel_loop3A_1542 : vector<16xf32>
        %parallel_loop3A_1544 = arith.addf %parallel_loop3A_1541, %parallel_loop3A_1543 : vector<16xf32>
        %parallel_loop3A_1545 = arith.mulf %parallel_loop3A_1516, %parallel_loop3A_1544 : vector<16xf32>
        %parallel_loop3A_1546 = arith.addf %parallel_loop3A_1502, %parallel_loop3A_1545 : vector<16xf32>
        %parallel_loop3A_1547 = tpu.vector_load_idx %arg14[%broadcast_in_dim3A_1414, %add3A_1382, %parallel_loop3A_1508] : memref<15x32x128xf32, #tpu.memory_space<vmem>>[vector<16xi32>, vector<16xi32>, vector<16xi32>], vector<16xf32>,
        %parallel_loop3A_1548 = arith.mulf %gather3A_1447, %parallel_loop3A_1547 : vector<16xf32>
        %parallel_loop3A_1549 = tpu.vector_load_idx %arg14[%broadcast_in_dim3A_1416, %add3A_1382, %parallel_loop3A_1508] : memref<15x32x128xf32, #tpu.memory_space<vmem>>[vector<16xi32>, vector<16xi32>, vector<16xi32>], vector<16xf32>,
        %parallel_loop3A_1550 = arith.mulf %gather3A_1448, %parallel_loop3A_1549 : vector<16xf32>
        %parallel_loop3A_1551 = arith.addf %parallel_loop3A_1548, %parallel_loop3A_1550 : vector<16xf32>
        %parallel_loop3A_1552 = tpu.vector_load_idx %arg14[%broadcast_in_dim3A_1418, %add3A_1382, %parallel_loop3A_1508] : memref<15x32x128xf32, #tpu.memory_space<vmem>>[vector<16xi32>, vector<16xi32>, vector<16xi32>], vector<16xf32>,
        %parallel_loop3A_1553 = arith.mulf %gather3A_1449, %parallel_loop3A_1552 : vector<16xf32>
        %parallel_loop3A_1554 = arith.addf %parallel_loop3A_1551, %parallel_loop3A_1553 : vector<16xf32>
        %parallel_loop3A_1555 = arith.mulf %parallel_loop3A_1516, %parallel_loop3A_1554 : vector<16xf32>
        %parallel_loop3A_1556 = arith.addf %parallel_loop3A_1503, %parallel_loop3A_1555 : vector<16xf32>
        %parallel_loop3A_1557 = tpu.vector_load_idx %arg14[%broadcast_in_dim3A_1420, %add3A_1382, %parallel_loop3A_1508] : memref<15x32x128xf32, #tpu.memory_space<vmem>>[vector<16xi32>, vector<16xi32>, vector<16xi32>], vector<16xf32>,
        %parallel_loop3A_1558 = arith.mulf %gather3A_1450, %parallel_loop3A_1557 : vector<16xf32>
        %parallel_loop3A_1559 = tpu.vector_load_idx %arg14[%broadcast_in_dim3A_1422, %add3A_1382, %parallel_loop3A_1508] : memref<15x32x128xf32, #tpu.memory_space<vmem>>[vector<16xi32>, vector<16xi32>, vector<16xi32>], vector<16xf32>,
        %parallel_loop3A_1560 = arith.mulf %gather3A_1451, %parallel_loop3A_1559 : vector<16xf32>
        %parallel_loop3A_1561 = arith.addf %parallel_loop3A_1558, %parallel_loop3A_1560 : vector<16xf32>
        %parallel_loop3A_1562 = tpu.vector_load_idx %arg14[%broadcast_in_dim3A_1424, %add3A_1382, %parallel_loop3A_1508] : memref<15x32x128xf32, #tpu.memory_space<vmem>>[vector<16xi32>, vector<16xi32>, vector<16xi32>], vector<16xf32>,
        %parallel_loop3A_1563 = arith.mulf %gather3A_1452, %parallel_loop3A_1562 : vector<16xf32>
        %parallel_loop3A_1564 = arith.addf %parallel_loop3A_1561, %parallel_loop3A_1563 : vector<16xf32>
        %parallel_loop3A_1565 = arith.mulf %parallel_loop3A_1516, %parallel_loop3A_1564 : vector<16xf32>
        %parallel_loop3A_1566 = arith.addf %parallel_loop3A_1504, %parallel_loop3A_1565 : vector<16xf32>
        scf.yield %parallel_loop3A_1526, %parallel_loop3A_1536, %parallel_loop3A_1546, %parallel_loop3A_1556, %parallel_loop3A_1566 : vector<16xf32>, vector<16xf32>, vector<16xf32>, vector<16xf32>, vector<16xf32>
      } {sc.loop_unroll_factor = 4 : i64, sc.parallel_access}
      %mul3A_1467 = arith.constant 5 : i32
      %mul3A_1468 = vector.broadcast %mul3A_1467 : i32 to vector<16xi32>
      %mul3A_1469 = arith.muli %add3A_1382, %mul3A_1468 : vector<16xi32>
      %add3A_1470 = arith.constant 0 : i32
      %add3A_1471 = vector.broadcast %add3A_1470 : i32 to vector<16xi32>
      %add3A_1472 = arith.addi %mul3A_1469, %add3A_1471 : vector<16xi32>
      tpu.vector_store_idx %arg15[%add3A_1472], %parallel_loop3A_1466#0 : memref<160xf32, #tpu.memory_space<vmem>>[vector<16xi32>], vector<16xf32>,
      %mul3A_1473 = arith.constant 5 : i32
      %mul3A_1474 = vector.broadcast %mul3A_1473 : i32 to vector<16xi32>
      %mul3A_1475 = arith.muli %add3A_1382, %mul3A_1474 : vector<16xi32>
      %add3A_1476 = arith.constant 1 : i32
      %add3A_1477 = vector.broadcast %add3A_1476 : i32 to vector<16xi32>
      %add3A_1478 = arith.addi %mul3A_1475, %add3A_1477 : vector<16xi32>
      tpu.vector_store_idx %arg15[%add3A_1478], %parallel_loop3A_1466#1 : memref<160xf32, #tpu.memory_space<vmem>>[vector<16xi32>], vector<16xf32>,
      %mul3A_1479 = arith.constant 5 : i32
      %mul3A_1480 = vector.broadcast %mul3A_1479 : i32 to vector<16xi32>
      %mul3A_1481 = arith.muli %add3A_1382, %mul3A_1480 : vector<16xi32>
      %add3A_1482 = arith.constant 2 : i32
      %add3A_1483 = vector.broadcast %add3A_1482 : i32 to vector<16xi32>
      %add3A_1484 = arith.addi %mul3A_1481, %add3A_1483 : vector<16xi32>
      tpu.vector_store_idx %arg15[%add3A_1484], %parallel_loop3A_1466#2 : memref<160xf32, #tpu.memory_space<vmem>>[vector<16xi32>], vector<16xf32>,
      %mul3A_1485 = arith.constant 5 : i32
      %mul3A_1486 = vector.broadcast %mul3A_1485 : i32 to vector<16xi32>
      %mul3A_1487 = arith.muli %add3A_1382, %mul3A_1486 : vector<16xi32>
      %add3A_1488 = arith.constant 3 : i32
      %add3A_1489 = vector.broadcast %add3A_1488 : i32 to vector<16xi32>
      %add3A_1490 = arith.addi %mul3A_1487, %add3A_1489 : vector<16xi32>
      tpu.vector_store_idx %arg15[%add3A_1490], %parallel_loop3A_1466#3 : memref<160xf32, #tpu.memory_space<vmem>>[vector<16xi32>], vector<16xf32>,
      %mul3A_1491 = arith.constant 5 : i32
      %mul3A_1492 = vector.broadcast %mul3A_1491 : i32 to vector<16xi32>
      %mul3A_1493 = arith.muli %add3A_1382, %mul3A_1492 : vector<16xi32>
      %add3A_1494 = arith.constant 4 : i32
      %add3A_1495 = vector.broadcast %add3A_1494 : i32 to vector<16xi32>
      %add3A_1496 = arith.addi %mul3A_1493, %add3A_1495 : vector<16xi32>
      tpu.vector_store_idx %arg15[%add3A_1496], %parallel_loop3A_1466#4 : memref<160xf32, #tpu.memory_space<vmem>>[vector<16xi32>], vector<16xf32>,
      %mul3A_1497 = arith.constant 5 : i32
      %mul3A_1498 = arith.muli %add3A_11, %mul3A_1497 : i32
      "tpu.region"() ({
        %run_scoped3A = tpu.sem_alloc : memref<!tpu.dma_semaphore, #tpu.memory_space<semaphore_mem>>
        %dma_start3A_1499 = tpu.memref_slice %arg6[%mul3A_1498] : memref<81920xf32, #tpu.memory_space<hbm>> -> memref<160xf32, #tpu.memory_space<hbm>>
        %dma_start3A_1500 = tpu.memref_slice %arg6[%mul3A_1498] : memref<81920xf32, #tpu.memory_space<hbm>> -> memref<160xf32, #tpu.memory_space<hbm>>
        tpu.enqueue_dma source(%arg15 : memref<160xf32, #tpu.memory_space<vmem>>) target(%dma_start3A_1500 : memref<160xf32, #tpu.memory_space<hbm>>) target_semaphore(%run_scoped3A : memref<!tpu.dma_semaphore, #tpu.memory_space<semaphore_mem>>)
        %dma_wait3A_1501 = tpu.memref_slice %arg6[%mul3A_1498] : memref<81920xf32, #tpu.memory_space<hbm>> -> memref<160xf32, #tpu.memory_space<hbm>>
        %dma_wait3A_1502 = tpu.memref_slice %arg6[%mul3A_1498] : memref<81920xf32, #tpu.memory_space<hbm>> -> memref<160xf32, #tpu.memory_space<hbm>>
        tpu.wait_dma2 semaphore(%run_scoped3A : memref<!tpu.dma_semaphore, #tpu.memory_space<semaphore_mem>>) src(%arg15 : memref<160xf32, #tpu.memory_space<vmem>>) dst(%dma_wait3A_1502 : memref<160xf32, #tpu.memory_space<hbm>>)
        tpu.yield
      }) : () -> ()
    }
    %scan3A_5 = arith.constant 16 : i32
    return
  }
}

module attributes {stable_mosaic.version = 14 : i64} {
  func.func @_tc_fmt_body(%arg0: i32, %arg1: memref<64x4096xf32, #tpu.memory_space<vmem>>, %arg2: memref<64x4096xf32, #tpu.memory_space<vmem>>, %arg3: memref<4096x128xf32, #tpu.memory_space<vmem>>) attributes {dimension_semantics = [#tpu.dimension_semantics<arbitrary>], iteration_bounds = array<i64: 256>, scalar_prefetch = 0 : i64, scratch_operands = 0 : i64, tpu.core_type = #tpu.core_type<tc>, window_params = [{transform_indices = @transform_0, window_bounds = array<i64: 64, 4096>}, {transform_indices = @transform_1, window_bounds = array<i64: 64, 4096>}, {transform_indices = @transform_2, window_bounds = array<i64: 4096, 128>}]} {
    %get3A = arith.constant 0 : index
    %get3A_0 = arith.constant 0 : index
    %get3A_1 = vector.load %arg1[%get3A, %get3A_0] : memref<64x4096xf32, #tpu.memory_space<vmem>>, vector<64x4096xf32>
    %transpose3A = tpu.transpose %get3A_1, [1, 0] : vector<64x4096xf32> -> vector<4096x64xf32>
    %swap3A = arith.constant 0 : index
    %swap3A_2 = arith.constant 0 : index
    %swap3A_3 = vector.load %arg3[%swap3A, %swap3A_2] : memref<4096x128xf32, #tpu.memory_space<vmem>>, vector<4096x64xf32>
    tpu.vector_store %arg3[%swap3A, %swap3A_2], %transpose3A {strides = array<i32>} : memref<4096x128xf32, #tpu.memory_space<vmem>>, vector<4096x64xf32>,
    %get3A_4 = arith.constant 0 : index
    %get3A_5 = arith.constant 0 : index
    %get3A_6 = vector.load %arg2[%get3A_4, %get3A_5] : memref<64x4096xf32, #tpu.memory_space<vmem>>, vector<64x4096xf32>
    %transpose3A_7 = tpu.transpose %get3A_6, [1, 0] : vector<64x4096xf32> -> vector<4096x64xf32>
    %swap3A_8 = arith.constant 0 : index
    %swap3A_9 = arith.constant 64 : index
    %swap3A_10 = vector.load %arg3[%swap3A_8, %swap3A_9] : memref<4096x128xf32, #tpu.memory_space<vmem>>, vector<4096x64xf32>
    tpu.vector_store %arg3[%swap3A_8, %swap3A_9], %transpose3A_7 {strides = array<i32>} : memref<4096x128xf32, #tpu.memory_space<vmem>>, vector<4096x64xf32>,
    return
  }
  func.func @transform_0(%arg0: i32) -> (i32, i32) {
    %c0_i32 = arith.constant 0 : i32
    %c0_i32_0 = arith.constant 0 : i32
    return %c0_i32, %arg0 : i32, i32
  }
  func.func @transform_1(%arg0: i32) -> (i32, i32) {
    %c0_i32 = arith.constant 0 : i32
    %c0_i32_0 = arith.constant 0 : i32
    return %c0_i32, %arg0 : i32, i32
  }
  func.func @transform_2(%arg0: i32) -> (i32, i32) {
    %c0_i32 = arith.constant 0 : i32
    %c0_i32_0 = arith.constant 0 : i32
    return %arg0, %c0_i32 : i32, i32
  }
}

</mosaic_0001>

<sc_bundles>
// kernel: kernel.4.cloned.1.call-start
scs
__scs_entry_jumppad:
0x0: {  	(pc) =	sbr.rel $0x88, $3  }
0x1: {  	(tag) =	ssettag $0x0;
	lr =	simm.s32 $0x1  }
0x2: {  	[smem:$0x3F9B] =	sst lr;
	_ =	strace $0xD0000000  }
0x3: {  	_ = 	snop  }
0x4: {  	_ = 	snop  }
0x5: {  	_ = 	snop  }
0x6: {  	_ = 	snop  }
0x7: {  	_ = 	snop  }
__scs_overlays_trampoline_lowered:
0x8: {  	[smem:$0x3FAA] =	sst s0  }
0x9: {  	[smem:$0x3FAB] =	sst s1  }
0xa: {  	[smem:$0x3FAC] =	sst s2  }
0xb: {  	[smem:$0x3FAD] =	sst s3  }
0xc: {  	[smem:$0x3FAE] =	sst s4  }
0xd: {  	[smem:$0x3FAF] =	sst s5  }
0xe: {  	[smem:$0x3FB0] =	sst s6  }
0xf: {  	[smem:$0x3FB1] =	sst s7  }
0x10: {  	[smem:$0x3FB2] =	sst s8  }
0x11: {  	[smem:$0x3FB3] =	sst s9;
	s0 =	simm.s32 @!p0 $0x0  }
0x12: {  	s1 =	sld [smem:$0x3F99];
	s0 =	simm.s32 @p0 $0x1  }
0x13: {  	[smem:$0x3FB4] =	sst s0;
	s0 =	simm.s32 @!p1 $0x0  }
0x14: {  	s2 =	sld [smem:$0x3F98];
	s0 =	simm.s32 @p1 $0x1  }
0x15: {  	[smem:$0x3FB5] =	sst s0;
	s0 =	simm.s32 @!p2 $0x0  }
0x16: {  	s3 =	sld [smem:$0x3FDB];
	s0 =	simm.s32 @p2 $0x1  }
0x17: {  	s4 =	simm.s32 $0x1BF5;
	[smem:$0x3FB7] =	sst s0  }
0x18: {  	s0 =	sld [smem:$0x3F9A];
	_ =	swait.ge [sflag:s4], $0x0  }
0x19: {  	s7 =	sld [smem:$0x3F9B]  }
0x1a: {  	s8 =	sadd.s32 $0xFFFFE003, lr  }
0x1b: {  	s9 =	sadd.s32 $0xFFFFFEF7, lr;
	s5 =	simm.s32 $0xFFFFFFFF;
	p2 =	slt.u32 s8, $0xFFFFF086  }
0x1c: {  	p1 =	slt.u32 s9, $0xF7A;
	s5 =	simm.s32 @!p2 $0x0  }
0x1d: {  	s5 =	simm.s32 @p1 $0x1;
	p0 =	seq.s32 s7, s2  }
0x1e: {  	s7 =	smul.u32 @!p0 $0xF7A, s2;
	p2 =	seq.s32 @!p0 s5, $0x0  }
0x1f: {  	s9 =	smul.u32 $0xF7A, s1;
	s8 =	simm.s32 @!p0 $0x1BF5;
	p2 =	por !p2, p0  }
0x20: {  	[sflag:s8] =	ssyncset.s32 @!p0 $0xFFFFF086;
	s6 =	sadd.s32 @!p0 s3, s7;
	s7 =	simm.s32 @!p0 $0x108  }
0x21: {  	s3 =	sadd.s32 s3, s9;
	s6 =	sadd.s32 @!p0 $0x88, s6;
	s7 =	simm.s32 @p2 $0x1082  }
0x22: {  	[simem:s7], [sflag:s8] =	dma.local @!p0 [hbm:s6], $0xF7A  }
0x23: {  	s9 =	sor.u32 $0xD0000000, s2;
	s6 =	simm.s32 $0x108;
	_ =	swait.ge @!p0 [sflag:s8], $0x0  }
0x24: {  	s3 =	sadd.s32 $0x88, s3;
	s6 =	simm.s32 @!p1 $0x1082;
	[sflag:s4] =	ssyncset.s32 $0xFFFFF086  }
0x25: {  	[simem:s6], [sflag:s4] =	dma.local [hbm:s3], $0xF7A  }
0x26: {  	[smem:$0x3F9B] =	sst s1;
	(tag) =	ssettag s2;
	_ =	strace s9  }
0x27: {  	s1 =	sld [smem:$0x3FAB]  }
0x28: {  	s2 =	sld [smem:$0x3FAC]  }
0x29: {  	s4 =	sld [smem:$0x3FAE]  }
0x2a: {  	p0 =	seq.s32 s5, $0x0;
	s5 =	sld [smem:$0x3FAF]  }
0x2b: {  	s6 =	sld [smem:$0x3FB0]  }
0x2c: {  	s7 =	sld [smem:$0x3FB1]  }
0x2d: {  	s3 =	simm.s32 $0x108;
	s8 =	sld [smem:$0x3FB2]  }
0x2e: {  	s3 =	simm.s32 @!p0 $0x1082;
	s9 =	sld [smem:$0x3FB3]  }
0x2f: {  	lr =	sadd.s32 s0, s3;
	s0 =	sld [smem:$0x3FAA]  }
0x30: {  	s3 =	sld [smem:$0x3FAD]  }
0x31: {  	[smem:$0x3FB6] =	sst s10  }
0x32: {  	s10 =	sld [smem:$0x3FB4];
	_ =	sdelay $0x3  }
0x33: {  	p0 =	seq.s32 s10, $0x1;
	s10 =	sld [smem:$0x3FB6];
	_ =	sdelay $0x3  }
0x34: {  	[smem:$0x3FB6] =	sst s10  }
0x35: {  	s10 =	sld [smem:$0x3FB5];
	_ =	sdelay $0x3  }
0x36: {  	p1 =	seq.s32 s10, $0x1;
	s10 =	sld [smem:$0x3FB6];
	_ =	sdelay $0x3  }
0x37: {  	[smem:$0x3FB6] =	sst s10  }
0x38: {  	s10 =	sld [smem:$0x3FB7]  }
0x39: {  	_ = 	snop;
	(pc) =	sbr.ind lr, $3  }
0x3a: {  	_ = 	snop  }
0x3b: {  	_ = 	snop  }
0x3c: {  	p2 =	seq.s32 s10, $0x1;
	s10 =	sld [smem:$0x3FB6]  }
0x3d: {  	_ =	shalt  }
0x3e: {  	_ =	shalt  }
0x3f: {  	_ =	shalt  }
0x40: {  	_ =	shalt  }
0x41: {  	_ =	shalt  }
0x42: {  	_ =	shalt  }
0x43: {  	_ =	shalt  }
0x44: {  	_ =	shalt  }
0x45: {  	_ =	shalt  }
0x46: {  	_ =	shalt  }
0x47: {  	_ =	shalt  }
0x48: {  	_ =	shalt  }
0x49: {  	_ =	shalt  }
0x4a: {  	_ =	shalt  }
0x4b: {  	_ =	shalt  }
0x4c: {  	_ =	shalt  }
0x4d: {  	_ =	shalt  }
0x4e: {  	_ =	shalt  }
0x4f: {  	_ =	shalt  }
0x50: {  	_ =	shalt  }
0x51: {  	_ =	shalt  }
0x52: {  	_ =	shalt  }
0x53: {  	_ =	shalt  }
0x54: {  	_ =	shalt  }
0x55: {  	_ =	shalt  }
0x56: {  	_ =	shalt  }
0x57: {  	_ =	shalt  }
0x58: {  	_ =	shalt  }
0x59: {  	_ =	shalt  }
0x5a: {  	_ =	shalt  }
0x5b: {  	_ =	shalt  }
0x5c: {  	_ =	shalt  }
0x5d: {  	_ =	shalt  }
0x5e: {  	_ =	shalt  }
0x5f: {  	_ =	shalt  }
0x60: {  	_ =	shalt  }
0x61: {  	_ =	shalt  }
0x62: {  	_ =	shalt  }
0x63: {  	_ =	shalt  }
0x64: {  	_ =	shalt  }
0x65: {  	_ =	shalt  }
0x66: {  	_ =	shalt  }
0x67: {  	_ =	shalt  }
0x68: {  	_ =	shalt  }
0x69: {  	_ =	shalt  }
0x6a: {  	_ =	shalt  }
0x6b: {  	_ =	shalt  }
0x6c: {  	_ =	shalt  }
0x6d: {  	_ =	shalt  }
0x6e: {  	_ =	shalt  }
0x6f: {  	_ =	shalt  }
0x70: {  	_ =	shalt  }
0x71: {  	_ =	shalt  }
0x72: {  	_ =	shalt  }
0x73: {  	_ =	shalt  }
0x74: {  	_ =	shalt  }
0x75: {  	_ =	shalt  }
0x76: {  	_ =	shalt  }
0x77: {  	_ =	shalt  }
0x78: {  	_ =	shalt  }
0x79: {  	_ =	shalt  }
0x7a: {  	_ =	shalt  }
0x7b: {  	_ =	shalt  }
0x7c: {  	_ =	shalt  }
0x7d: {  	_ =	shalt  }
0x7e: {  	_ =	shalt  }
0x7f: {  	_ =	shalt  }
0x80: {  	_ =	shalt  }
0x81: {  	_ =	shalt  }
0x82: {  	_ =	shalt  }
0x83: {  	_ =	shalt  }
0x84: {  	_ =	shalt  }
0x85: {  	_ =	shalt  }
0x86: {  	_ =	shalt  }
0x87: {  	_ =	shalt  }
.Lfunc_end0:
.L_simem_size_0:
called_computation_lowered:
.L_overlay_start_0:
0x88: {  	s2 =	sld [smem:$0x3FD9]  }
0x89: {  	s3 =	sld [smem:$0x3FFE];
	_ =	sdelay $0x1  }
0x8a: {  	s1 =	srdreg.scid  }
0x8b: {  	s0 =	sand.u32 $0x1, s1  }
0x8c: {  	s17 =	sshll.u32 s0, $0xA;
	s2 =	sadd.s32 s3, s2  }
0x8d: {  	s2 =	sadd.s32 s2, s17  }
0x8e: {  	[smem:$0x3FC2] =	sst s2  }
0x8f: {  	_ = 	snop  }
0x90: {  	s2 =	sld [smem:$0x3FC9]  }
0x91: {  	s18 =	sld [smem:$0x3FD0];
	(tm) =	ssettm $0x1  }
0x92: {  	s4 =	sld [smem:$0x3FFB];
	_ =	sdelay $0x3  }
0x93: {  	_ =	strace s4  }
0x94: {  	s4 =	sld [smem:$0x3FFC];
	_ =	sdelay $0x3  }
0x95: {  	_ =	strace s4  }
0x96: {  	s4 =	sld [smem:$0x3FFD];
	_ =	sdelay $0x3  }
0x97: {  	_ =	strace s4  }
0x98: {  	_ =	strace $0x8FFFFFFF  }
0x99: {  	s19 =	sld [smem:$0x3FDB];
	_ =	sdelay $0x1  }
0x9a: {  	s5 =	simm.s32 $_scs_section_size  }
0x9b: {  	s6 =	simm.s32 $_size__tile_overlayer_lowered;
	s7 =	simm.s32 $_tile_overlayer_lowered  }
0x9c: {  	s22 =	simm.s32 $0x1BFF;
	s21 =	sshll.u32 s7, $0x1;
	s4 =	sadd.s32 s5, s19  }
0x9d: {  	s8 =	simm.s32 $0x0;
	s20 =	sshll.u32 s6, $0x1;
	s6 =	sadd.s32 s21, s4  }
0x9e: {  	[timem:s8], [sflag:s22] =	dma.local [hbm:s6], s20  }
0x9f: {  	_ =	swait.ge [sflag:s22], s20  }
0xa0: {  	s5 =	ssub.s32 $0x0, s20;
	[sflag:s22] =	ssyncset.done $0x0  }
0xa1: {  	[sflag:s22] =	ssyncadd.s32 s5;
	_ =	sdelay $0x1  }
0xa2: {  	s23 =	simm.s32 $0x1B8B  }
0xa3: {  	_ =	swait.ge [sflag:s23], $0x1  }
0xa4: {  	[sflag:s23] =	ssyncset.done $0x0  }
0xa5: {  	s25 =	simm.s32 $0x1B8E;
	s24 =	sld [smem:$0x3FFE];
	[sflag:s23] =	ssyncadd.s32 $0xFFFFFFFF  }
0xa6: {  	s26 =	simm.s32 $execute0_lowered;
	[smem:$0x3FD2] =	sst s25  }
0xa7: {  	s6 =	sshll.u32 s26, $0x1;
	_ =	strace $0x80000046;
	[dreg:$0x1] =	wrdreg $0xFFFFFFFF  }
0xa8: {  	s28 =	simm.s32 $_size_execute0_lowered;
	s4 =	sadd.s32 s4, s6;
	[dreg:$0x0] =	wrdreg $0x0  }
0xa9: {  	s6 =	sshll.u32 s28, $0x1;
	[dreg:$0x2] =	wrdreg s4  }
0xaa: {  	[dreg:$0x3] =	wrdreg s6  }
0xab: {  	[dreg:$0x4] =	wrdreg $0xC0  }
0xac: {  	_ =	task [dreg:s8], $0x5FFFF  }
0xad: {  	[dreg:$0x1] =	wrdreg $0xFFFFFFFF  }
0xae: {  	[dreg:$0x0] =	wrdreg $0x60  }
0xaf: {  	[dreg:$0x2] =	wrdreg s2  }
0xb0: {  	[dreg:$0x3] =	wrdreg s18  }
0xb1: {  	[dreg:$0x4] =	wrdreg s24  }
0xb2: {  	[dreg:$0x5] =	wrdreg $0x9  }
0xb3: {  	_ =	task.clear_ibuf [dreg:s8], $0x6FFFF;
	_ =	strace $0x90000046  }
0xb4: {  	s29 =	simm.s32 $0x9;
	_ =	strace $0x80000048  }
0xb5: {  	_ =	swait.ge [sflag:s29], $0x1  }
0xb6: {  	[sflag:s29] =	ssyncadd.s32 $0xFFFFFFFF  }
0xb7: {  	_ =	strace $0x90000048  }
0xb8: {  	_ =	sfence  }
0xb9: {  	s30 =	sld [smem:$0x0];
	_ =	sdelay $0x2  }
0xba: {  	s31 =	sshll.u32 s1, $0xD;
	s1 =	sshrl.u32 s1, $0x2  }
0xbb: {  	s3 =	sand.u32 $0x4000, s31;
	s1 =	sadd.s32 s1, s30  }
0xbc: {  	s0 =	sor.u32 s3, s0;
	s1 =	sshll.u32 s1, $0x11  }
0xbd: {  	s0 =	sor.u32 s1, s0  }
0xbe: {  	s0 =	sadd.s32 $0x8F2B, s0  }
0xbf: {  	[sflag:s0] =	ssyncadd.remote.s32 $0x1  }
0xc0: {  	_ =	sfence.sel $0xFFFF  }
0xc1: {  	[dreg:$0x0] =	wrdreg $0xFFFFFFFF;
	(pc) =	sbr.abs _section_cstart, $3  }
0xc2: {  	[dreg:$0x1] =	wrdreg $0xFFFFFFFF  }
0xc3: {  	_ =	task.clear_ibuf [dreg:s8], $0x2FFFF;
	_ =	strace $0x9FFFFFFF  }
0xc4: {  	(tm) =	ssettm $0x7FFFFFFF  }
0xc5: {  	_ =	shalt  }
tec
execute0_lowered:
.L_overlay_start_1:
0x0: {  	(tag) =	ssettag $0x1  }
0x1: {  	v0 =	vlaneseq.u32  }
0x2: {  	s1 =	simm.s32 $0x0;
	v1 =	vmul.u32 $0x5, v0  }
0x3: {  	[smem:$0x7FF] =	sst s1;
	v59 =	vmul.u32 $0x80, v0  }
0x4: {  	s0 =	rddreg [dreg:$0x2];
	_ =	strace $0x80000047;
	[tilespmem:$0x1FDA0] =	vst v1  }
0x5: {  	v2 =	vadd.s32 $0x1, v1;
	[tilespmem:$0x1FEC0] =	vst v59  }
0x6: {  	v44 =	vadd.s32 $0x2, v1;
	[tilespmem:$0x1FD60] =	vst v2  }
0x7: {  	v45 =	vadd.s32 $0x3, v1;
	[tilespmem:$0x1FD70] =	vst v44  }
0x8: {  	v46 =	vadd.s32 $0x4, v1;
	[tilespmem:$0x1FD80] =	vst v45  }
0x9: {  	v0 =	vor.u32 $0x1, v59;
	[tilespmem:$0x1FD90] =	vst v46  }
0xa: {  	v47 =	vor.u32 $0x2, v59;
	[tilespmem:$0x1FDB0] =	vst v0  }
0xb: {  	v48 =	vor.u32 $0x3, v59;
	[tilespmem:$0x1FDC0] =	vst v47  }
0xc: {  	v49 =	vor.u32 $0x4, v59;
	[tilespmem:$0x1FDD0] =	vst v48  }
0xd: {  	v50 =	vor.u32 $0x5, v59;
	[tilespmem:$0x1FDE0] =	vst v49  }
0xe: {  	v51 =	vor.u32 $0x1003, v59;
	[tilespmem:$0x1FDF0] =	vst v50  }
0xf: {  	v52 =	vor.u32 $0x1004, v59;
	[tilespmem:$0x1FE00] =	vst v51  }
0x10: {  	v53 =	vor.u32 $0x1005, v59;
	[tilespmem:$0x1FE10] =	vst v52  }
0x11: {  	v54 =	vor.u32 $0x2003, v59;
	[tilespmem:$0x1FE20] =	vst v53  }
0x12: {  	v55 =	vor.u32 $0x2004, v59;
	[tilespmem:$0x1FE30] =	vst v54  }
0x13: {  	v56 =	vor.u32 $0x2005, v59;
	[tilespmem:$0x1FE40] =	vst v55  }
0x14: {  	v57 =	vor.u32 $0x3003, v59;
	[tilespmem:$0x1FE50] =	vst v56  }
0x15: {  	v58 =	vor.u32 $0x3004, v59;
	[tilespmem:$0x1FE60] =	vst v57  }
0x16: {  	v60 =	vor.u32 $0x3005, v59;
	[tilespmem:$0x1FE70] =	vst v58  }
0x17: {  	v61 =	vor.u32 $0x4003, v59;
	[tilespmem:$0x1FE80] =	vst v60  }
0x18: {  	v62 =	vor.u32 $0x4004, v59;
	[tilespmem:$0x1FE90] =	vst v61  }
0x19: {  	v63 =	vor.u32 $0x4005, v59;
	[tilespmem:$0x1FEA0] =	vst v62  }
0x1a: {  	v7 =	vadd.s32 $0x50, v1;
	[tilespmem:$0x1FEB0] =	vst v63  }
0x1b: {  	v5 =	vadd.s32 $0x51, v1;
	[tilespmem:$0x1FED0] =	vst v7  }
0x1c: {  	v6 =	vadd.s32 $0x52, v1;
	[tilespmem:$0x1FEE0] =	vst v5  }
0x1d: {  	v8 =	vadd.s32 $0x53, v1;
	[tilespmem:$0x1FEF0] =	vst v6  }
0x1e: {  	v9 =	vadd.s32 $0x54, v1;
	[tilespmem:$0x1FF00] =	vst v8  }
0x1f: {  	v11 =	vor.u32 $0x1000, v59;
	[tilespmem:$0x1FF10] =	vst v9  }
0x20: {  	v13 =	vor.u32 $0x2000, v59;
	[tilespmem:$0x1FF20] =	vst v11  }
0x21: {  	v26 =	vor.u32 $0x3000, v59;
	[tilespmem:$0x1FF30] =	vst v13  }
0x22: {  	s25 =	srdreg.scid;
	s4 =	stileid.u32;
	s10 =	simm.s32 $0x2;
	v32 =	vor.u32 $0x4000, v59;
	[tilespmem:$0x1FF40] =	vst v26  }
0x23: {  	s11 =	simm.s32 $0x80;
	s12 =	simm.s32 $0x20;
	s13 =	simm.s32 $0xF80;
	v14 =	vor.u32 $0x5000, v59;
	[tilespmem:$0x1FF50] =	vst v32  }
0x24: {  	s15 =	simm.s32 $0x6F80;
	s21 =	simm.s32 $0x9F80;
	s28 =	simm.s32 $0xA80;
	v22 =	vor.u32 $0x6000, v59;
	[tilespmem:$0x1FF60] =	vst v14  }
0x25: {  	s29 =	simm.s32 $0x17F80;
	s30 =	simm.s32 $0xB00;
	s31 =	simm.s32 $0x1F80;
	v10 =	vor.u32 $0x8000, v59;
	[tilespmem:$0x1FF70] =	vst v22  }
0x26: {  	s9 =	simm.s32 $0xC00;
	s14 =	simm.s32 $0xD00;
	s16 =	simm.s32 $0x5F80;
	v12 =	vor.u32 $0xB000, v59;
	[tilespmem:$0x1FF90] =	vst v10  }
0x27: {  	s17 =	simm.s32 $0x1;
	s18 =	simm.s32 $0x18F80;
	s20 =	simm.s32 $0x0;
	v35 =	vor.u32 $0xC000, v59;
	[tilespmem:$0x1FFC0] =	vst v12  }
0x28: {  	s5 =	sadd.s32 $0x30DC00, s0;
	s1 =	sand.u32 $0x1, s25;
	s6 =	sadd.s32 $0x187200, s0;
	v25 =	vor.u32 $0xD000, v59;
	[tilespmem:$0x1FFD0] =	vst v35  }
0x29: {  	s4 =	sshll.u32 s4, $0xA;
	s2 =	ssub.s32 $0x2, s1;
	s1 =	sshll.u32 s1, $0x9;
	v21 =	vor.u32 $0xE000, v59;
	[tilespmem:$0x1FFE0] =	vst v25  }
0x2a: {  	s7 =	sadd.s32 $0x800, s0;
	s3 =	sshrl.u32 s2, $0x1;
	s8 =	sor.u32 s1, s4;
	v52 =	vor.u32 $0x7000, v59;
	[tilespmem:$0x1FFF0] =	vst v21  }
0x2b: {  	s4 =	simm.s32 $0x2F80;
	s1 =	simm.s32 $0x3F80;
	s26 =	ssub.s32 s2, s3;
	v51 =	vor.u32 $0x9000, v59;
	[tilespmem:$0x1FF80] =	vst v52  }
0x2c: {  	s2 =	simm.s32 $0xC80;
	v50 =	vor.u32 $0xA000, v59;
	s3 =	simm.s32 $0x4F80;
	s0 =	smax.u32 s26, $0x1;
	[tilespmem:$0x1FFA0] =	vst v51  }
0x2d: {  	s26 =	simm.s32 $0x16F80;
	[tilespmem:$0x1FFB0] =	vst v50;
	[dreg:$0x4] =	wrdreg s0;
	s0 =	simm.s32 $0xB80  }
.LBB2_1:
0x2e: {  	[dreg:$0x5] =	wrdreg s20;
	s19 =	simm.s32 $0x0  }
.LBB2_2:
0x2f: {  	s20 =	sshll.u32 s19, $0x5  }
0x30: {  	s20 =	sadd.s32 s8, s20  }
0x31: {  	s23 =	rddreg [dreg:$0x0];
	s22 =	sshrl.u32 s20, $0x3  }
0x32: {  	s23 =	sadd.s32 s23, s22;
	s22 =	simm.s32 $0x0  }
0x33: {  	[tilespmem:s22], [sflag:$0x2] =	stream.linear.gather [hbm4b:s23+s22], $0x20, $0x38;
	[tilespmem:$0x19080] =	vst v63  }
0x34: {  	_ =	swait.ge [sflag:s10], $0x20  }
0x35: {  	s20 =	smul.u32 $0x5, s20;
	[sflag:s10] =	ssyncset.done $0x0  }
0x36: {  	[sflag:s10] =	ssyncadd.s32 $0xFFFFFFE0  }
0x37: {  	s20 =	sshrl.u32 s20, $0x3;
	s25 =	rddreg [dreg:$0x1]  }
0x38: {  	s23 =	sadd.s32 s25, s20  }
0x39: {  	[tilespmem:s11], [sflag:$0x2] =	stream.linear.gather [hbm4b:s23+s22], $0xA0, $0x38;
	[tilespmem:$0x19080] =	vst v63  }
0x3a: {  	_ =	swait.ge [sflag:s10], $0xA0  }
0x3b: {  	[sflag:s10] =	ssyncset.done $0x0  }
0x3c: {  	[sflag:s10] =	ssyncadd.s32 $0xFFFFFF60  }
0x3d: {  	v0 =	vld [tilespmem:$0x0];
	_ =	sdelay $0x3  }
0x3e: {  	v55 =	vld [tilespmem:$0x1FDA0]  }
0x3f: {  	v1 =	vmul.u32 $0x1410, v0  }
0x40: {  	v2 =	vmul.u32 $0x1CB3, v0  }
0x41: {  	v0 =	vmul.u32 $0x266A, v0;
	v1 =	vadd.s32 $0x862E, v1  }
0x42: {  	v2 =	vadd.s32 $0x6B76C, v2;
	v1 =	vand.u32 $0xFFFFE, v1  }
0x43: {  	v0 =	vadd.s32 $0x5EB97, v0;
	v54 =	vand.u32 $0xFFFFF, v2;
	[tilespmem:$0x180] =	vst v1  }
0x44: {  	v0 =	vand.u32 $0xFFFFF, v0;
	[tilespmem:$0x200] =	vst v54  }
0x45: {  	[tilespmem:$0x280] =	vst v0  }
0x46: {  	v0 =	vld.idx.msk [tilespmem:v55+s11+$0x0], $0xffff;
	_ =	sdelay $0x3  }
0x47: {  	v16 =	vld [tilespmem:$0x1FD60]  }
0x48: {  	v56 =	vmul.u32 $0x1410, v0  }
0x49: {  	v57 =	vmul.u32 $0x1CB3, v0  }
0x4a: {  	v3 =	vmul.u32 $0x266A, v0;
	v1 =	vadd.s32 $0x862E, v56  }
0x4b: {  	[tilespmem:$0xB00] =	vst v0;
	v60 =	vadd.s32 $0x6B76C, v57;
	v58 =	vand.u32 $0xFFFFE, v1  }
0x4c: {  	v62 =	vadd.s32 $0x5EB97, v3;
	v61 =	vand.u32 $0xFFFFF, v60;
	[tilespmem:$0x380] =	vst v58  }
0x4d: {  	v63 =	vand.u32 $0xFFFFF, v62;
	[tilespmem:$0x400] =	vst v61  }
0x4e: {  	[tilespmem:$0x480] =	vst v63  }
0x4f: {  	v0 =	vld.idx.msk [tilespmem:v16+s11+$0x0], $0xffff;
	_ =	sdelay $0x3  }
0x50: {  	v38 =	vld [tilespmem:$0x1FD70]  }
0x51: {  	v17 =	vmul.u32 $0x1410, v0  }
0x52: {  	v18 =	vmul.u32 $0x1CB3, v0  }
0x53: {  	v3 =	vmul.u32 $0x266A, v0;
	v1 =	vadd.s32 $0x862E, v17  }
0x54: {  	[tilespmem:$0xB80] =	vst v0;
	v33 =	vadd.s32 $0x6B76C, v18;
	v19 =	vand.u32 $0xFFFFE, v1  }
0x55: {  	v36 =	vadd.s32 $0x5EB97, v3;
	v34 =	vand.u32 $0xFFFFF, v33;
	[tilespmem:$0x500] =	vst v19  }
0x56: {  	v37 =	vand.u32 $0xFFFFF, v36;
	[tilespmem:$0x580] =	vst v34  }
0x57: {  	[tilespmem:$0x600] =	vst v37  }
0x58: {  	v0 =	vld.idx.msk [tilespmem:v38+s11+$0x0], $0xffff;
	_ =	sdelay $0x3  }
0x59: {  	v46 =	vld [tilespmem:$0x1FD80]  }
0x5a: {  	v39 =	vmul.u32 $0x1410, v0  }
0x5b: {  	v40 =	vmul.u32 $0x1CB3, v0  }
0x5c: {  	v3 =	vmul.u32 $0x266A, v0;
	v1 =	vadd.s32 $0x862E, v39  }
0x5d: {  	[tilespmem:$0xC00] =	vst v0;
	v42 =	vadd.s32 $0x6B76C, v40;
	v41 =	vand.u32 $0xFFFFE, v1  }
0x5e: {  	v44 =	vadd.s32 $0x5EB97, v3;
	v43 =	vand.u32 $0xFFFFF, v42;
	[tilespmem:$0x680] =	vst v41  }
0x5f: {  	v45 =	vand.u32 $0xFFFFF, v44;
	[tilespmem:$0x700] =	vst v43  }
0x60: {  	[tilespmem:$0x780] =	vst v45  }
0x61: {  	v0 =	vld.idx.msk [tilespmem:v46+s11+$0x0], $0xffff;
	_ =	sdelay $0x3  }
0x62: {  	v57 =	vld [tilespmem:$0x1FD90]  }
0x63: {  	v47 =	vmul.u32 $0x1410, v0  }
0x64: {  	v48 =	vmul.u32 $0x1CB3, v0  }
0x65: {  	v3 =	vmul.u32 $0x266A, v0;
	v1 =	vadd.s32 $0x862E, v47  }
0x66: {  	[tilespmem:$0xC80] =	vst v0;
	v53 =	vadd.s32 $0x6B76C, v48;
	v49 =	vand.u32 $0xFFFFE, v1  }
0x67: {  	v55 =	vadd.s32 $0x5EB97, v3;
	v54 =	vand.u32 $0xFFFFF, v53;
	[tilespmem:$0x800] =	vst v49  }
0x68: {  	v58 =	vld [tilespmem:$0x10];
	v56 =	vand.u32 $0xFFFFF, v55;
	[tilespmem:$0x880] =	vst v54  }
0x69: {  	[tilespmem:$0x900] =	vst v56  }
0x6a: {  	v0 =	vld.idx.msk [tilespmem:v57+s11+$0x0], $0xffff;
	_ =	sdelay $0x2  }
0x6b: {  	v1 =	vmul.u32 $0x266A, v58;
	_ =	sdelay $0x1  }
0x6c: {  	v1 =	vadd.s32 $0x5EB97, v1;
	v60 =	vmul.u32 $0x1410, v0  }
0x6d: {  	v36 =	vand.u32 $0xFFFFF, v1;
	v3 =	vmul.u32 $0x1CB3, v0  }
0x6e: {  	[tilespmem:$0x290] =	vst v36;
	v4 =	vmul.u32 $0x266A, v0;
	v2 =	vadd.s32 $0x862E, v60  }
0x6f: {  	[tilespmem:$0xD00] =	vst v0;
	v62 =	vadd.s32 $0x6B76C, v3;
	v3 =	vmul.u32 $0x1410, v58;
	v61 =	vand.u32 $0xFFFFE, v2  }
0x70: {  	v16 =	vadd.s32 $0x5EB97, v4;
	v4 =	vmul.u32 $0x1CB3, v58;
	v63 =	vand.u32 $0xFFFFF, v62;
	[tilespmem:$0x980] =	vst v61  }
0x71: {  	v17 =	vand.u32 $0xFFFFF, v16;
	[tilespmem:$0xA00] =	vst v63;
	v18 =	vadd.s32 $0x862E, v3  }
0x72: {  	[tilespmem:$0xA80] =	vst v17;
	v33 =	vadd.s32 $0x6B76C, v4;
	v19 =	vand.u32 $0xFFFFE, v18  }
0x73: {  	v34 =	vand.u32 $0xFFFFF, v33;
	[tilespmem:$0x190] =	vst v19  }
0x74: {  	[tilespmem:$0x210] =	vst v34  }
0x75: {  	v0 =	vld.idx.msk [tilespmem:v7+s11+$0x0], $0xffff;
	_ =	sdelay $0x4  }
0x76: {  	v37 =	vmul.u32 $0x1410, v0  }
0x77: {  	v38 =	vmul.u32 $0x1CB3, v0  }
0x78: {  	v3 =	vmul.u32 $0x266A, v0;
	v1 =	vadd.s32 $0x862E, v37  }
0x79: {  	[tilespmem:$0xB10] =	vst v0;
	v40 =	vadd.s32 $0x6B76C, v38;
	v39 =	vand.u32 $0xFFFFE, v1  }
0x7a: {  	v42 =	vadd.s32 $0x5EB97, v3;
	v41 =	vand.u32 $0xFFFFF, v40;
	[tilespmem:$0x390] =	vst v39  }
0x7b: {  	v43 =	vand.u32 $0xFFFFF, v42;
	[tilespmem:$0x410] =	vst v41  }
0x7c: {  	[tilespmem:$0x490] =	vst v43  }
0x7d: {  	v0 =	vld.idx.msk [tilespmem:v5+s11+$0x0], $0xffff;
	_ =	sdelay $0x4  }
0x7e: {  	v44 =	vmul.u32 $0x1410, v0  }
0x7f: {  	v45 =	vmul.u32 $0x1CB3, v0  }
0x80: {  	v3 =	vmul.u32 $0x266A, v0;
	v1 =	vadd.s32 $0x862E, v44  }
0x81: {  	[tilespmem:$0xB90] =	vst v0;
	v47 =	vadd.s32 $0x6B76C, v45;
	v46 =	vand.u32 $0xFFFFE, v1  }
0x82: {  	v49 =	vadd.s32 $0x5EB97, v3;
	v48 =	vand.u32 $0xFFFFF, v47;
	[tilespmem:$0x510] =	vst v46  }
0x83: {  	v53 =	vand.u32 $0xFFFFF, v49;
	[tilespmem:$0x590] =	vst v48  }
0x84: {  	[tilespmem:$0x610] =	vst v53  }
0x85: {  	v0 =	vld.idx.msk [tilespmem:v6+s11+$0x0], $0xffff;
	_ =	sdelay $0x4  }
0x86: {  	v54 =	vmul.u32 $0x1410, v0  }
0x87: {  	v55 =	vmul.u32 $0x1CB3, v0  }
0x88: {  	v3 =	vmul.u32 $0x266A, v0;
	v1 =	vadd.s32 $0x862E, v54  }
0x89: {  	[tilespmem:$0xC10] =	vst v0;
	v57 =	vadd.s32 $0x6B76C, v55;
	v56 =	vand.u32 $0xFFFFE, v1  }
0x8a: {  	v60 =	vadd.s32 $0x5EB97, v3;
	v58 =	vand.u32 $0xFFFFF, v57;
	[tilespmem:$0x690] =	vst v56  }
0x8b: {  	v61 =	vand.u32 $0xFFFFF, v60;
	[tilespmem:$0x710] =	vst v58  }
0x8c: {  	[tilespmem:$0x790] =	vst v61  }
0x8d: {  	v0 =	vld.idx.msk [tilespmem:v8+s11+$0x0], $0xffff;
	_ =	sdelay $0x4  }
0x8e: {  	v62 =	vmul.u32 $0x1410, v0  }
0x8f: {  	v63 =	vmul.u32 $0x1CB3, v0  }
0x90: {  	v3 =	vmul.u32 $0x266A, v0;
	v1 =	vadd.s32 $0x862E, v62  }
0x91: {  	[tilespmem:$0xC90] =	vst v0;
	v17 =	vadd.s32 $0x6B76C, v63;
	v16 =	vand.u32 $0xFFFFE, v1  }
0x92: {  	v19 =	vadd.s32 $0x5EB97, v3;
	v18 =	vand.u32 $0xFFFFF, v17;
	[tilespmem:$0x810] =	vst v16  }
0x93: {  	v33 =	vand.u32 $0xFFFFF, v19;
	[tilespmem:$0x890] =	vst v18  }
0x94: {  	[tilespmem:$0x910] =	vst v33  }
0x95: {  	v0 =	vld.idx.msk [tilespmem:v9+s11+$0x0], $0xffff;
	_ =	sdelay $0x4  }
0x96: {  	v34 =	vmul.u32 $0x1410, v0  }
0x97: {  	v36 =	vmul.u32 $0x1CB3, v0  }
0x98: {  	v3 =	vmul.u32 $0x266A, v0;
	v1 =	vadd.s32 $0x862E, v34  }
0x99: {  	[tilespmem:$0xD10] =	vst v0;
	v38 =	vadd.s32 $0x6B76C, v36;
	v37 =	vand.u32 $0xFFFFE, v1  }
0x9a: {  	v40 =	vadd.s32 $0x5EB97, v3;
	v39 =	vand.u32 $0xFFFFF, v38;
	[tilespmem:$0x990] =	vst v37  }
0x9b: {  	v41 =	vand.u32 $0xFFFFF, v40;
	[tilespmem:$0xA10] =	vst v39  }
0x9c: {  	[tilespmem:$0xA90] =	vst v41  }
0x9d: {  	[tilespmem:s13], [sflag:$0x1] =	stream.indirect.gather [hbm4b:s6+s12], $0x80, s22, s12, $0xb8;
	[tilespmem:$0x19080] =	vst v63  }
0x9e: {  	s24 =	simm.s32 $0x180  }
0x9f: {  	[tilespmem:s15], [sflag:$0x1] =	stream.indirect.gather [hbm4b:s5+s12], $0x80, s24, s12, $0xb8;
	[tilespmem:$0x19080] =	vst v63  }
0xa0: {  	s25 =	simm.s32 $0x200;
	s24 =	simm.s32 $0x7F80  }
0xa1: {  	[tilespmem:s24], [sflag:$0x1] =	stream.indirect.gather [hbm4b:s5+s12], $0x80, s25, s12, $0xb8;
	[tilespmem:$0x19080] =	vst v63  }
0xa2: {  	s24 =	simm.s32 $0x280;
	s25 =	simm.s32 $0x8F80  }
0xa3: {  	[tilespmem:s25], [sflag:$0x1] =	stream.indirect.gather [hbm4b:s5+s12], $0x80, s24, s12, $0xb8;
	[tilespmem:$0x19080] =	vst v63  }
0xa4: {  	s25 =	simm.s32 $0x380  }
0xa5: {  	[tilespmem:s21], [sflag:$0x1] =	stream.indirect.gather [hbm4b:s5+s12], $0x80, s25, s12, $0xb8;
	[tilespmem:$0x19080] =	vst v63  }
0xa6: {  	s24 =	simm.s32 $0x400;
	s25 =	simm.s32 $0xAF80  }
0xa7: {  	[tilespmem:s25], [sflag:$0x1] =	stream.indirect.gather [hbm4b:s5+s12], $0x80, s24, s12, $0xb8;
	[tilespmem:$0x19080] =	vst v63  }
0xa8: {  	s24 =	simm.s32 $0x480;
	s25 =	simm.s32 $0xBF80  }
0xa9: {  	[tilespmem:s25], [sflag:$0x1] =	stream.indirect.gather [hbm4b:s5+s12], $0x80, s24, s12, $0xb8;
	[tilespmem:$0x19080] =	vst v63  }
0xaa: {  	s24 =	simm.s32 $0x500;
	s25 =	simm.s32 $0xCF80  }
0xab: {  	[tilespmem:s25], [sflag:$0x1] =	stream.indirect.gather [hbm4b:s5+s12], $0x80, s24, s12, $0xb8;
	[tilespmem:$0x19080] =	vst v63  }
0xac: {  	s24 =	simm.s32 $0x580;
	s25 =	simm.s32 $0xDF80  }
0xad: {  	[tilespmem:s25], [sflag:$0x1] =	stream.indirect.gather [hbm4b:s5+s12], $0x80, s24, s12, $0xb8;
	[tilespmem:$0x19080] =	vst v63  }
0xae: {  	s24 =	simm.s32 $0x600;
	s25 =	simm.s32 $0xEF80  }
0xaf: {  	[tilespmem:s25], [sflag:$0x1] =	stream.indirect.gather [hbm4b:s5+s12], $0x80, s24, s12, $0xb8;
	[tilespmem:$0x19080] =	vst v63  }
0xb0: {  	s24 =	simm.s32 $0x680;
	s25 =	simm.s32 $0xFF80  }
0xb1: {  	[tilespmem:s25], [sflag:$0x1] =	stream.indirect.gather [hbm4b:s5+s12], $0x80, s24, s12, $0xb8;
	[tilespmem:$0x19080] =	vst v63  }
0xb2: {  	s24 =	simm.s32 $0x700;
	s25 =	simm.s32 $0x10F80  }
0xb3: {  	[tilespmem:s25], [sflag:$0x1] =	stream.indirect.gather [hbm4b:s5+s12], $0x80, s24, s12, $0xb8;
	[tilespmem:$0x19080] =	vst v63  }
0xb4: {  	s24 =	simm.s32 $0x780;
	s25 =	simm.s32 $0x11F80  }
0xb5: {  	[tilespmem:s25], [sflag:$0x1] =	stream.indirect.gather [hbm4b:s5+s12], $0x80, s24, s12, $0xb8;
	[tilespmem:$0x19080] =	vst v63  }
0xb6: {  	s24 =	simm.s32 $0x800;
	s25 =	simm.s32 $0x12F80  }
0xb7: {  	[tilespmem:s25], [sflag:$0x1] =	stream.indirect.gather [hbm4b:s5+s12], $0x80, s24, s12, $0xb8;
	[tilespmem:$0x19080] =	vst v63  }
0xb8: {  	s24 =	simm.s32 $0x880;
	s25 =	simm.s32 $0x13F80  }
0xb9: {  	[tilespmem:s25], [sflag:$0x1] =	stream.indirect.gather [hbm4b:s5+s12], $0x80, s24, s12, $0xb8;
	[tilespmem:$0x19080] =	vst v63  }
0xba: {  	s24 =	simm.s32 $0x900;
	s25 =	simm.s32 $0x14F80  }
0xbb: {  	[tilespmem:s25], [sflag:$0x1] =	stream.indirect.gather [hbm4b:s5+s12], $0x80, s24, s12, $0xb8;
	[tilespmem:$0x19080] =	vst v63  }
0xbc: {  	s24 =	simm.s32 $0x980;
	s25 =	simm.s32 $0x15F80  }
0xbd: {  	[tilespmem:s25], [sflag:$0x1] =	stream.indirect.gather [hbm4b:s5+s12], $0x80, s24, s12, $0xb8;
	[tilespmem:$0x19080] =	vst v63  }
0xbe: {  	s24 =	simm.s32 $0xA00  }
0xbf: {  	[tilespmem:s26], [sflag:$0x1] =	stream.indirect.gather [hbm4b:s5+s12], $0x80, s24, s12, $0xb8;
	[tilespmem:$0x19080] =	vst v63  }
0xc0: {  	_ = 	snop  }
0xc1: {  	[tilespmem:s29], [sflag:$0x1] =	stream.indirect.gather [hbm4b:s5+s12], $0x80, s28, s12, $0xb8;
	[tilespmem:$0x19080] =	vst v63  }
0xc2: {  	_ = 	snop  }
0xc3: {  	[tilespmem:s31], [sflag:$0x1] =	stream.indirect.gather [hbm4b:s6+s12], $0x80, s30, s12, $0xb8;
	[tilespmem:$0x19080] =	vst v63  }
0xc4: {  	_ = 	snop  }
0xc5: {  	[tilespmem:s4], [sflag:$0x1] =	stream.indirect.gather [hbm4b:s6+s12], $0x80, s0, s12, $0xb8;
	[tilespmem:$0x19080] =	vst v63  }
0xc6: {  	_ = 	snop  }
0xc7: {  	[tilespmem:s1], [sflag:$0x1] =	stream.indirect.gather [hbm4b:s6+s12], $0x80, s9, s12, $0xb8;
	[tilespmem:$0x19080] =	vst v63  }
0xc8: {  	_ = 	snop  }
0xc9: {  	[tilespmem:s3], [sflag:$0x1] =	stream.indirect.gather [hbm4b:s6+s12], $0x80, s2, s12, $0xb8;
	[tilespmem:$0x19080] =	vst v63  }
0xca: {  	_ = 	snop  }
0xcb: {  	[tilespmem:s16], [sflag:$0x1] =	stream.indirect.gather [hbm4b:s6+s12], $0x80, s14, s12, $0xb8;
	[tilespmem:$0x19080] =	vst v63  }
0xcc: {  	_ =	swait.ge [sflag:s17], $0x1000  }
0xcd: {  	[sflag:s17] =	ssyncset.done $0x0  }
0xce: {  	[sflag:s17] =	ssyncadd.s32 $0xFFFFF000  }
0xcf: {  	_ =	swait.ge [sflag:s17], $0x1000  }
0xd0: {  	[sflag:s17] =	ssyncset.done $0x0  }
0xd1: {  	[sflag:s17] =	ssyncadd.s32 $0xFFFFF000  }
0xd2: {  	_ =	swait.ge [sflag:s17], $0x1000  }
0xd3: {  	[sflag:s17] =	ssyncset.done $0x0  }
0xd4: {  	[sflag:s17] =	ssyncadd.s32 $0xFFFFF000  }
0xd5: {  	_ =	swait.ge [sflag:s17], $0x1000  }
0xd6: {  	[sflag:s17] =	ssyncset.done $0x0  }
0xd7: {  	[sflag:s17] =	ssyncadd.s32 $0xFFFFF000  }
0xd8: {  	_ =	swait.ge [sflag:s17], $0x1000  }
0xd9: {  	[sflag:s17] =	ssyncset.done $0x0  }
0xda: {  	[sflag:s17] =	ssyncadd.s32 $0xFFFFF000  }
0xdb: {  	_ =	swait.ge [sflag:s17], $0x1000  }
0xdc: {  	[sflag:s17] =	ssyncset.done $0x0  }
0xdd: {  	[sflag:s17] =	ssyncadd.s32 $0xFFFFF000  }
0xde: {  	_ =	swait.ge [sflag:s17], $0x1000  }
0xdf: {  	[sflag:s17] =	ssyncset.done $0x0  }
0xe0: {  	[sflag:s17] =	ssyncadd.s32 $0xFFFFF000  }
0xe1: {  	_ =	swait.ge [sflag:s17], $0x1000  }
0xe2: {  	[sflag:s17] =	ssyncset.done $0x0  }
0xe3: {  	[sflag:s17] =	ssyncadd.s32 $0xFFFFF000  }
0xe4: {  	_ =	swait.ge [sflag:s17], $0x1000  }
0xe5: {  	[sflag:s17] =	ssyncset.done $0x0  }
0xe6: {  	[sflag:s17] =	ssyncadd.s32 $0xFFFFF000  }
0xe7: {  	_ =	swait.ge [sflag:s17], $0x1000  }
0xe8: {  	[sflag:s17] =	ssyncset.done $0x0  }
0xe9: {  	[sflag:s17] =	ssyncadd.s32 $0xFFFFF000  }
0xea: {  	_ =	swait.ge [sflag:s17], $0x1000  }
0xeb: {  	[sflag:s17] =	ssyncset.done $0x0  }
0xec: {  	[sflag:s17] =	ssyncadd.s32 $0xFFFFF000  }
0xed: {  	_ =	swait.ge [sflag:s17], $0x1000  }
0xee: {  	[sflag:s17] =	ssyncset.done $0x0  }
0xef: {  	[sflag:s17] =	ssyncadd.s32 $0xFFFFF000  }
0xf0: {  	_ =	swait.ge [sflag:s17], $0x1000  }
0xf1: {  	[sflag:s17] =	ssyncset.done $0x0  }
0xf2: {  	[sflag:s17] =	ssyncadd.s32 $0xFFFFF000  }
0xf3: {  	_ =	swait.ge [sflag:s17], $0x1000  }
0xf4: {  	[sflag:s17] =	ssyncset.done $0x0  }
0xf5: {  	[sflag:s17] =	ssyncadd.s32 $0xFFFFF000  }
0xf6: {  	_ =	swait.ge [sflag:s17], $0x1000  }
0xf7: {  	[sflag:s17] =	ssyncset.done $0x0  }
0xf8: {  	[sflag:s17] =	ssyncadd.s32 $0xFFFFF000  }
0xf9: {  	_ =	swait.ge [sflag:s17], $0x1000  }
0xfa: {  	[sflag:s17] =	ssyncset.done $0x0  }
0xfb: {  	[sflag:s17] =	ssyncadd.s32 $0xFFFFF000  }
0xfc: {  	_ =	swait.ge [sflag:s17], $0x1000  }
0xfd: {  	[sflag:s17] =	ssyncset.done $0x0  }
0xfe: {  	[sflag:s17] =	ssyncadd.s32 $0xFFFFF000  }
0xff: {  	_ =	swait.ge [sflag:s17], $0x1000  }
0x100: {  	[sflag:s17] =	ssyncset.done $0x0  }
0x101: {  	[sflag:s17] =	ssyncadd.s32 $0xFFFFF000  }
0x102: {  	_ =	swait.ge [sflag:s17], $0x1000  }
0x103: {  	[sflag:s17] =	ssyncset.done $0x0  }
0x104: {  	[sflag:s17] =	ssyncadd.s32 $0xFFFFF000  }
0x105: {  	_ =	swait.ge [sflag:s17], $0x1000  }
0x106: {  	[sflag:s17] =	ssyncset.done $0x0  }
0x107: {  	[sflag:s17] =	ssyncadd.s32 $0xFFFFF000  }
0x108: {  	_ =	swait.ge [sflag:s17], $0x1000  }
0x109: {  	[sflag:s17] =	ssyncset.done $0x0  }
0x10a: {  	[sflag:s17] =	ssyncadd.s32 $0xFFFFF000  }
0x10b: {  	_ =	swait.ge [sflag:s17], $0x1000  }
0x10c: {  	[sflag:s17] =	ssyncset.done $0x0  }
0x10d: {  	[sflag:s17] =	ssyncadd.s32 $0xFFFFF000  }
0x10e: {  	_ =	swait.ge [sflag:s17], $0x1000  }
0x10f: {  	[sflag:s17] =	ssyncset.done $0x0  }
0x110: {  	[sflag:s17] =	ssyncadd.s32 $0xFFFFF000  }
0x111: {  	_ =	swait.ge [sflag:s17], $0x1000  }
0x112: {  	v45 =	vld [tilespmem:$0x1FDE0];
	_ =	sdelay $0x4  }
0x113: {  	v47 =	vld [tilespmem:$0x1FE00]  }
0x114: {  	[sflag:s17] =	ssyncset.done $0x0  }
0x115: {  	[sflag:s17] =	ssyncadd.s32 $0xFFFFF000  }
0x116: {  	v0 =	vld.idx.msk [tilespmem:v45+s31+$0x0], $0xffff;
	_ =	sdelay $0x1  }
0x117: {  	v48 =	vld [tilespmem:$0x1FE10];
	_ =	sdelay $0x2  }
0x118: {  	[tilespmem:$0x1FBF0] =	vst v0;
	v0 =	vld.idx.msk [tilespmem:v47+s31+$0x0], $0xffff;
	_ =	sdelay $0x1  }
0x119: {  	v53 =	vld [tilespmem:$0x1FE30]  }
0x11a: {  	v5 =	vld [tilespmem:$0x1FE90]  }
0x11b: {  	v62 =	vld [tilespmem:$0x1FE40]  }
0x11c: {  	[tilespmem:$0x1FC00] =	vst v0;
	v0 =	vld.idx.msk [tilespmem:v48+s31+$0x0], $0xffff  }
0x11d: {  	v4 =	vld [tilespmem:$0x1FE80]  }
0x11e: {  	v6 =	vld [tilespmem:$0x1FEB0]  }
0x11f: {  	v63 =	vld [tilespmem:$0x1FE50]  }
0x120: {  	v16 =	vld [tilespmem:$0x1FE60]  }
0x121: {  	[tilespmem:$0x1FC10] =	vst v0;
	v0 =	vld.idx.msk [tilespmem:v53+s31+$0x0], $0xffff  }
0x122: {  	v5 =	vld.idx.msk [tilespmem:v5+s31+$0x0], $0xffff  }
0x123: {  	v1 =	vld.idx.msk [tilespmem:v62+s31+$0x0], $0xffff  }
0x124: {  	v18 =	vld [tilespmem:$0x1FE70]  }
0x125: {  	v58 =	vmov s22;
	v4 =	vld.idx.msk [tilespmem:v4+s31+$0x0], $0xffff  }
0x126: {  	s23 =	simm.s32 $0x43;
	v27 =	vld.idx.msk [tilespmem:v6+s31+$0x0], $0xffff;
	[tilespmem:$0x1FC20] =	vst v0;
	v0 =	vand.u32 $0x7C, v58  }
0x127: {  	v3 =	vmov s23;
	[tilespmem:$0x1FC50] =	vst v5;
	v5 =	vld [tilespmem:$0x1FEA0];
	v0 =	vbroadcast v0, $0x0  }
0x128: {  	v3 =	vand.u32 $0x7F, v3;
	[tilespmem:$0x1FC30] =	vst v1;
	v1 =	vld.idx.msk [tilespmem:v16+s31+$0x0], $0xffff  }
0x129: {  	v3 =	vbroadcast v3, $0x0;
	s24 =	simm.s32 $0x2;
	v19 =	vor.u32 v13, v0  }
0x12a: {  	s25 =	simm.s32 $0x3;
	v33 =	vmov s24  }
0x12b: {  	v17 =	vmov s25;
	s25 =	simm.s32 $0x42;
	v2 =	vand.u32 $0x7E, v33;
	v6 =	vor.u32 v13, v3;
	[tilespmem:$0x1FB10] =	vst v4  }
0x12c: {  	v8 =	vor.u32 v14, v3;
	v9 =	vmov s25;
	v2 =	vbroadcast v2, $0x0;
	v62 =	vld.idx.msk [tilespmem:v63+s31+$0x0], $0xffff;
	[tilespmem:$0x1FCA0] =	vst v27  }
0x12d: {  	v15 =	vmov v10;
	v10 =	vor.u32 v10, v3;
	v34 =	vand.u32 $0x7E, v9;
	[tilespmem:$0x1FC40] =	vst v1;
	v53 =	vld.idx.msk [tilespmem:v18+s31+$0x0], $0xffff  }
0x12e: {  	v9 =	vor.u32 v12, v3;
	v1 =	vand.u32 $0x7F, v17;
	v7 =	vld.idx.msk [tilespmem:v19+s15+$0x0], $0xffff;
	v19 =	vmovc v12;
	v12 =	vor.u32 v13, v2  }
0x12f: {  	v1 =	vbroadcast v1, $0x0;
	v58 =	vld.idx.msk [tilespmem:v5+s31+$0x0], $0xffff  }
0x130: {  	v36 =	vor.u32 v21, v3;
	v6 =	vld.idx.msk [tilespmem:v6+s21+$0x0], $0xffff  }
0x131: {  	v5 =	vor.u32 v13, v1;
	v63 =	vld.idx.msk [tilespmem:v8+s21+$0x0], $0xffff  }
0x132: {  	v18 =	vmov v15;
	v15 =	vbroadcast v34, $0x0;
	v10 =	vld.idx.msk [tilespmem:v10+s21+$0x0], $0xffff;
	v4 =	vor.u32 v59, v0  }
0x133: {  	v0 =	vor.u32 v11, v0;
	v40 =	vld.idx.msk [tilespmem:v12+s15+$0x0], $0xffff  }
0x134: {  	v16 =	vmov v13;
	v9 =	vld.idx.msk [tilespmem:v9+s21+$0x0], $0xffff;
	v13 =	vor.u32 v13, v15  }
0x135: {  	v8 =	vld.idx.msk [tilespmem:v36+s21+$0x0], $0xffff  }
0x136: {  	v5 =	vld.idx.msk [tilespmem:v5+s15+$0x0], $0xffff  }
0x137: {  	v4 =	vld.idx.msk [tilespmem:v4+s15+$0x0], $0xffff  }
0x138: {  	v17 =	vmov v14;
	v14 =	vld.idx.msk [tilespmem:v0+s15+$0x0], $0xffff;
	[tilespmem:$0x1FB50] =	vst v40  }
0x139: {  	v12 =	vld.idx.msk [tilespmem:v13+s21+$0x0], $0xffff  }
0x13a: {  	v37 =	vor.u32 v17, v15;
	_ =	sdelay $0x1  }
0x13b: {  	v44 =	vld [tilespmem:$0x1FDD0];
	_ =	sdelay $0x1  }
0x13c: {  	v42 =	vld [tilespmem:$0x1FDB0];
	[tilespmem:$0x1FB80] =	vst v12  }
0x13d: {  	v13 =	vld.idx.msk [tilespmem:v37+s21+$0x0], $0xffff  }
0x13e: {  	v39 =	vor.u32 v19, v15;
	_ =	sdelay $0x2  }
0x13f: {  	v43 =	vld [tilespmem:$0x1FDC0]  }
0x140: {  	v56 =	vld.idx.msk [tilespmem:v44+s31+$0x0], $0xffff;
	[tilespmem:$0x1FBB0] =	vst v13  }
0x141: {  	v38 =	vor.u32 v18, v15;
	v44 =	vld.idx.msk [tilespmem:v39+s21+$0x0], $0xffff  }
0x142: {  	v55 =	vld.idx.msk [tilespmem:v42+s13+$0x0], $0xffff;
	v42 =	vor.u32 v21, v15  }
0x143: {  	v46 =	vld [tilespmem:$0x1FDF0]  }
0x144: {  	v49 =	vld [tilespmem:$0x1FE20];
	_ =	sdelay $0x1  }
0x145: {  	v41 =	vmov v16;
	v16 =	vld.idx.msk [tilespmem:v38+s21+$0x0], $0xffff;
	[tilespmem:$0x1FC80] =	vst v44  }
0x146: {  	v0 =	vld.idx.msk [tilespmem:v42+s21+$0x0], $0xffff  }
0x147: {  	v12 =	vor.u32 v59, v1  }
0x148: {  	v13 =	vor.u32 v11, v1  }
0x149: {  	v57 =	vld.idx.msk [tilespmem:v43+s13+$0x0], $0xffff;
	v43 =	vor.u32 v59, v3  }
0x14a: {  	v60 =	vld.idx.msk [tilespmem:v46+s31+$0x0], $0xffff;
	v45 =	vor.u32 v11, v3  }
0x14b: {  	v20 =	vor.u32 v26, v3;
	v61 =	vld.idx.msk [tilespmem:v49+s31+$0x0], $0xffff;
	[tilespmem:$0x1FCB0] =	vst v0  }
0x14c: {  	v28 =	vld.idx.msk [tilespmem:v12+s15+$0x0], $0xffff;
	v12 =	vor.u32 v32, v3  }
0x14d: {  	v29 =	vld.idx.msk [tilespmem:v13+s15+$0x0], $0xffff;
	v13 =	vor.u32 v22, v3  }
0x14e: {  	s23 =	simm.s32 $0x1;
	v46 =	vor.u32 v52, v3;
	v30 =	vld.idx.msk [tilespmem:v43+s21+$0x0], $0xffff  }
0x14f: {  	v23 =	vmov s23;
	v47 =	vor.u32 v51, v3;
	v31 =	vld.idx.msk [tilespmem:v45+s21+$0x0], $0xffff  }
0x150: {  	v23 =	vand.u32 $0x7D, v23;
	v19 =	vld.idx.msk [tilespmem:v20+s21+$0x0], $0xffff;
	v20 =	vor.u32 v50, v3  }
0x151: {  	v24 =	vor.u32 v35, v3;
	s25 =	simm.s32 $0x40;
	s24 =	simm.s32 $0x41;
	v36 =	vbroadcast v23, $0x0;
	v33 =	vld.idx.msk [tilespmem:v12+s21+$0x0], $0xffff  }
0x152: {  	v3 =	vor.u32 v25, v3;
	v12 =	vmov s24;
	v34 =	vld.idx.msk [tilespmem:v13+s21+$0x0], $0xffff;
	v13 =	vmov s25  }
0x153: {  	v21 =	vmovc v35;
	v1 =	vmovc v25;
	v25 =	vor.u32 v59, v2;
	v35 =	vld.idx.msk [tilespmem:v46+s21+$0x0], $0xffff;
	v48 =	vand.u32 $0x7D, v12;
	v12 =	vand.u32 $0x7C, v13  }
0x154: {  	v0 =	vmovc v26;
	v26 =	vor.u32 v11, v2;
	v37 =	vld.idx.msk [tilespmem:v47+s21+$0x0], $0xffff;
	v13 =	vbroadcast v12, $0x0;
	v12 =	vor.u32 v41, v36  }
0x155: {  	v49 =	vor.u32 v21, v15;
	v38 =	vor.u32 v59, v15;
	v39 =	vld.idx.msk [tilespmem:v20+s21+$0x0], $0xffff;
	[tilespmem:$0x1FD00] =	vst v12  }
0x156: {  	v23 =	vmul.f32 v7, v57;
	v40 =	vor.u32 v11, v15;
	v44 =	vor.u32 v22, v15;
	v41 =	vld.idx.msk [tilespmem:v24+s21+$0x0], $0xffff  }
0x157: {  	v42 =	vor.u32 v0, v15;
	v43 =	vor.u32 v32, v15;
	v45 =	vor.u32 v52, v15;
	v3 =	vld.idx.msk [tilespmem:v3+s21+$0x0], $0xffff  }
0x158: {  	v46 =	vor.u32 v51, v15;
	v47 =	vor.u32 v50, v15;
	v2 =	vbroadcast v48, $0x0;
	v7 =	vld.idx.msk [tilespmem:v25+s15+$0x0], $0xffff  }
0x159: {  	v48 =	vld.idx.msk [tilespmem:v26+s15+$0x0], $0xffff;
	v24 =	vmul.f32 v6, v60;
	v6 =	vor.u32 v1, v15;
	v15 =	vmul.f32 v63, v61  }
0x15a: {  	v26 =	vmul.f32 v5, v57;
	v5 =	vld.idx.msk [tilespmem:v38+s21+$0x0], $0xffff  }
0x15b: {  	v8 =	vmul.f32 v8, v27;
	v63 =	vld [tilespmem:$0x1FB10];
	[tilespmem:$0x1FB00] =	vst v15  }
0x15c: {  	v15 =	vld.idx.msk [tilespmem:v40+s21+$0x0], $0xffff  }
0x15d: {  	[tilespmem:$0x1FB30] =	vst v8;
	v8 =	vld [tilespmem:$0x1FB50];
	_ =	sdelay $0x2  }
0x15e: {  	v9 =	vmul.f32 v9, v63;
	_ =	sdelay $0x1  }
0x15f: {  	[tilespmem:$0x1FB20] =	vst v9;
	v8 =	vmul.f32 v8, v57  }
0x160: {  	v40 =	vld.idx.msk [tilespmem:v42+s21+$0x0], $0xffff  }
0x161: {  	[tilespmem:$0x1FB60] =	vst v8;
	v8 =	vld [tilespmem:$0x1FB80];
	_ =	sdelay $0x3  }
0x162: {  	v54 =	vld.idx.msk [tilespmem:v59+s13+$0x0], $0xffff  }
0x163: {  	v17 =	vld [tilespmem:$0x1FBF0];
	v8 =	vmul.f32 v8, v60  }
0x164: {  	[tilespmem:$0x1FB40] =	vst v57;
	v57 =	vld [tilespmem:$0x1FC10]  }
0x165: {  	[tilespmem:$0x1FB90] =	vst v8;
	v8 =	vld [tilespmem:$0x1FBB0]  }
0x166: {  	[tilespmem:$0x1FB70] =	vst v60;
	v60 =	vld [tilespmem:$0x1FC00]  }
0x167: {  	v12 =	vld [tilespmem:$0x1FC40];
	v25 =	vmul.f32 v10, v62  }
0x168: {  	v10 =	vmul.f32 v29, v55;
	v29 =	vmul.f32 v31, v17  }
0x169: {  	v9 =	vmul.f32 v28, v54;
	v28 =	vmul.f32 v30, v56  }
0x16a: {  	v31 =	vmul.f32 v33, v57;
	v8 =	vmul.f32 v8, v61  }
0x16b: {  	v42 =	vld.idx.msk [tilespmem:v43+s21+$0x0], $0xffff;
	[tilespmem:$0x1FBA0] =	vst v61;
	v30 =	vmul.f32 v19, v60;
	v19 =	vmul.f32 v39, v53  }
0x16c: {  	v18 =	vld [tilespmem:$0x1FC30];
	v61 =	vmul.f32 v37, v12;
	[tilespmem:$0x1FBC0] =	vst v8;
	v8 =	vmul.f32 v16, v62  }
0x16d: {  	v20 =	vld [tilespmem:$0x1FC20];
	v9 =	vadd.f32 v10, v9;
	v10 =	vadd.f32 v29, v28;
	[tilespmem:$0x1FBD0] =	vst v62  }
0x16e: {  	v28 =	vadd.f32 v31, v30;
	v30 =	vadd.f32 v19, v61;
	v61 =	vld [tilespmem:$0x1FC50];
	[tilespmem:$0x1FBE0] =	vst v8  }
0x16f: {  	v4 =	vmul.f32 v4, v54;
	v14 =	vmul.f32 v14, v55;
	v16 =	vld.idx.msk [tilespmem:v44+s21+$0x0], $0xffff  }
0x170: {  	v38 =	vor.u32 v59, v36;
	v44 =	vld.idx.msk [tilespmem:v45+s21+$0x0], $0xffff  }
0x171: {  	v43 =	vor.u32 v59, v2;
	v8 =	vadd.f32 v14, v4;
	v4 =	vld.idx.msk [tilespmem:v46+s21+$0x0], $0xffff  }
0x172: {  	v39 =	vor.u32 v51, v2;
	v46 =	vld.idx.msk [tilespmem:v47+s21+$0x0], $0xffff  }
0x173: {  	v36 =	vor.u32 v11, v36;
	v62 =	vld.idx.msk [tilespmem:v49+s21+$0x0], $0xffff  }
0x174: {  	v27 =	vor.u32 v11, v2;
	v6 =	vld.idx.msk [tilespmem:v6+s21+$0x0], $0xffff  }
0x175: {  	v14 =	vor.u32 v0, v2;
	v37 =	vld.idx.msk [tilespmem:v38+s15+$0x0], $0xffff  }
0x176: {  	v29 =	vmul.f32 v34, v20;
	v45 =	vor.u32 v32, v2;
	v49 =	vmul.f32 v35, v18;
	v43 =	vld.idx.msk [tilespmem:v43+s21+$0x0], $0xffff  }
0x177: {  	v7 =	vmul.f32 v7, v54;
	v47 =	vor.u32 v22, v2;
	v39 =	vld.idx.msk [tilespmem:v39+s21+$0x0], $0xffff  }
0x178: {  	v31 =	vmul.f32 v48, v55;
	v38 =	vor.u32 v52, v2;
	v29 =	vadd.f32 v49, v29;
	v49 =	vld.idx.msk [tilespmem:v36+s15+$0x0], $0xffff  }
0x179: {  	v48 =	vor.u32 v50, v2;
	v36 =	vmul.f32 v41, v61;
	v41 =	vld.idx.msk [tilespmem:v27+s21+$0x0], $0xffff  }
0x17a: {  	v5 =	vmul.f32 v5, v56;
	v15 =	vmul.f32 v15, v17;
	v31 =	vadd.f32 v31, v7;
	v7 =	vld.idx.msk [tilespmem:v14+s21+$0x0], $0xffff  }
0x17b: {  	v14 =	vor.u32 v21, v2;
	v45 =	vld.idx.msk [tilespmem:v45+s21+$0x0], $0xffff  }
0x17c: {  	v34 =	vadd.f32 v15, v5;
	v5 =	vld.idx.msk [tilespmem:v47+s21+$0x0], $0xffff  }
0x17d: {  	v35 =	vmul.f32 v42, v57;
	v42 =	vld.idx.msk [tilespmem:v38+s21+$0x0], $0xffff  }
0x17e: {  	v38 =	vmul.f32 v46, v53;
	v46 =	vld.idx.msk [tilespmem:v48+s21+$0x0], $0xffff;
	[tilespmem:$0x1FC60] =	vst v54  }
0x17f: {  	[tilespmem:$0x1FC70] =	vst v55  }
0x180: {  	v27 =	vmul.f32 v40, v60;
	v40 =	vmul.f32 v44, v18;
	v44 =	vor.u32 v11, v13;
	v11 =	vld.idx.msk [tilespmem:v14+s21+$0x0], $0xffff  }
0x181: {  	v14 =	vld [tilespmem:$0x1FC80];
	_ =	sdelay $0x4  }
0x182: {  	v14 =	vmul.f32 v14, v63  }
0x183: {  	v3 =	vmul.f32 v3, v58;
	v48 =	vmul.f32 v49, v55;
	v55 =	vld [tilespmem:$0x1FCA0]  }
0x184: {  	[tilespmem:$0x1FC90] =	vst v14;
	v14 =	vld [tilespmem:$0x1FCB0]  }
0x185: {  	v15 =	vor.u32 v59, v13;
	v33 =	vadd.f32 v3, v36;
	v16 =	vmul.f32 v16, v20  }
0x186: {  	v3 =	vor.u32 v1, v2;
	v36 =	vadd.f32 v35, v27;
	v4 =	vmul.f32 v4, v12  }
0x187: {  	v27 =	vmul.f32 v37, v54;
	v6 =	vmul.f32 v6, v58;
	v35 =	vadd.f32 v40, v16  }
0x188: {  	v16 =	vor.u32 v0, v13;
	v38 =	vadd.f32 v38, v4;
	v4 =	vor.u32 v32, v13  }
0x189: {  	v49 =	vmul.f32 v62, v61;
	v40 =	vmovc v61;
	v37 =	vadd.f32 v48, v27;
	v27 =	vld [tilespmem:$0x1FF30];
	v0 =	vmul.f32 v14, v55  }
0x18a: {  	v63 =	vmul.f32 v42, v18;
	v42 =	vmul.f32 v11, v40;
	v11 =	vld [tilespmem:$0x1FF60]  }
0x18b: {  	v54 =	vor.u32 v22, v13;
	v3 =	vld.idx.msk [tilespmem:v3+s21+$0x0], $0xffff;
	[tilespmem:$0x1FCC0] =	vst v0  }
0x18c: {  	v32 =	vadd.f32 v6, v49;
	v6 =	vor.u32 v52, v13;
	v0 =	vld.idx.msk [tilespmem:v15+s21+$0x0], $0xffff  }
0x18d: {  	v48 =	vor.u32 v51, v13;
	v49 =	vld.idx.msk [tilespmem:v44+s21+$0x0], $0xffff  }
0x18e: {  	v4 =	vld.idx.msk [tilespmem:v4+s21+$0x0], $0xffff  }
0x18f: {  	v19 =	vmovc v17;
	v17 =	vmov v60;
	v60 =	vmul.f32 v7, v60;
	v7 =	vor.u32 v50, v13;
	v16 =	vld.idx.msk [tilespmem:v16+s21+$0x0], $0xffff  }
0x190: {  	v61 =	vmul.f32 v45, v57;
	v62 =	vmul.f32 v5, v20;
	v50 =	vld.idx.msk [tilespmem:v54+s21+$0x0], $0xffff;
	[tilespmem:$0x1FCD0] =	vst v53  }
0x191: {  	v45 =	vmul.f32 v46, v53;
	v14 =	vmul.f32 v43, v56;
	v53 =	vld.idx.msk [tilespmem:v6+s21+$0x0], $0xffff;
	[tilespmem:$0x1FCE0] =	vst v58  }
0x192: {  	v5 =	vor.u32 v21, v13;
	v43 =	vmul.f32 v39, v12;
	v44 =	vmul.f32 v3, v58;
	v58 =	vld.idx.msk [tilespmem:v48+s21+$0x0], $0xffff  }
0x193: {  	v39 =	vor.u32 v1, v13;
	v48 =	vmul.f32 v49, v19;
	v49 =	vmul.f32 v4, v57;
	v57 =	vld [tilespmem:$0x1FD00]  }
0x194: {  	v51 =	vld [tilespmem:$0x1FFF0]  }
0x195: {  	v40 =	vld [tilespmem:$0x1FFC0];
	v1 =	vor.u32 v27, v2  }
0x196: {  	v3 =	vld [tilespmem:$0x1FF90];
	[tilespmem:$0x1FCF0] =	vst v56  }
0x197: {  	v55 =	vld.idx.msk [tilespmem:v5+s21+$0x0], $0xffff  }
0x198: {  	v15 =	vor.u32 v11, v2;
	v54 =	vld.idx.msk [tilespmem:v39+s21+$0x0], $0xffff  }
0x199: {  	v21 =	vor.u32 v51, v2;
	v39 =	vor.u32 v51, v13;
	v46 =	vmul.f32 v0, v56;
	v56 =	vld.idx.msk [tilespmem:v7+s21+$0x0], $0xffff  }
0x19a: {  	v47 =	vmul.f32 v16, v17;
	v51 =	vmul.f32 v50, v20;
	v50 =	vld.idx.msk [tilespmem:v1+s21+$0x0], $0xffff;
	v16 =	vimm.f32 $0.0e+00  }
0x19b: {  	v17 =	vimm.f32 $0.0e+00;
	v52 =	vld.idx.msk [tilespmem:v57+s15+$0x0], $0xffff;
	[tilespmem:$0x1FD10] =	vst v16  }
0x19c: {  	v7 =	vor.u32 v27, v13;
	v57 =	vmul.f32 v53, v18;
	[tilespmem:$0x1FD20] =	vst v17;
	v18 =	vimm.f32 $0.0e+00  }
0x19d: {  	v41 =	vmul.f32 v41, v19;
	v22 =	vor.u32 v40, v2;
	v19 =	vimm.f32 $0.0e+00;
	v53 =	vld.idx.msk [tilespmem:v15+s21+$0x0], $0xffff;
	[tilespmem:$0x1FD30] =	vst v18  }
0x19e: {  	v5 =	vor.u32 v11, v13;
	v27 =	vor.u32 v40, v13;
	v40 =	vimm.f32 $0.0e+00;
	[tilespmem:$0x1FD40] =	vst v19  }
0x19f: {  	s22 =	simm.s32 $0x4;
	v6 =	vor.u32 v3, v2;
	v4 =	vor.u32 v3, v13;
	v58 =	vmul.f32 v58, v12;
	[tilespmem:$0x1FD50] =	vst v40  }
.LBB2_3:
0x1a0: {  	v12 =	vld [tilespmem:$0x1FB70]  }
0x1a1: {  	v7 =	vld.idx.msk [tilespmem:v7+s21+$0x0], $0xffff  }
0x1a2: {  	v17 =	vld [tilespmem:$0x1FC50]  }
0x1a3: {  	v18 =	vld [tilespmem:$0x1FCE0];
	_ =	sdelay $0x1  }
0x1a4: {  	v40 =	vadd.f32 v41, v14;
	v1 =	vld [tilespmem:$0x1FB00]  }
0x1a5: {  	v42 =	vadd.f32 v44, v42;
	v50 =	vmul.f32 v50, v12;
	v7 =	vmul.f32 v7, v12;
	v12 =	vld [tilespmem:$0x1FCC0]  }
0x1a6: {  	v44 =	vadd.f32 v49, v47;
	v47 =	vadd.f32 v57, v51;
	v51 =	vld [tilespmem:$0x1FB40]  }
0x1a7: {  	v41 =	vadd.f32 v61, v60;
	v61 =	vld [tilespmem:$0x1FB60];
	v55 =	vmul.f32 v55, v17;
	v19 =	vmul.f32 v54, v18  }
0x1a8: {  	v43 =	vadd.f32 v45, v43;
	v16 =	vld [tilespmem:$0x1FB90]  }
0x1a9: {  	v45 =	vadd.f32 v48, v46;
	v46 =	vadd.f32 v19, v55;
	v55 =	vld.idx.msk [tilespmem:v27+s21+$0x0], $0xffff  }
0x1aa: {  	v27 =	vadd.f32 v12, v32;
	v12 =	vld [tilespmem:$0x1FD10]  }
0x1ab: {  	v8 =	vadd.f32 v23, v8;
	v52 =	vmul.f32 v52, v51;
	v7 =	vadd.f32 v7, v45  }
0x1ac: {  	v20 =	vadd.f32 v25, v29;
	v18 =	vadd.f32 v1, v28  }
0x1ad: {  	v29 =	vadd.f32 v50, v40;
	v28 =	vadd.f32 v52, v37;
	v7 =	vmul.f32 v7, v8  }
0x1ae: {  	v25 =	vadd.f32 v61, v31  }
0x1af: {  	v2 =	vld.idx.msk [tilespmem:v21+s21+$0x0], $0xffff;
	v21 =	vadd.f32 v16, v34;
	v16 =	vmul.f32 v29, v28;
	v7 =	vadd.f32 v7, v12  }
0x1b0: {  	v13 =	vld [tilespmem:$0x1FBA0];
	v9 =	vadd.f32 v26, v9  }
0x1b1: {  	v5 =	vld.idx.msk [tilespmem:v5+s21+$0x0], $0xffff;
	v10 =	vadd.f32 v24, v10;
	v37 =	vmul.f32 v21, v25;
	v7 =	vadd.f32 v16, v7;
	_ =	sdelay $0x1  }
0x1b2: {  	v0 =	vld [tilespmem:$0x1FCD0];
	v10 =	vmul.f32 v10, v9;
	v7 =	vadd.f32 v37, v7  }
0x1b3: {  	v4 =	vld.idx.msk [tilespmem:v4+s21+$0x0], $0xffff  }
0x1b4: {  	v11 =	vld [tilespmem:$0x1FCA0];
	v7 =	vadd.f32 v10, v7  }
0x1b5: {  	v60 =	vadd.f32 v63, v62;
	v63 =	vld [tilespmem:$0x1FBD0];
	v5 =	vmul.f32 v5, v13  }
0x1b6: {  	[tilespmem:$0x1FD10] =	vst v7;
	v7 =	vld [tilespmem:$0x1FD20]  }
0x1b7: {  	v57 =	vld [tilespmem:$0x1FB20];
	v5 =	vadd.f32 v5, v44  }
0x1b8: {  	v62 =	vld [tilespmem:$0x1FB30];
	v56 =	vmul.f32 v56, v0  }
0x1b9: {  	v6 =	vld.idx.msk [tilespmem:v6+s21+$0x0], $0xffff;
	v5 =	vmul.f32 v5, v8  }
0x1ba: {  	v4 =	vmul.f32 v4, v63;
	v54 =	vadd.f32 v56, v58;
	v58 =	vld [tilespmem:$0x1FB10]  }
0x1bb: {  	v5 =	vadd.f32 v5, v7;
	v7 =	vld [tilespmem:$0x1FD30]  }
0x1bc: {  	v3 =	vld.idx.msk [tilespmem:v22+s21+$0x0], $0xffff;
	v4 =	vadd.f32 v4, v47  }
0x1bd: {  	v24 =	vld.idx.msk [tilespmem:v39+s21+$0x0], $0xffff  }
0x1be: {  	v34 =	vld [tilespmem:$0x1FBE0];
	v4 =	vmul.f32 v4, v8  }
0x1bf: {  	v19 =	vadd.f32 v62, v33;
	v33 =	vld [tilespmem:$0x1FBC0];
	v0 =	vmul.f32 v55, v58  }
0x1c0: {  	v4 =	vadd.f32 v4, v7;
	v7 =	vld [tilespmem:$0x1FD40]  }
0x1c1: {  	v17 =	vmul.f32 v53, v13;
	v0 =	vadd.f32 v0, v54  }
0x1c2: {  	v23 =	vadd.f32 v57, v30;
	v20 =	vmul.f32 v20, v9;
	v18 =	vmul.f32 v18, v9  }
0x1c3: {  	v17 =	vadd.f32 v17, v41;
	v6 =	vmul.f32 v6, v63;
	v0 =	vmul.f32 v0, v8  }
0x1c4: {  	v2 =	vmul.f32 v2, v11;
	v24 =	vmul.f32 v24, v11;
	v26 =	vadd.f32 v33, v36;
	v36 =	vld [tilespmem:$0x1FC90]  }
0x1c5: {  	v22 =	vadd.f32 v34, v35;
	v3 =	vmul.f32 v3, v58;
	v0 =	vadd.f32 v0, v7;
	v7 =	vld [tilespmem:$0x1FD50]  }
0x1c6: {  	v17 =	vmul.f32 v17, v28;
	v6 =	vadd.f32 v6, v60;
	v21 =	vadd.f32 v24, v46  }
0x1c7: {  	s23 =	sadd.s32 $0x3, s22;
	v2 =	vadd.f32 v2, v42;
	v22 =	vmul.f32 v22, v25;
	v3 =	vadd.f32 v3, v43  }
0x1c8: {  	v14 =	vld [tilespmem:$0x1FF80];
	v42 =	vmov s23;
	v6 =	vmul.f32 v6, v28;
	v8 =	vmul.f32 v21, v8  }
0x1c9: {  	v15 =	vld [tilespmem:$0x1FFB0];
	v2 =	vmul.f32 v2, v28;
	v3 =	vmul.f32 v3, v28;
	v1 =	vadd.f32 v36, v38  }
0x1ca: {  	v61 =	vld [tilespmem:$0x1FF70];
	v24 =	vmul.f32 v26, v25;
	v5 =	vadd.f32 v17, v5;
	v7 =	vadd.f32 v8, v7  }
0x1cb: {  	v13 =	vld [tilespmem:$0x1FF50];
	v1 =	vmul.f32 v1, v25;
	v4 =	vadd.f32 v6, v4;
	v0 =	vadd.f32 v3, v0  }
0x1cc: {  	s24 =	sadd.s32 $0x2, s22;
	v32 =	vld [tilespmem:$0x1FF30];
	v5 =	vadd.f32 v24, v5;
	v3 =	vmul.f32 v27, v25;
	v2 =	vadd.f32 v2, v7  }
0x1cd: {  	v34 =	vld [tilespmem:$0x1FFC0];
	v44 =	vmov s24;
	v4 =	vadd.f32 v22, v4;
	v0 =	vadd.f32 v1, v0  }
0x1ce: {  	v60 =	vld [tilespmem:$0x1FFA0];
	v1 =	vand.u32 $0x7F, v42;
	v38 =	vadd.f32 v3, v2;
	v3 =	vmov s22  }
0x1cf: {  	v33 =	vld [tilespmem:$0x1FFF0];
	v5 =	vadd.f32 v18, v5;
	v1 =	vbroadcast v1, $0x0;
	v3 =	vand.u32 $0x7C, v3  }
0x1d0: {  	v12 =	vld [tilespmem:$0x1FF20];
	v4 =	vadd.f32 v20, v4;
	v2 =	vand.u32 $0x7E, v44;
	v41 =	vbroadcast v3, $0x0  }
0x1d1: {  	s25 =	sadd.s32 $0x43, s22;
	v6 =	vmul.f32 v23, v9;
	[tilespmem:$0x1FD20] =	vst v5;
	v5 =	vor.u32 v32, v1;
	v7 =	vld [tilespmem:$0x1FF60];
	v2 =	vbroadcast v2, $0x0  }
0x1d2: {  	v16 =	vld [tilespmem:$0x1FF90];
	[tilespmem:$0x1FD30] =	vst v4;
	v3 =	vmov s25;
	v4 =	vor.u32 v59, v41  }
0x1d3: {  	v18 =	vld [tilespmem:$0x1FFE0];
	v0 =	vadd.f32 v6, v0;
	v3 =	vand.u32 $0x7F, v3;
	v46 =	vor.u32 v32, v2  }
0x1d4: {  	v20 =	vld [tilespmem:$0x1FFD0];
	v43 =	vor.u32 v32, v41;
	v3 =	vbroadcast v3, $0x0  }
0x1d5: {  	v25 =	vld [tilespmem:$0x1FF40];
	[tilespmem:$0x1FD40] =	vst v0;
	v0 =	vor.u32 v12, v41  }
0x1d6: {  	v62 =	vld.idx.msk [tilespmem:v5+s15+$0x0], $0xffff;
	v8 =	vor.u32 v7, v3  }
0x1d7: {  	s25 =	sadd.s32 $0x42, s22;
	v6 =	vor.u32 v32, v3;
	v4 =	vld.idx.msk [tilespmem:v4+s15+$0x0], $0xffff  }
0x1d8: {  	v39 =	vmul.f32 v19, v9;
	v9 =	vmov s25;
	v10 =	vor.u32 v16, v3;
	v27 =	vld.idx.msk [tilespmem:v46+s15+$0x0], $0xffff  }
0x1d9: {  	v9 =	vand.u32 $0x7E, v9;
	v45 =	vor.u32 v34, v3;
	v57 =	vld.idx.msk [tilespmem:v43+s15+$0x0], $0xffff  }
0x1da: {  	v9 =	vbroadcast v9, $0x0;
	v5 =	vor.u32 v33, v3;
	v0 =	vld.idx.msk [tilespmem:v0+s15+$0x0], $0xffff  }
0x1db: {  	v48 =	vor.u32 v12, v3;
	v21 =	vld.idx.msk [tilespmem:v8+s21+$0x0], $0xffff  }
0x1dc: {  	[tilespmem:$0x1F9A0] =	vst v4;
	v4 =	vld.idx.msk [tilespmem:v6+s21+$0x0], $0xffff;
	v6 =	vor.u32 v32, v9  }
0x1dd: {  	v49 =	vor.u32 v61, v3;
	v10 =	vld.idx.msk [tilespmem:v10+s21+$0x0], $0xffff  }
0x1de: {  	v50 =	vor.u32 v60, v3;
	v35 =	vld.idx.msk [tilespmem:v45+s21+$0x0], $0xffff  }
0x1df: {  	v8 =	vor.u32 v7, v9;
	v26 =	vld.idx.msk [tilespmem:v5+s21+$0x0], $0xffff  }
0x1e0: {  	v40 =	vadd.f32 v39, v38;
	v5 =	vor.u32 v33, v9;
	v38 =	vld.idx.msk [tilespmem:v48+s21+$0x0], $0xffff  }
0x1e1: {  	v28 =	vld.idx.msk [tilespmem:v6+s21+$0x0], $0xffff;
	v6 =	vor.u32 v59, v1  }
0x1e2: {  	v51 =	vor.u32 v18, v3;
	v41 =	vld.idx.msk [tilespmem:v49+s21+$0x0], $0xffff  }
0x1e3: {  	v23 =	vor.u32 v59, v2;
	v43 =	vld.idx.msk [tilespmem:v50+s21+$0x0], $0xffff  }
0x1e4: {  	v29 =	vld.idx.msk [tilespmem:v8+s21+$0x0], $0xffff;
	v8 =	vor.u32 v59, v3  }
0x1e5: {  	v31 =	vld.idx.msk [tilespmem:v5+s21+$0x0], $0xffff;
	v5 =	vor.u32 v25, v3  }
0x1e6: {  	[tilespmem:$0x1F9B0] =	vst v0;
	v0 =	vld.idx.msk [tilespmem:v6+s15+$0x0], $0xffff;
	v6 =	vor.u32 v13, v3  }
0x1e7: {  	v2 =	vor.u32 v12, v2;
	v48 =	vld.idx.msk [tilespmem:v51+s21+$0x0], $0xffff  }
0x1e8: {  	v49 =	vld.idx.msk [tilespmem:v23+s15+$0x0], $0xffff  }
0x1e9: {  	v22 =	vor.u32 v16, v9;
	v37 =	vld.idx.msk [tilespmem:v8+s21+$0x0], $0xffff  }
0x1ea: {  	s23 =	sadd.s32 $0x1, s22;
	v47 =	vor.u32 v34, v9;
	v53 =	vor.u32 v59, v9;
	v8 =	vor.u32 v14, v3;
	v39 =	vld.idx.msk [tilespmem:v5+s21+$0x0], $0xffff  }
0x1eb: {  	s24 =	sadd.s32 $0x41, s22;
	[tilespmem:$0x1FD50] =	vst v40;
	v5 =	vor.u32 v15, v3;
	v40 =	vld.idx.msk [tilespmem:v6+s21+$0x0], $0xffff;
	v6 =	vor.u32 v20, v3;
	v3 =	vmov s23  }
0x1ec: {  	v52 =	vmov s24;
	v50 =	vld.idx.msk [tilespmem:v2+s15+$0x0], $0xffff;
	v1 =	vor.u32 v12, v1;
	v3 =	vand.u32 $0x7D, v3  }
0x1ed: {  	v2 =	vld [tilespmem:$0x1FC60];
	v44 =	vbroadcast v3, $0x0;
	v3 =	vand.u32 $0x7D, v52  }
0x1ee: {  	v22 =	vld.idx.msk [tilespmem:v22+s21+$0x0], $0xffff;
	v46 =	vbroadcast v3, $0x0  }
0x1ef: {  	v30 =	vld.idx.msk [tilespmem:v47+s21+$0x0], $0xffff;
	v3 =	vor.u32 v32, v44  }
0x1f0: {  	v51 =	vld.idx.msk [tilespmem:v53+s21+$0x0], $0xffff;
	[tilespmem:$0x1FA60] =	vst v3;
	v3 =	vor.u32 v16, v46  }
0x1f1: {  	v36 =	vld.idx.msk [tilespmem:v1+s15+$0x0], $0xffff;
	[tilespmem:$0x1FA40] =	vst v3;
	v3 =	vor.u32 v34, v46  }
0x1f2: {  	s25 =	sadd.s32 $0x40, s22;
	[tilespmem:$0x1FA70] =	vst v3;
	v3 =	vld [tilespmem:$0x1F9A0]  }
0x1f3: {  	v42 =	vld.idx.msk [tilespmem:v8+s21+$0x0], $0xffff;
	v8 =	vmov s25  }
0x1f4: {  	v45 =	vld.idx.msk [tilespmem:v5+s21+$0x0], $0xffff;
	v5 =	vand.u32 $0x7C, v8;
	v0 =	vmul.f32 v0, v2  }
0x1f5: {  	v24 =	vor.u32 v25, v9;
	v8 =	vbroadcast v5, $0x0;
	v5 =	vld [tilespmem:$0x1FB40]  }
0x1f6: {  	v23 =	vor.u32 v61, v9;
	[tilespmem:$0x1F9E0] =	vst v0;
	v0 =	vld [tilespmem:$0x1FC20]  }
0x1f7: {  	v19 =	vor.u32 v12, v9;
	v47 =	vld.idx.msk [tilespmem:v6+s21+$0x0], $0xffff;
	v54 =	vor.u32 v32, v46;
	v3 =	vmul.f32 v3, v2  }
0x1f8: {  	v6 =	vld [tilespmem:$0x1F9B0];
	[tilespmem:$0x1FAA0] =	vst v54  }
0x1f9: {  	v1 =	vor.u32 v13, v9;
	v52 =	vor.u32 v14, v9;
	v55 =	vor.u32 v7, v46;
	[tilespmem:$0x1F9C0] =	vst v3;
	v3 =	vld [tilespmem:$0x1FC70]  }
0x1fa: {  	v17 =	vmul.f32 v57, v5;
	v57 =	vld.idx.msk [tilespmem:v24+s21+$0x0], $0xffff;
	v56 =	vor.u32 v33, v46;
	[tilespmem:$0x1FAE0] =	vst v55  }
0x1fb: {  	v53 =	vor.u32 v60, v9;
	v24 =	vld.idx.msk [tilespmem:v23+s21+$0x0], $0xffff;
	v62 =	vmul.f32 v62, v5;
	[tilespmem:$0x1FA80] =	vst v56  }
0x1fc: {  	v54 =	vld.idx.msk [tilespmem:v19+s21+$0x0], $0xffff;
	v55 =	vor.u32 v15, v9;
	v56 =	vor.u32 v20, v9;
	v9 =	vor.u32 v18, v9  }
0x1fd: {  	v19 =	vor.u32 v32, v8;
	v32 =	vor.u32 v7, v8;
	v34 =	vor.u32 v34, v8;
	v7 =	vld [tilespmem:$0x1FC10]  }
0x1fe: {  	[tilespmem:$0x1FA00] =	vst v32;
	v32 =	vor.u32 v16, v8;
	v16 =	vld.idx.msk [tilespmem:v1+s21+$0x0], $0xffff;
	v6 =	vmul.f32 v6, v3  }
0x1ff: {  	[tilespmem:$0x1FAF0] =	vst v34;
	v52 =	vld.idx.msk [tilespmem:v52+s21+$0x0], $0xffff;
	v34 =	vmul.f32 v10, v63;
	v10 =	vor.u32 v12, v44  }
0x200: {  	[tilespmem:$0x1F9D0] =	vst v6;
	v6 =	vld [tilespmem:$0x1FB70]  }
0x201: {  	[tilespmem:$0x1FAD0] =	vst v62;
	v62 =	vor.u32 v59, v44;
	v44 =	vld.idx.msk [tilespmem:v53+s21+$0x0], $0xffff;
	v53 =	vmul.f32 v35, v58  }
0x202: {  	v1 =	vld [tilespmem:$0x1FC30]  }
0x203: {  	[tilespmem:$0x1FB20] =	vst v53;
	v53 =	vor.u32 v59, v46;
	v9 =	vld.idx.msk [tilespmem:v9+s21+$0x0], $0xffff  }
0x204: {  	v10 =	vld.idx.msk [tilespmem:v10+s15+$0x0], $0xffff  }
0x205: {  	[tilespmem:$0x1FA90] =	vst v17;
	v17 =	vmul.f32 v4, v6;
	v4 =	vld [tilespmem:$0x1FBA0]  }
0x206: {  	[tilespmem:$0x1FAB0] =	vst v34;
	v34 =	vmul.f32 v28, v6;
	v28 =	vld.idx.msk [tilespmem:v55+s21+$0x0], $0xffff  }
0x207: {  	v55 =	vor.u32 v12, v46;
	v6 =	vld [tilespmem:$0x1FC00]  }
0x208: {  	v53 =	vld.idx.msk [tilespmem:v53+s21+$0x0], $0xffff;
	[tilespmem:$0x1FAC0] =	vst v17;
	v17 =	vmul.f32 v26, v11  }
0x209: {  	[tilespmem:$0x1FB90] =	vst v34;
	v34 =	vmul.f32 v30, v58;
	v30 =	vld.idx.msk [tilespmem:v62+s15+$0x0], $0xffff  }
0x20a: {  	[tilespmem:$0x1FB30] =	vst v17;
	v17 =	vmul.f32 v22, v63;
	v35 =	vmul.f32 v29, v4;
	v29 =	vld.idx.msk [tilespmem:v56+s21+$0x0], $0xffff  }
0x20b: {  	[tilespmem:$0x1FA50] =	vst v19;
	v19 =	vmul.f32 v21, v4;
	v4 =	vld [tilespmem:$0x1FCF0]  }
0x20c: {  	v62 =	vor.u32 v61, v46;
	v58 =	vmul.f32 v39, v6;
	v39 =	vld.idx.msk [tilespmem:v55+s21+$0x0], $0xffff;
	[tilespmem:$0x1FBE0] =	vst v17  }
0x20d: {  	v23 =	vor.u32 v60, v46;
	[tilespmem:$0x1FB00] =	vst v19;
	v19 =	vmul.f32 v27, v5;
	v5 =	vld [tilespmem:$0x1FBF0]  }
0x20e: {  	v17 =	vmul.f32 v49, v2;
	v49 =	vor.u32 v12, v8;
	[tilespmem:$0x1FBC0] =	vst v35;
	v35 =	vmul.f32 v31, v11;
	v11 =	vld [tilespmem:$0x1FC40]  }
0x20f: {  	v36 =	vmul.f32 v36, v3;
	v31 =	vor.u32 v13, v46;
	v27 =	vld [tilespmem:$0x1FCD0]  }
0x210: {  	v50 =	vmul.f32 v50, v3;
	[tilespmem:$0x1FA30] =	vst v58;
	v58 =	vmul.f32 v40, v7;
	v40 =	vld [tilespmem:$0x1FCE0]  }
0x211: {  	v3 =	vmul.f32 v10, v3;
	v62 =	vld.idx.msk [tilespmem:v62+s21+$0x0], $0xffff;
	[tilespmem:$0x1FB60] =	vst v19;
	v19 =	vor.u32 v25, v46  }
0x212: {  	[tilespmem:$0x1F9F0] =	vst v36;
	v63 =	vor.u32 v14, v46;
	v21 =	vmul.f32 v51, v4;
	v51 =	vld.idx.msk [tilespmem:v23+s21+$0x0], $0xffff  }
0x213: {  	v12 =	vmul.f32 v30, v2;
	v30 =	vor.u32 v60, v8;
	v37 =	vmul.f32 v37, v4;
	v10 =	vld.idx.msk [tilespmem:v49+s21+$0x0], $0xffff  }
0x214: {  	[tilespmem:$0x1FC90] =	vst v34;
	v57 =	vmul.f32 v57, v6;
	v38 =	vmul.f32 v38, v5;
	v31 =	vld.idx.msk [tilespmem:v31+s21+$0x0], $0xffff  }
0x215: {  	[tilespmem:$0x1FA10] =	vst v37;
	v37 =	vmul.f32 v42, v1;
	v34 =	vmul.f32 v45, v27;
	v45 =	vld [tilespmem:$0x1FC50]  }
0x216: {  	v36 =	vmul.f32 v43, v11;
	v43 =	vor.u32 v20, v46;
	v22 =	vmul.f32 v54, v5;
	v42 =	vld.idx.msk [tilespmem:v19+s21+$0x0], $0xffff  }
0x217: {  	v54 =	vor.u32 v18, v8;
	[tilespmem:$0x1FA20] =	vst v38;
	v19 =	vmul.f32 v48, v40;
	v48 =	vld.idx.msk [tilespmem:v63+s21+$0x0], $0xffff  }
0x218: {  	v38 =	vmul.f32 v41, v0;
	v41 =	vor.u32 v15, v46;
	v46 =	vor.u32 v18, v46;
	v18 =	vld.idx.msk [tilespmem:v30+s21+$0x0], $0xffff  }
0x219: {  	v23 =	vmul.f32 v16, v7;
	v30 =	vadd.f32 v34, v36;
	v34 =	vadd.f32 v22, v21;
	v22 =	vld [tilespmem:$0x1FA70]  }
0x21a: {  	v63 =	vor.u32 v25, v8;
	v21 =	vld [tilespmem:$0x1FA80]  }
0x21b: {  	v25 =	vmul.f32 v52, v1;
	v52 =	vor.u32 v13, v8;
	v36 =	vadd.f32 v23, v57;
	v23 =	vld [tilespmem:$0x1FA90]  }
0x21c: {  	v56 =	vld.idx.msk [tilespmem:v43+s21+$0x0], $0xffff  }
0x21d: {  	v24 =	vmul.f32 v24, v0;
	v49 =	vor.u32 v15, v8;
	v54 =	vld.idx.msk [tilespmem:v54+s21+$0x0], $0xffff  }
0x21e: {  	[tilespmem:$0x1FCC0] =	vst v35;
	v26 =	vmul.f32 v44, v11;
	v13 =	vmov v27;
	v35 =	vmul.f32 v47, v45;
	v55 =	vld.idx.msk [tilespmem:v41+s21+$0x0], $0xffff  }
0x21f: {  	v47 =	vor.u32 v59, v8;
	v59 =	vmul.f32 v28, v27;
	v28 =	vor.u32 v61, v8;
	v44 =	vld.idx.msk [tilespmem:v46+s21+$0x0], $0xffff  }
0x220: {  	v27 =	vmul.f32 v29, v45;
	v29 =	vor.u32 v14, v8;
	v61 =	vmul.f32 v31, v7;
	v31 =	vld.idx.msk [tilespmem:v52+s21+$0x0], $0xffff  }
0x221: {  	v41 =	vmul.f32 v39, v5;
	v52 =	vor.u32 v20, v8;
	v39 =	vor.u32 v33, v8;
	v8 =	vld [tilespmem:$0x1F9C0]  }
0x222: {  	v33 =	vadd.f32 v19, v35;
	v35 =	vadd.f32 v25, v24;
	v25 =	vld [tilespmem:$0x1FAB0]  }
0x223: {  	v24 =	vld [tilespmem:$0x1FAC0]  }
0x224: {  	v16 =	vmul.f32 v9, v40;
	v9 =	vld.idx.msk [tilespmem:v47+s21+$0x0], $0xffff  }
0x225: {  	v47 =	vld.idx.msk [tilespmem:v63+s21+$0x0], $0xffff  }
0x226: {  	v14 =	vmul.f32 v53, v4;
	v53 =	vld.idx.msk [tilespmem:v28+s21+$0x0], $0xffff  }
0x227: {  	v46 =	vmov v45;
	v45 =	vmul.f32 v55, v13;
	v13 =	vld [tilespmem:$0x1F9D0]  }
0x228: {  	v2 =	vld.idx.msk [tilespmem:v29+s21+$0x0], $0xffff  }
0x229: {  	v63 =	vmul.f32 v48, v1;
	v48 =	vmul.f32 v10, v5;
	v5 =	vld [tilespmem:$0x1FA00]  }
0x22a: {  	v60 =	vmul.f32 v42, v6;
	v42 =	vmul.f32 v56, v46;
	v56 =	vld.idx.msk [tilespmem:v49+s21+$0x0], $0xffff  }
0x22b: {  	v46 =	vmul.f32 v9, v4;
	v9 =	vld [tilespmem:$0x1F9E0]  }
0x22c: {  	v8 =	vadd.f32 v13, v8;
	v13 =	vld [tilespmem:$0x1F9F0]  }
0x22d: {  	v10 =	vld [tilespmem:$0x1FA10]  }
0x22e: {  	v29 =	vadd.f32 v37, v38;
	v38 =	vadd.f32 v59, v26;
	v26 =	vld [tilespmem:$0x1FAD0]  }
0x22f: {  	v59 =	vld [tilespmem:$0x1FEC0]  }
0x230: {  	v44 =	vmul.f32 v44, v40;
	v40 =	vld [tilespmem:$0x1FA60]  }
0x231: {  	v9 =	vadd.f32 v13, v9;
	v13 =	vld [tilespmem:$0x1FA20]  }
0x232: {  	v49 =	vmul.f32 v31, v7;
	v31 =	vadd.f32 v50, v17;
	v50 =	vld [tilespmem:$0x1FAA0]  }
0x233: {  	v43 =	vmul.f32 v51, v11;
	v51 =	vmul.f32 v53, v0;
	v53 =	vld [tilespmem:$0x1FAE0]  }
0x234: {  	v55 =	vld.idx.msk [tilespmem:v52+s21+$0x0], $0xffff  }
0x235: {  	v7 =	vld [tilespmem:$0x1FA50]  }
0x236: {  	p0 =	slt.u32 s22, $0x3C;
	v10 =	vadd.f32 v13, v10;
	v13 =	vld [tilespmem:$0x1FA30]  }
.Ltmp0:
0x237: {  	v47 =	vmul.f32 v47, v6;
	v6 =	vld [tilespmem:$0x1FA40];
	(pc) =	sbr.rel @p0 .LBB2_3-.Ltmp0, $4  }
0x238: {  	v4 =	vmov v32;
	v32 =	vadd.f32 v16, v27;
	v27 =	vld [tilespmem:$0x1FAF0]  }
0x239: {  	v52 =	vld.idx.msk [tilespmem:v40+s15+$0x0], $0xffff  }
0x23a: {  	v62 =	vmul.f32 v62, v0;
	v37 =	vadd.f32 v3, v12;
	v50 =	vld.idx.msk [tilespmem:v50+s21+$0x0], $0xffff  }
0x23b: {  	s22 =	sadd.s32 $0x4, s22;
	v57 =	vmul.f32 v2, v1;
	v53 =	vld.idx.msk [tilespmem:v53+s21+$0x0], $0xffff;
	v28 =	vadd.f32 v58, v13;
	v58 =	vmul.f32 v18, v11  }
0x23c: {  	v3 =	vld [tilespmem:$0x1FC50];
	_ =	sdelay $0x4  }
0x23d: {  	v11 =	vmul.f32 v55, v3;
	v3 =	vld [tilespmem:$0x1FCE0];
	_ =	sdelay $0x2  }
0x23e: {  	v7 =	vld.idx.msk [tilespmem:v7+s21+$0x0], $0xffff  }
0x23f: {  	v2 =	vadd.f32 v61, v60;
	v61 =	vld [tilespmem:$0x1FB10]  }
0x240: {  	v15 =	vmul.f32 v54, v3;
	v3 =	vld.idx.msk [tilespmem:v22+s21+$0x0], $0xffff  }
0x241: {  	v40 =	vld [tilespmem:$0x1FB70]  }
0x242: {  	v20 =	vld [tilespmem:$0x1FB40];
	_ =	sdelay $0x1  }
0x243: {  	v0 =	vld [tilespmem:$0x1FCD0];
	v1 =	vadd.f32 v41, v14;
	v13 =	vadd.f32 v45, v43  }
0x244: {  	v14 =	vadd.f32 v48, v46;
	v9 =	vadd.f32 v26, v9;
	v26 =	vld [tilespmem:$0x1FB60];
	v3 =	vmul.f32 v3, v61  }
0x245: {  	v10 =	vadd.f32 v24, v10;
	v24 =	vadd.f32 v25, v29;
	v29 =	vld [tilespmem:$0x1FB90];
	v7 =	vmul.f32 v7, v40  }
0x246: {  	v8 =	vadd.f32 v23, v8;
	v20 =	vmul.f32 v52, v20;
	v3 =	vadd.f32 v3, v13;
	v13 =	vld [tilespmem:$0x1FD10]  }
0x247: {  	v7 =	vadd.f32 v7, v14;
	v11 =	vadd.f32 v15, v11;
	v15 =	vmul.f32 v50, v40  }
0x248: {  	v0 =	vmul.f32 v56, v0  }
0x249: {  	v20 =	vadd.f32 v20, v37;
	v7 =	vmul.f32 v7, v8;
	v1 =	vadd.f32 v15, v1  }
0x24a: {  	v5 =	vld.idx.msk [tilespmem:v5+s21+$0x0], $0xffff;
	v26 =	vadd.f32 v26, v31;
	v29 =	vadd.f32 v29, v34  }
0x24b: {  	v0 =	vadd.f32 v0, v58;
	v58 =	vld [tilespmem:$0x1FBA0];
	v1 =	vmul.f32 v1, v20;
	v7 =	vadd.f32 v7, v13;
	_ =	sdelay $0x1  }
0x24c: {  	v1 =	vadd.f32 v1, v7;
	v7 =	vmul.f32 v29, v26;
	_ =	sdelay $0x1  }
0x24d: {  	v4 =	vld.idx.msk [tilespmem:v4+s21+$0x0], $0xffff;
	v10 =	vmul.f32 v10, v9;
	v1 =	vadd.f32 v7, v1  }
0x24e: {  	v18 =	vadd.f32 v49, v47;
	v60 =	vld [tilespmem:$0x1FBD0];
	v5 =	vmul.f32 v5, v58  }
0x24f: {  	v1 =	vadd.f32 v10, v1;
	v10 =	vld [tilespmem:$0x1FD20]  }
0x250: {  	v5 =	vadd.f32 v5, v18;
	_ =	sdelay $0x1  }
0x251: {  	v23 =	vld.idx.msk [tilespmem:v27+s21+$0x0], $0xffff;
	v5 =	vmul.f32 v5, v8  }
0x252: {  	v19 =	vadd.f32 v57, v51;
	v4 =	vmul.f32 v4, v60;
	v22 =	vld [tilespmem:$0x1FB00]  }
0x253: {  	v5 =	vadd.f32 v5, v10;
	v10 =	vld [tilespmem:$0x1FD30]  }
0x254: {  	v6 =	vld.idx.msk [tilespmem:v6+s21+$0x0], $0xffff;
	v4 =	vadd.f32 v4, v19  }
0x255: {  	v17 =	vld.idx.msk [tilespmem:v21+s21+$0x0], $0xffff  }
0x256: {  	v12 =	vadd.f32 v63, v62;
	v62 =	vld [tilespmem:$0x1FCA0];
	v4 =	vmul.f32 v4, v8  }
0x257: {  	v23 =	vmul.f32 v23, v61;
	v22 =	vadd.f32 v22, v28;
	v28 =	vld.idx.msk [tilespmem:v39+s21+$0x0], $0xffff  }
0x258: {  	v4 =	vadd.f32 v4, v10;
	v10 =	vld [tilespmem:$0x1FD40]  }
0x259: {  	v25 =	vld [tilespmem:$0x1FB20];
	v0 =	vadd.f32 v23, v0  }
0x25a: {  	v6 =	vmul.f32 v6, v60;
	v31 =	vld [tilespmem:$0x1FBE0]  }
0x25b: {  	v27 =	vld [tilespmem:$0x1FB30];
	v0 =	vmul.f32 v0, v8  }
0x25c: {  	v14 =	vld [tilespmem:$0x1FCC0];
	v6 =	vadd.f32 v6, v12;
	v12 =	vmul.f32 v28, v62  }
0x25d: {  	v0 =	vadd.f32 v0, v10;
	v10 =	vld [tilespmem:$0x1FD50]  }
0x25e: {  	v16 =	vadd.f32 v44, v42;
	v17 =	vmul.f32 v17, v62;
	v11 =	vadd.f32 v12, v11  }
0x25f: {  	v25 =	vadd.f32 v25, v30;
	v6 =	vmul.f32 v6, v20;
	v31 =	vadd.f32 v31, v35  }
0x260: {  	v27 =	vadd.f32 v27, v33;
	v8 =	vmul.f32 v11, v8;
	v7 =	vadd.f32 v17, v16  }
0x261: {  	v14 =	vadd.f32 v14, v32;
	v12 =	vmul.f32 v31, v26;
	v4 =	vadd.f32 v6, v4  }
0x262: {  	v30 =	vld [tilespmem:$0x1FBC0];
	v3 =	vmul.f32 v3, v20;
	v7 =	vmul.f32 v7, v20;
	v8 =	vadd.f32 v8, v10  }
0x263: {  	v63 =	vld [tilespmem:$0x1FC90];
	v21 =	vmul.f32 v53, v58;
	v6 =	vmul.f32 v14, v26;
	v4 =	vadd.f32 v12, v4  }
0x264: {  	v0 =	vadd.f32 v3, v0;
	v3 =	vadd.f32 v7, v8;
	v7 =	vmul.f32 v24, v9  }
0x265: {  	v2 =	vadd.f32 v21, v2  }
0x266: {  	v3 =	vadd.f32 v6, v3;
	v6 =	vmul.f32 v27, v9;
	v4 =	vadd.f32 v7, v4;
	v7 =	vld [tilespmem:$0x1FDA0]  }
0x267: {  	v30 =	vadd.f32 v30, v36;
	v36 =	vld [tilespmem:$0x1FD60];
	v2 =	vmul.f32 v2, v20  }
0x268: {  	v33 =	vadd.f32 v63, v38;
	v38 =	vadd.f32 v6, v3;
	v3 =	vld [tilespmem:$0x1FD70]  }
0x269: {  	v15 =	vmul.f32 v30, v26;
	v2 =	vadd.f32 v2, v5;
	_ =	sdelay $0x1  }
0x26a: {  	v13 =	vmul.f32 v22, v9;
	v2 =	vadd.f32 v15, v2;
	_ =	sdelay $0x1  }
0x26b: {  	v2 =	vadd.f32 v13, v2  }
0x26c: {  	[tilespmem:v7+s18+$0x0] =	vst.idx.msk $0xffff, v1  }
0x26d: {  	[tilespmem:v36+s18+$0x0] =	vst.idx.msk $0xffff, v2  }
0x26e: {  	[tilespmem:v3+s18+$0x0] =	vst.idx.msk $0xffff, v4;
	v4 =	vld [tilespmem:$0x1FD80];
	_ =	sdelay $0x1  }
0x26f: {  	v5 =	vmul.f32 v33, v26;
	_ =	sdelay $0x1  }
0x270: {  	v0 =	vadd.f32 v5, v0;
	v5 =	vmul.f32 v25, v9;
	_ =	sdelay $0x1  }
0x271: {  	v0 =	vadd.f32 v5, v0;
	_ =	sdelay $0x1  }
0x272: {  	[tilespmem:v4+s18+$0x0] =	vst.idx.msk $0xffff, v0;
	v4 =	vld [tilespmem:$0x1FD90];
	_ =	sdelay $0x3  }
0x273: {  	v3 =	vor.u32 $0x802, v59;
	_ =	sdelay $0x2  }
0x274: {  	v42 =	vor.u32 $0x1805, v59  }
0x275: {  	v44 =	vor.u32 $0x2805, v59;
	[tilespmem:v4+s18+$0x0] =	vst.idx.msk $0xffff, v38  }
0x276: {  	v23 =	vld.idx.msk [tilespmem:v3+s13+$0x0], $0xffff;
	v3 =	vor.u32 $0x1804, v59  }
0x277: {  	v46 =	vor.u32 $0x3805, v59  }
0x278: {  	s22 =	simm.s32 $0x0  }
0x279: {  	v5 =	vmov s22;
	v4 =	vor.u32 $0x805, v59;
	v0 =	vld.idx.msk [tilespmem:v42+s31+$0x0], $0xffff  }
0x27a: {  	v5 =	vand.u32 $0x7C, v5;
	v1 =	vld.idx.msk [tilespmem:v44+s31+$0x0], $0xffff  }
0x27b: {  	v5 =	vbroadcast v5, $0x0;
	v51 =	vld.idx.msk [tilespmem:v3+s31+$0x0], $0xffff;
	v3 =	vor.u32 $0x3803, v59  }
0x27c: {  	v22 =	vor.u32 $0x2800, v59;
	v2 =	vld.idx.msk [tilespmem:v46+s31+$0x0], $0xffff  }
0x27d: {  	v48 =	vor.u32 v22, v5  }
0x27e: {  	v32 =	vld.idx.msk [tilespmem:v4+s31+$0x0], $0xffff;
	v4 =	vor.u32 $0x2804, v59  }
0x27f: {  	v45 =	vor.u32 $0x3804, v59;
	s25 =	simm.s32 $0x3;
	[tilespmem:$0x1F680] =	vst v0  }
0x280: {  	[tilespmem:$0x1F6B0] =	vst v1;
	v58 =	vld.idx.msk [tilespmem:v3+s31+$0x0], $0xffff;
	v3 =	vmov s25  }
0x281: {  	[tilespmem:$0x1F6F0] =	vst v2;
	v3 =	vand.u32 $0x7F, v3  }
0x282: {  	v47 =	vor.u32 $0x4804, v59;
	v0 =	vld.idx.msk [tilespmem:v48+s15+$0x0], $0xffff;
	v8 =	vbroadcast v3, $0x0  }
0x283: {  	v57 =	vld.idx.msk [tilespmem:v4+s31+$0x0], $0xffff;
	v4 =	vor.u32 $0x4803, v59  }
0x284: {  	v62 =	vld.idx.msk [tilespmem:v45+s31+$0x0], $0xffff;
	v45 =	vor.u32 v22, v8  }
0x285: {  	s23 =	simm.s32 $0x43  }
0x286: {  	v41 =	vor.u32 $0x1803, v59;
	v7 =	vmov s23  }
0x287: {  	v60 =	vor.u32 $0x1800, v59;
	v33 =	vor.u32 $0x800, v59;
	v63 =	vld.idx.msk [tilespmem:v47+s31+$0x0], $0xffff;
	v3 =	vand.u32 $0x7F, v7  }
0x288: {  	v50 =	vor.u32 v33, v5;
	[tilespmem:$0x1F640] =	vst v0;
	v61 =	vld.idx.msk [tilespmem:v4+s31+$0x0], $0xffff;
	v4 =	vor.u32 v60, v5;
	v5 =	vbroadcast v3, $0x0  }
0x289: {  	v47 =	vor.u32 $0x5800, v59;
	v0 =	vld.idx.msk [tilespmem:v45+s15+$0x0], $0xffff  }
0x28a: {  	v7 =	vor.u32 v47, v5;
	_ =	sdelay $0x1  }
0x28b: {  	v54 =	vld.idx.msk [tilespmem:v41+s31+$0x0], $0xffff  }
0x28c: {  	v39 =	vor.u32 $0x803, v59;
	v11 =	vld.idx.msk [tilespmem:v50+s15+$0x0], $0xffff  }
0x28d: {  	v6 =	vor.u32 $0x4805, v59;
	v12 =	vld.idx.msk [tilespmem:v4+s15+$0x0], $0xffff;
	[tilespmem:$0x1F650] =	vst v0  }
0x28e: {  	v41 =	vor.u32 $0x8800, v59;
	v3 =	vor.u32 v22, v5;
	v48 =	vld.idx.msk [tilespmem:v7+s21+$0x0], $0xffff  }
0x28f: {  	v9 =	vor.u32 v41, v5;
	_ =	sdelay $0x1  }
0x290: {  	v52 =	vld.idx.msk [tilespmem:v39+s31+$0x0], $0xffff  }
0x291: {  	s24 =	simm.s32 $0x2;
	v55 =	vld.idx.msk [tilespmem:v6+s31+$0x0], $0xffff  }
0x292: {  	v6 =	vmov s24;
	v0 =	vld.idx.msk [tilespmem:v3+s21+$0x0], $0xffff;
	[tilespmem:$0x1F690] =	vst v48  }
0x293: {  	v39 =	vor.u32 $0xB800, v59;
	v6 =	vand.u32 $0x7E, v6;
	v1 =	vld.idx.msk [tilespmem:v9+s21+$0x0], $0xffff  }
0x294: {  	v13 =	vbroadcast v6, $0x0;
	v6 =	vor.u32 v39, v5;
	_ =	sdelay $0x3  }
0x295: {  	[tilespmem:$0x1F6C0] =	vst v1  }
0x296: {  	v34 =	vor.u32 $0xE800, v59;
	v1 =	vld.idx.msk [tilespmem:v6+s21+$0x0], $0xffff  }
0x297: {  	v10 =	vor.u32 v34, v5;
	_ =	sdelay $0x3  }
0x298: {  	[tilespmem:$0x1F700] =	vst v1  }
0x299: {  	v1 =	vld.idx.msk [tilespmem:v10+s21+$0x0], $0xffff  }
0x29a: {  	v15 =	vor.u32 v22, v13  }
0x29b: {  	s25 =	simm.s32 $0x42  }
0x29c: {  	v46 =	vmov s25  }
0x29d: {  	v2 =	vand.u32 $0x7E, v46  }
0x29e: {  	v14 =	vbroadcast v2, $0x0;
	[tilespmem:$0x1F720] =	vst v1  }
0x29f: {  	v1 =	vld.idx.msk [tilespmem:v15+s15+$0x0], $0xffff  }
0x2a0: {  	v16 =	vor.u32 v22, v14;
	_ =	sdelay $0x3  }
0x2a1: {  	[tilespmem:$0x1F760] =	vst v1  }
0x2a2: {  	v1 =	vld.idx.msk [tilespmem:v16+s21+$0x0], $0xffff  }
0x2a3: {  	v7 =	vor.u32 v47, v14;
	_ =	sdelay $0x3  }
0x2a4: {  	v37 =	vor.u32 $0x801, v59;
	[tilespmem:$0x1F790] =	vst v1  }
0x2a5: {  	v40 =	vor.u32 $0x804, v59;
	v1 =	vld.idx.msk [tilespmem:v7+s21+$0x0], $0xffff  }
0x2a6: {  	v17 =	vor.u32 v33, v8  }
0x2a7: {  	v8 =	vor.u32 v60, v8  }
0x2a8: {  	v49 =	vld.idx.msk [tilespmem:v33+s13+$0x0], $0xffff;
	v15 =	vor.u32 v33, v5  }
0x2a9: {  	v35 =	vld.idx.msk [tilespmem:v37+s13+$0x0], $0xffff;
	v2 =	vor.u32 $0x3800, v59;
	v16 =	vor.u32 v60, v5  }
0x2aa: {  	v53 =	vld.idx.msk [tilespmem:v40+s31+$0x0], $0xffff;
	v3 =	vor.u32 $0x4800, v59;
	v7 =	vor.u32 v2, v5;
	[tilespmem:$0x1F7C0] =	vst v1  }
0x2ab: {  	v4 =	vor.u32 $0x6800, v59;
	v18 =	vor.u32 v3, v5;
	v17 =	vld.idx.msk [tilespmem:v17+s15+$0x0], $0xffff  }
0x2ac: {  	v19 =	vor.u32 v4, v5;
	v6 =	vor.u32 $0x7800, v59;
	v8 =	vld.idx.msk [tilespmem:v8+s15+$0x0], $0xffff  }
0x2ad: {  	v9 =	vor.u32 $0x9800, v59;
	v20 =	vor.u32 v6, v5;
	v15 =	vld.idx.msk [tilespmem:v15+s21+$0x0], $0xffff  }
0x2ae: {  	v21 =	vor.u32 v9, v5;
	v10 =	vor.u32 $0xA800, v59;
	v16 =	vld.idx.msk [tilespmem:v16+s21+$0x0], $0xffff  }
0x2af: {  	v42 =	vor.u32 $0xC800, v59;
	v24 =	vor.u32 v10, v5;
	v7 =	vld.idx.msk [tilespmem:v7+s21+$0x0], $0xffff  }
0x2b0: {  	v43 =	vor.u32 $0x2803, v59;
	v25 =	vor.u32 v42, v5;
	v59 =	vor.u32 $0xD800, v59;
	v18 =	vld.idx.msk [tilespmem:v18+s21+$0x0], $0xffff  }
0x2b1: {  	v5 =	vor.u32 v59, v5;
	v19 =	vld.idx.msk [tilespmem:v19+s21+$0x0], $0xffff  }
0x2b2: {  	v27 =	vor.u32 v33, v13;
	v11 =	vmul.f32 v11, v49;
	v12 =	vmul.f32 v12, v35;
	v20 =	vld.idx.msk [tilespmem:v20+s21+$0x0], $0xffff  }
0x2b3: {  	v13 =	vor.u32 v60, v13;
	v21 =	vld.idx.msk [tilespmem:v21+s21+$0x0], $0xffff  }
0x2b4: {  	v50 =	vadd.f32 v12, v11;
	v24 =	vld.idx.msk [tilespmem:v24+s21+$0x0], $0xffff  }
0x2b5: {  	s23 =	simm.s32 $0x1;
	v25 =	vld.idx.msk [tilespmem:v25+s21+$0x0], $0xffff  }
0x2b6: {  	v26 =	vmov s23;
	v31 =	vld.idx.msk [tilespmem:v5+s21+$0x0], $0xffff;
	[tilespmem:$0x1F950] =	vst v50  }
0x2b7: {  	v26 =	vand.u32 $0x7D, v26;
	v28 =	vor.u32 v33, v14;
	v11 =	vld.idx.msk [tilespmem:v27+s15+$0x0], $0xffff  }
0x2b8: {  	v12 =	vor.u32 v3, v14;
	v13 =	vld.idx.msk [tilespmem:v13+s15+$0x0], $0xffff;
	v17 =	vmul.f32 v17, v49;
	v8 =	vmul.f32 v8, v35  }
0x2b9: {  	v56 =	vld.idx.msk [tilespmem:v43+s31+$0x0], $0xffff;
	v29 =	vor.u32 v60, v14;
	v5 =	vmul.f32 v15, v52;
	v15 =	vmul.f32 v16, v53  }
0x2ba: {  	v30 =	vor.u32 v2, v14;
	v7 =	vmul.f32 v7, v54;
	v16 =	vmul.f32 v18, v51  }
0x2bb: {  	v27 =	vor.u32 v42, v14;
	v18 =	vbroadcast v26, $0x0;
	v21 =	vmul.f32 v21, v58  }
0x2bc: {  	v24 =	vmul.f32 v24, v62;
	v26 =	vor.u32 v10, v14;
	v11 =	vmul.f32 v11, v49  }
0x2bd: {  	v12 =	vld.idx.msk [tilespmem:v12+s21+$0x0], $0xffff;
	v13 =	vmul.f32 v13, v35;
	v36 =	vadd.f32 v8, v17;
	v8 =	vor.u32 v4, v14  }
0x2be: {  	v17 =	vld.idx.msk [tilespmem:v28+s21+$0x0], $0xffff;
	v37 =	vadd.f32 v15, v5;
	v5 =	vmul.f32 v19, v56;
	v19 =	vmul.f32 v20, v57  }
0x2bf: {  	v15 =	vor.u32 v6, v14;
	v38 =	vadd.f32 v16, v7;
	v7 =	vor.u32 v9, v14;
	v16 =	vld.idx.msk [tilespmem:v29+s21+$0x0], $0xffff  }
0x2c0: {  	v20 =	vld.idx.msk [tilespmem:v30+s21+$0x0], $0xffff;
	v29 =	vor.u32 v59, v14;
	v40 =	vadd.f32 v19, v5;
	v5 =	vadd.f32 v24, v21  }
0x2c1: {  	s24 =	simm.s32 $0x41;
	v24 =	vmul.f32 v25, v61;
	v25 =	vmul.f32 v31, v63;
	v31 =	vadd.f32 v13, v11;
	v13 =	vld.idx.msk [tilespmem:v27+s21+$0x0], $0xffff  }
0x2c2: {  	v19 =	vmov s24;
	v21 =	vor.u32 v33, v18;
	v26 =	vld.idx.msk [tilespmem:v26+s21+$0x0], $0xffff  }
0x2c3: {  	v28 =	vor.u32 v60, v18;
	v19 =	vand.u32 $0x7D, v19;
	v8 =	vld.idx.msk [tilespmem:v8+s21+$0x0], $0xffff  }
0x2c4: {  	v30 =	vor.u32 v41, v14;
	v11 =	vbroadcast v19, $0x0;
	v15 =	vld.idx.msk [tilespmem:v15+s21+$0x0], $0xffff  }
0x2c5: {  	v19 =	vor.u32 v39, v14;
	v7 =	vld.idx.msk [tilespmem:v7+s21+$0x0], $0xffff;
	v17 =	vmul.f32 v17, v52;
	v16 =	vmul.f32 v16, v53  }
0x2c6: {  	v44 =	vadd.f32 v25, v24;
	v14 =	vor.u32 v34, v14;
	v24 =	vld.idx.msk [tilespmem:v29+s21+$0x0], $0xffff  }
0x2c7: {  	v43 =	vadd.f32 v16, v17;
	v16 =	vld.idx.msk [tilespmem:v21+s15+$0x0], $0xffff;
	v21 =	vor.u32 v33, v11  }
0x2c8: {  	v12 =	vmul.f32 v12, v51;
	v20 =	vmul.f32 v20, v54;
	v17 =	vld.idx.msk [tilespmem:v28+s15+$0x0], $0xffff  }
0x2c9: {  	v28 =	vld.idx.msk [tilespmem:v30+s21+$0x0], $0xffff  }
0x2ca: {  	v48 =	vadd.f32 v12, v20;
	v12 =	vld.idx.msk [tilespmem:v19+s21+$0x0], $0xffff;
	v8 =	vmul.f32 v8, v56;
	v15 =	vmul.f32 v15, v57  }
0x2cb: {  	v14 =	vld.idx.msk [tilespmem:v14+s21+$0x0], $0xffff  }
0x2cc: {  	v45 =	vadd.f32 v15, v8;
	v15 =	vld.idx.msk [tilespmem:v21+s21+$0x0], $0xffff  }
0x2cd: {  	[tilespmem:$0x1F630] =	vst v35;
	v17 =	vmul.f32 v17, v35;
	v35 =	vld [tilespmem:$0x1F640]  }
0x2ce: {  	v26 =	vmul.f32 v26, v62;
	v7 =	vmul.f32 v7, v58  }
0x2cf: {  	v25 =	vor.u32 v60, v11;
	v27 =	vor.u32 v2, v11;
	v8 =	vor.u32 v3, v11  }
0x2d0: {  	s25 =	simm.s32 $0x40;
	v46 =	vadd.f32 v26, v7;
	v7 =	vmul.f32 v13, v61;
	v16 =	vmul.f32 v16, v49  }
0x2d1: {  	v13 =	vor.u32 v4, v11;
	v21 =	vmul.f32 v24, v63;
	v24 =	vmov s25  }
0x2d2: {  	[tilespmem:$0x1F620] =	vst v49;
	v49 =	vadd.f32 v17, v16;
	v16 =	vand.u32 $0x7C, v24;
	v24 =	vmul.f32 v35, v23;
	v35 =	vld [tilespmem:$0x1F650]  }
0x2d3: {  	v1 =	vld [tilespmem:$0x1F6B0]  }
0x2d4: {  	v20 =	vld.idx.msk [tilespmem:v25+s21+$0x0], $0xffff  }
0x2d5: {  	v19 =	vor.u32 v6, v11;
	v17 =	vld.idx.msk [tilespmem:v27+s21+$0x0], $0xffff  }
0x2d6: {  	v50 =	vadd.f32 v21, v7;
	v21 =	vld.idx.msk [tilespmem:v8+s21+$0x0], $0xffff  }
0x2d7: {  	v13 =	vld.idx.msk [tilespmem:v13+s21+$0x0], $0xffff;
	v8 =	vmul.f32 v35, v23  }
0x2d8: {  	v35 =	vld [tilespmem:$0x1F690]  }
0x2d9: {  	v16 =	vbroadcast v16, $0x0;
	[tilespmem:$0x1F660] =	vst v8;
	v8 =	vld [tilespmem:$0x1F680]  }
0x2da: {  	v19 =	vld.idx.msk [tilespmem:v19+s21+$0x0], $0xffff  }
0x2db: {  	v29 =	vor.u32 v33, v16;
	[tilespmem:$0x1F670] =	vst v33;
	v33 =	vld [tilespmem:$0x1F6C0];
	_ =	sdelay $0x2  }
0x2dc: {  	v30 =	vmul.f32 v0, v32;
	v25 =	vor.u32 v9, v11;
	v0 =	vmul.f32 v35, v8;
	_ =	sdelay $0x1  }
0x2dd: {  	[tilespmem:$0x1F6A0] =	vst v0;
	v0 =	vmul.f32 v33, v1;
	_ =	sdelay $0x1  }
0x2de: {  	v35 =	vld [tilespmem:$0x1F700];
	[tilespmem:$0x1F6D0] =	vst v0  }
0x2df: {  	v25 =	vld.idx.msk [tilespmem:v25+s21+$0x0], $0xffff  }
0x2e0: {  	v33 =	vor.u32 v60, v16;
	[tilespmem:$0x1F6E0] =	vst v60;
	v60 =	vld [tilespmem:$0x1F6F0];
	_ =	sdelay $0x4  }
0x2e1: {  	v0 =	vmul.f32 v35, v60;
	v35 =	vld [tilespmem:$0x1F720];
	_ =	sdelay $0x2  }
0x2e2: {  	v27 =	vor.u32 v10, v11;
	_ =	sdelay $0x1  }
0x2e3: {  	[tilespmem:$0x1F710] =	vst v0;
	v0 =	vmul.f32 v35, v55;
	_ =	sdelay $0x1  }
0x2e4: {  	[tilespmem:$0x1F730] =	vst v0  }
0x2e5: {  	v0 =	vld.idx.msk [tilespmem:v27+s21+$0x0], $0xffff  }
0x2e6: {  	v35 =	vor.u32 v2, v16;
	[tilespmem:$0x1F740] =	vst v2;
	v2 =	vld [tilespmem:$0x1F760];
	_ =	sdelay $0x4  }
0x2e7: {  	v2 =	vmul.f32 v2, v23;
	_ =	sdelay $0x1  }
0x2e8: {  	[tilespmem:$0x1F770] =	vst v2;
	v2 =	vld [tilespmem:$0x1F790];
	_ =	sdelay $0x2  }
0x2e9: {  	v26 =	vor.u32 v42, v11;
	_ =	sdelay $0x1  }
0x2ea: {  	[tilespmem:$0x1F750] =	vst v23;
	v2 =	vmul.f32 v2, v32  }
0x2eb: {  	[tilespmem:$0x1F780] =	vst v32  }
0x2ec: {  	[tilespmem:$0x1F7A0] =	vst v2  }
0x2ed: {  	v26 =	vld.idx.msk [tilespmem:v26+s21+$0x0], $0xffff  }
0x2ee: {  	v32 =	vor.u32 v3, v16;
	[tilespmem:$0x1F7B0] =	vst v3;
	v3 =	vld [tilespmem:$0x1F7C0];
	_ =	sdelay $0x4  }
0x2ef: {  	v7 =	vor.u32 v22, v18;
	v18 =	vor.u32 v59, v11;
	v2 =	vmul.f32 v3, v8;
	_ =	sdelay $0x1  }
0x2f0: {  	[tilespmem:$0x1F7D0] =	vst v2;
	v2 =	vmul.f32 v28, v1;
	_ =	sdelay $0x1  }
0x2f1: {  	[tilespmem:$0x1F7E0] =	vst v2  }
0x2f2: {  	v60 =	vmul.f32 v12, v60;
	v18 =	vld.idx.msk [tilespmem:v18+s21+$0x0], $0xffff;
	[tilespmem:$0x1F7F0] =	vst v4  }
0x2f3: {  	[tilespmem:$0x1F810] =	vst v55;
	v55 =	vmul.f32 v14, v55  }
0x2f4: {  	[tilespmem:$0x1F800] =	vst v60  }
0x2f5: {  	v23 =	vor.u32 v4, v16;
	[tilespmem:$0x1F820] =	vst v55  }
0x2f6: {  	v12 =	vld.idx.msk [tilespmem:v29+s21+$0x0], $0xffff;
	[tilespmem:$0x1F830] =	vst v6  }
0x2f7: {  	v14 =	vor.u32 v6, v16;
	v28 =	vld.idx.msk [tilespmem:v33+s21+$0x0], $0xffff;
	[tilespmem:$0x1F840] =	vst v9  }
0x2f8: {  	v3 =	vmov v53;
	v53 =	vmul.f32 v20, v53;
	v20 =	vld.idx.msk [tilespmem:v35+s21+$0x0], $0xffff;
	[tilespmem:$0x1F850] =	vst v10  }
0x2f9: {  	v2 =	vmov v52;
	v52 =	vmul.f32 v15, v52;
	v15 =	vor.u32 v9, v16;
	v29 =	vld.idx.msk [tilespmem:v32+s21+$0x0], $0xffff;
	[tilespmem:$0x1F860] =	vst v42  }
0x2fa: {  	v23 =	vld.idx.msk [tilespmem:v23+s21+$0x0], $0xffff;
	[tilespmem:$0x1F870] =	vst v62  }
0x2fb: {  	v9 =	vmov v54;
	v54 =	vmul.f32 v17, v54;
	v17 =	vor.u32 v10, v16;
	[tilespmem:$0x1F880] =	vst v59  }
0x2fc: {  	v6 =	vmov v57;
	v57 =	vmul.f32 v19, v57;
	v19 =	vor.u32 v42, v16;
	v14 =	vld.idx.msk [tilespmem:v14+s21+$0x0], $0xffff;
	[tilespmem:$0x1F890] =	vst v61  }
0x2fd: {  	v1 =	vor.u32 v22, v11;
	v60 =	vmul.f32 v25, v58;
	[tilespmem:$0x1F8A0] =	vst v63  }
0x2fe: {  	v25 =	vor.u32 v41, v11;
	v59 =	vor.u32 v59, v16;
	v15 =	vld.idx.msk [tilespmem:v15+s21+$0x0], $0xffff;
	[tilespmem:$0x1F8B0] =	vst v2  }
0x2ff: {  	v55 =	vmul.f32 v21, v51;
	v10 =	vor.u32 v47, v11;
	v32 =	vor.u32 v34, v11;
	[tilespmem:$0x1F8C0] =	vst v3  }
0x300: {  	v61 =	vmul.f32 v26, v61;
	v26 =	vor.u32 v39, v11;
	v21 =	vld.idx.msk [tilespmem:v17+s21+$0x0], $0xffff;
	[tilespmem:$0x1F8D0] =	vst v9  }
0x301: {  	v11 =	vmul.f32 v12, v2;
	v12 =	vmul.f32 v20, v9;
	v20 =	vld.idx.msk [tilespmem:v19+s21+$0x0], $0xffff;
	[tilespmem:$0x1F8E0] =	vst v51  }
0x302: {  	[tilespmem:$0x1F8F0] =	vst v22  }
0x303: {  	v63 =	vmul.f32 v18, v63;
	v18 =	vld.idx.msk [tilespmem:v59+s21+$0x0], $0xffff;
	[tilespmem:$0x1F900] =	vst v47  }
0x304: {  	[tilespmem:$0x1F910] =	vst v41  }
0x305: {  	v27 =	vor.u32 v41, v16;
	[tilespmem:$0x1F920] =	vst v39  }
0x306: {  	v4 =	vmovc v56;
	v56 =	vmul.f32 v13, v56;
	v42 =	vmov v6;
	v13 =	vmul.f32 v28, v3;
	[tilespmem:$0x1F930] =	vst v34  }
0x307: {  	v28 =	vor.u32 v47, v16;
	v17 =	vmul.f32 v29, v51;
	v29 =	vor.u32 v22, v16;
	[tilespmem:$0x1F940] =	vst v4  }
0x308: {  	v51 =	vor.u32 v34, v16;
	v59 =	vor.u32 v39, v16;
	v16 =	vld.idx.msk [tilespmem:v7+s15+$0x0], $0xffff;
	[tilespmem:$0x1F960] =	vst v42  }
0x309: {  	v35 =	vimm.f32 $0.0e+00;
	v47 =	vimm.f32 $0.0e+00;
	v22 =	vmul.f32 v14, v42;
	v14 =	vld.idx.msk [tilespmem:v1+s21+$0x0], $0xffff;
	[tilespmem:$0x1F970] =	vst v58  }
0x30a: {  	v6 =	vld [tilespmem:$0x1F950];
	v19 =	vmul.f32 v23, v4;
	v23 =	vmul.f32 v15, v58;
	[tilespmem:$0x1F980] =	vst v47;
	v58 =	vimm.f32 $0.0e+00  }
0x30b: {  	s22 =	simm.s32 $0x4;
	v62 =	vmul.f32 v0, v62;
	v34 =	vimm.f32 $0.0e+00;
	v42 =	vimm.f32 $0.0e+00;
	v15 =	vld.idx.msk [tilespmem:v10+s21+$0x0], $0xffff;
	[tilespmem:$0x1F990] =	vst v58  }
.LBB2_5:
0x30c: {  	v0 =	vld [tilespmem:$0x1F870]  }
0x30d: {  	v52 =	vadd.f32 v53, v52;
	v58 =	vld [tilespmem:$0x1F890]  }
0x30e: {  	v53 =	vadd.f32 v55, v54;
	v55 =	vadd.f32 v62, v60;
	v60 =	vld [tilespmem:$0x1F8A0]  }
0x30f: {  	v41 =	vld [tilespmem:$0x1F750]  }
0x310: {  	v47 =	vld [tilespmem:$0x1F680]  }
0x311: {  	v62 =	vld [tilespmem:$0x1F660]  }
0x312: {  	v1 =	vld [tilespmem:$0x1F7A0]  }
0x313: {  	v39 =	vld.idx.msk [tilespmem:v25+s21+$0x0], $0xffff  }
0x314: {  	v33 =	vld.idx.msk [tilespmem:v26+s21+$0x0], $0xffff  }
0x315: {  	v29 =	vld.idx.msk [tilespmem:v29+s21+$0x0], $0xffff  }
0x316: {  	v12 =	vadd.f32 v17, v12;
	v17 =	vadd.f32 v22, v19;
	v19 =	vld.idx.msk [tilespmem:v28+s21+$0x0], $0xffff  }
0x317: {  	v25 =	vld [tilespmem:$0x1F780]  }
0x318: {  	v22 =	vld.idx.msk [tilespmem:v27+s21+$0x0], $0xffff  }
0x319: {  	v2 =	vadd.f32 v30, v37;
	v37 =	vld [tilespmem:$0x1F770]  }
0x31a: {  	v20 =	vmul.f32 v20, v58;
	v58 =	vld [tilespmem:$0x1F6B0]  }
0x31b: {  	v11 =	vadd.f32 v13, v11;
	v13 =	vmul.f32 v18, v60;
	v18 =	vadd.f32 v63, v61;
	v63 =	vld [tilespmem:$0x1F6A0]  }
0x31c: {  	v21 =	vmul.f32 v21, v0;
	v7 =	vadd.f32 v62, v36;
	v36 =	vld [tilespmem:$0x1F710]  }
0x31d: {  	v54 =	vadd.f32 v57, v56;
	v3 =	vadd.f32 v1, v43;
	v43 =	vld [tilespmem:$0x1F800]  }
0x31e: {  	v16 =	vmul.f32 v16, v41;
	v15 =	vmul.f32 v15, v47;
	v21 =	vadd.f32 v21, v23;
	v23 =	vld.idx.msk [tilespmem:v59+s21+$0x0], $0xffff  }
0x31f: {  	v13 =	vadd.f32 v13, v20;
	v20 =	vadd.f32 v24, v6;
	v59 =	vld [tilespmem:$0x1F6F0]  }
0x320: {  	v16 =	vadd.f32 v16, v49;
	v15 =	vadd.f32 v15, v53  }
0x321: {  	v2 =	vmul.f32 v2, v7;
	v14 =	vmul.f32 v14, v25;
	v31 =	vadd.f32 v37, v31  }
0x322: {  	v24 =	vld [tilespmem:$0x1F980];
	v29 =	vmul.f32 v29, v25;
	v19 =	vmul.f32 v19, v47;
	v8 =	vadd.f32 v63, v38  }
0x323: {  	v27 =	vmul.f32 v39, v58;
	v5 =	vadd.f32 v36, v5;
	v38 =	vld [tilespmem:$0x1F730];
	v10 =	vadd.f32 v43, v46  }
0x324: {  	v22 =	vmul.f32 v22, v58;
	v11 =	vadd.f32 v29, v11;
	v28 =	vmul.f32 v33, v59;
	v33 =	vld [tilespmem:$0x1F6D0]  }
0x325: {  	v9 =	vld.idx.msk [tilespmem:v51+s21+$0x0], $0xffff;
	v14 =	vadd.f32 v14, v52;
	v12 =	vadd.f32 v19, v12;
	v3 =	vmul.f32 v3, v31  }
0x326: {  	v39 =	vld [tilespmem:$0x1F7D0];
	v23 =	vmul.f32 v23, v59;
	v27 =	vadd.f32 v27, v54;
	v11 =	vmul.f32 v11, v20  }
0x327: {  	v32 =	vld.idx.msk [tilespmem:v32+s21+$0x0], $0xffff;
	v17 =	vadd.f32 v22, v17;
	v8 =	vmul.f32 v8, v7;
	v19 =	vadd.f32 v28, v55  }
0x328: {  	v14 =	vmul.f32 v14, v16;
	v0 =	vadd.f32 v38, v44;
	v44 =	vld [tilespmem:$0x1F820];
	v11 =	vadd.f32 v11, v24  }
0x329: {  	v5 =	vmul.f32 v5, v7;
	v21 =	vadd.f32 v23, v21;
	v4 =	vadd.f32 v33, v40;
	v33 =	vld [tilespmem:$0x1F810]  }
0x32a: {  	v40 =	vld [tilespmem:$0x1F7E0];
	v11 =	vadd.f32 v14, v11;
	v14 =	vmul.f32 v15, v16;
	v15 =	vmul.f32 v27, v16  }
0x32b: {  	v30 =	vadd.f32 v39, v48;
	v0 =	vmul.f32 v0, v7;
	v4 =	vmul.f32 v4, v7  }
0x32c: {  	v3 =	vadd.f32 v3, v11;
	v11 =	vmul.f32 v12, v20;
	v7 =	vmov s22  }
0x32d: {  	s24 =	sadd.s32 $0x2, s22;
	v12 =	vmul.f32 v17, v20;
	v1 =	vadd.f32 v44, v50;
	v48 =	vand.u32 $0x7C, v7  }
0x32e: {  	v7 =	vmov s24;
	v2 =	vadd.f32 v2, v3;
	v3 =	vld [tilespmem:$0x1F990];
	v9 =	vmul.f32 v9, v33  }
0x32f: {  	v49 =	vbroadcast v48, $0x0;
	v32 =	vmul.f32 v32, v33;
	v6 =	vadd.f32 v40, v45  }
0x330: {  	v45 =	vadd.f32 v11, v35;
	v11 =	vmul.f32 v19, v16;
	v9 =	vadd.f32 v9, v13  }
0x331: {  	v26 =	vld [tilespmem:$0x1F8F0];
	v7 =	vand.u32 $0x7E, v7;
	v1 =	vmul.f32 v1, v31;
	v13 =	vmul.f32 v30, v31  }
0x332: {  	[tilespmem:$0x1F980] =	vst v2;
	v17 =	vadd.f32 v32, v18;
	v2 =	vadd.f32 v14, v45;
	v9 =	vmul.f32 v9, v20  }
0x333: {  	v57 =	vld [tilespmem:$0x1F7B0];
	v7 =	vbroadcast v7, $0x0;
	v18 =	vmul.f32 v21, v20;
	v3 =	vadd.f32 v12, v3  }
0x334: {  	v32 =	vld [tilespmem:$0x1F670];
	v16 =	vmul.f32 v17, v16;
	v2 =	vadd.f32 v13, v2;
	v9 =	vadd.f32 v9, v34  }
0x335: {  	v61 =	vld [tilespmem:$0x1F7F0];
	v6 =	vmul.f32 v6, v31;
	v12 =	vadd.f32 v18, v42;
	v3 =	vadd.f32 v15, v3  }
0x336: {  	v62 =	vld [tilespmem:$0x1F830];
	v13 =	vor.u32 v26, v7;
	v2 =	vadd.f32 v8, v2;
	v9 =	vadd.f32 v16, v9  }
0x337: {  	s23 =	sadd.s32 $0x3, s22;
	v10 =	vmul.f32 v10, v31;
	v24 =	vld [tilespmem:$0x1F6E0];
	v11 =	vadd.f32 v11, v12;
	v3 =	vadd.f32 v6, v3  }
0x338: {  	v43 =	vld [tilespmem:$0x1F910];
	v50 =	vmov s23;
	[tilespmem:$0x1F5B0] =	vst v2;
	v2 =	vor.u32 v26, v49;
	v1 =	vadd.f32 v1, v9  }
0x339: {  	v39 =	vld [tilespmem:$0x1F900];
	v31 =	vor.u32 v32, v7;
	v6 =	vadd.f32 v10, v11;
	v46 =	vadd.f32 v4, v3  }
0x33a: {  	v45 =	vld [tilespmem:$0x1F920];
	v4 =	vor.u32 v32, v49;
	v0 =	vadd.f32 v0, v1;
	v1 =	vand.u32 $0x7F, v50  }
0x33b: {  	v13 =	vld.idx.msk [tilespmem:v13+s15+$0x0], $0xffff;
	[tilespmem:$0x1F990] =	vst v46;
	v1 =	vbroadcast v1, $0x0  }
0x33c: {  	v3 =	vadd.f32 v5, v6;
	v46 =	vld [tilespmem:$0x1F930];
	[tilespmem:$0x1F570] =	vst v0;
	v0 =	vor.u32 v24, v49  }
0x33d: {  	s25 =	sadd.s32 $0x43, s22;
	v2 =	vld.idx.msk [tilespmem:v2+s15+$0x0], $0xffff;
	v5 =	vor.u32 v26, v1  }
0x33e: {  	[tilespmem:$0x1F590] =	vst v3;
	v3 =	vmov s25;
	v49 =	vld.idx.msk [tilespmem:v31+s15+$0x0], $0xffff;
	v19 =	vor.u32 v32, v1  }
0x33f: {  	v3 =	vand.u32 $0x7F, v3;
	v51 =	vld.idx.msk [tilespmem:v4+s15+$0x0], $0xffff;
	v1 =	vor.u32 v24, v1  }
0x340: {  	v3 =	vbroadcast v3, $0x0;
	v4 =	vld [tilespmem:$0x1F840]  }
0x341: {  	v7 =	vor.u32 v24, v7;
	v60 =	vld.idx.msk [tilespmem:v0+s15+$0x0], $0xffff  }
0x342: {  	v6 =	vor.u32 v26, v3;
	v52 =	vld.idx.msk [tilespmem:v5+s15+$0x0], $0xffff  }
0x343: {  	v8 =	vor.u32 v39, v3;
	[tilespmem:$0x1F480] =	vst v2;
	v2 =	vld.idx.msk [tilespmem:v19+s15+$0x0], $0xffff  }
0x344: {  	v10 =	vor.u32 v43, v3;
	v34 =	vld.idx.msk [tilespmem:v1+s15+$0x0], $0xffff  }
0x345: {  	v19 =	vld [tilespmem:$0x1F880]  }
0x346: {  	s25 =	sadd.s32 $0x42, s22;
	[tilespmem:$0x1F490] =	vst v51;
	v5 =	vor.u32 v46, v3;
	v51 =	vld.idx.msk [tilespmem:v7+s15+$0x0], $0xffff  }
0x347: {  	v9 =	vmov s25;
	v11 =	vor.u32 v45, v3;
	v12 =	vld.idx.msk [tilespmem:v6+s21+$0x0], $0xffff  }
0x348: {  	v9 =	vand.u32 $0x7E, v9;
	v20 =	vor.u32 v32, v3;
	v63 =	vld.idx.msk [tilespmem:v8+s21+$0x0], $0xffff  }
0x349: {  	v9 =	vbroadcast v9, $0x0;
	v21 =	vor.u32 v24, v3;
	v50 =	vld.idx.msk [tilespmem:v10+s21+$0x0], $0xffff  }
0x34a: {  	v8 =	vld [tilespmem:$0x1F740]  }
0x34b: {  	v18 =	vld.idx.msk [tilespmem:v5+s21+$0x0], $0xffff;
	v5 =	vor.u32 v46, v9  }
0x34c: {  	v23 =	vor.u32 v57, v3;
	v11 =	vld.idx.msk [tilespmem:v11+s21+$0x0], $0xffff  }
0x34d: {  	v20 =	vld.idx.msk [tilespmem:v20+s21+$0x0], $0xffff  }
0x34e: {  	v53 =	vor.u32 v61, v3;
	v21 =	vld.idx.msk [tilespmem:v21+s21+$0x0], $0xffff  }
0x34f: {  	v28 =	vor.u32 v4, v3;
	v6 =	vld [tilespmem:$0x1F850]  }
0x350: {  	v0 =	vld.idx.msk [tilespmem:v5+s21+$0x0], $0xffff;
	v5 =	vor.u32 v8, v3  }
0x351: {  	v27 =	vor.u32 v62, v3;
	v23 =	vld.idx.msk [tilespmem:v23+s21+$0x0], $0xffff  }
0x352: {  	s24 =	sadd.s32 $0x41, s22;
	v14 =	vor.u32 v26, v9;
	v10 =	vld [tilespmem:$0x1F860]  }
0x353: {  	v30 =	vmov s24;
	v37 =	vld.idx.msk [tilespmem:v53+s21+$0x0], $0xffff;
	v54 =	vor.u32 v19, v3  }
0x354: {  	v15 =	vor.u32 v39, v9;
	v40 =	vld.idx.msk [tilespmem:v28+s21+$0x0], $0xffff;
	v28 =	vand.u32 $0x7D, v30;
	v30 =	vor.u32 v32, v9  }
0x355: {  	v16 =	vor.u32 v43, v9;
	v44 =	vbroadcast v28, $0x0;
	v36 =	vld.idx.msk [tilespmem:v5+s21+$0x0], $0xffff;
	v5 =	vor.u32 v6, v3  }
0x356: {  	v17 =	vor.u32 v45, v9;
	v1 =	vor.u32 v57, v9;
	v7 =	vor.u32 v61, v9;
	v38 =	vld.idx.msk [tilespmem:v27+s21+$0x0], $0xffff  }
0x357: {  	v31 =	vor.u32 v4, v9;
	v14 =	vld.idx.msk [tilespmem:v14+s21+$0x0], $0xffff;
	[tilespmem:$0x1F4A0] =	vst v52;
	v55 =	vor.u32 v26, v44  }
0x358: {  	s25 =	sadd.s32 $0x40, s22;
	v29 =	vor.u32 v10, v3;
	v56 =	vor.u32 v39, v44;
	[tilespmem:$0x1F5C0] =	vst v55;
	v48 =	vld.idx.msk [tilespmem:v54+s21+$0x0], $0xffff  }
0x359: {  	v27 =	vmov s25;
	v35 =	vor.u32 v8, v9;
	[tilespmem:$0x1F610] =	vst v56;
	v55 =	vor.u32 v10, v9;
	v52 =	vld.idx.msk [tilespmem:v30+s21+$0x0], $0xffff  }
0x35a: {  	s23 =	sadd.s32 $0x1, s22;
	v56 =	vor.u32 v19, v9;
	v30 =	vor.u32 v62, v9;
	v54 =	vor.u32 v6, v9;
	v22 =	vld.idx.msk [tilespmem:v5+s21+$0x0], $0xffff  }
0x35b: {  	v3 =	vmov s23;
	v5 =	vand.u32 $0x7C, v27;
	v27 =	vor.u32 v24, v9;
	v9 =	vld [tilespmem:$0x1F480]  }
0x35c: {  	v15 =	vld.idx.msk [tilespmem:v15+s21+$0x0], $0xffff;
	v3 =	vand.u32 $0x7D, v3  }
0x35d: {  	v16 =	vld.idx.msk [tilespmem:v16+s21+$0x0], $0xffff;
	v0 =	vmul.f32 v0, v33;
	v3 =	vbroadcast v3, $0x0  }
0x35e: {  	v17 =	vld.idx.msk [tilespmem:v17+s21+$0x0], $0xffff  }
0x35f: {  	v7 =	vld.idx.msk [tilespmem:v7+s21+$0x0], $0xffff;
	[tilespmem:$0x1F820] =	vst v0;
	v28 =	vor.u32 v26, v3  }
0x360: {  	v42 =	vld.idx.msk [tilespmem:v29+s21+$0x0], $0xffff;
	[tilespmem:$0x1F580] =	vst v28;
	v28 =	vor.u32 v43, v44;
	v5 =	vbroadcast v5, $0x0;
	v9 =	vmul.f32 v9, v41  }
0x361: {  	v29 =	vld [tilespmem:$0x1F8D0];
	[tilespmem:$0x1F5F0] =	vst v28  }
0x362: {  	v30 =	vld.idx.msk [tilespmem:v30+s21+$0x0], $0xffff;
	[tilespmem:$0x1F5E0] =	vst v9;
	v9 =	vor.u32 v26, v5  }
0x363: {  	v26 =	vld [tilespmem:$0x1F490];
	[tilespmem:$0x1F540] =	vst v9;
	v9 =	vor.u32 v39, v5  }
0x364: {  	v28 =	vor.u32 v45, v44;
	[tilespmem:$0x1F4F0] =	vst v9;
	v9 =	vld.idx.msk [tilespmem:v35+s21+$0x0], $0xffff  }
0x365: {  	[tilespmem:$0x1F5D0] =	vst v28;
	v45 =	vor.u32 v45, v5;
	v35 =	vld [tilespmem:$0x1F620]  }
0x366: {  	v0 =	vld [tilespmem:$0x1F8E0];
	v28 =	vor.u32 v46, v44;
	[tilespmem:$0x1F560] =	vst v45;
	v45 =	vmul.f32 v12, v25  }
0x367: {  	v63 =	vmul.f32 v63, v47;
	[tilespmem:$0x1F500] =	vst v28;
	v12 =	vor.u32 v32, v3;
	v39 =	vld [tilespmem:$0x1F630]  }
0x368: {  	v28 =	vld [tilespmem:$0x1F8C0];
	[tilespmem:$0x1F600] =	vst v45;
	v45 =	vmul.f32 v11, v59;
	v11 =	vor.u32 v32, v44  }
0x369: {  	[tilespmem:$0x1F6A0] =	vst v63;
	v63 =	vor.u32 v24, v3;
	v3 =	vld [tilespmem:$0x1F970]  }
0x36a: {  	v53 =	vld.idx.msk [tilespmem:v27+s21+$0x0], $0xffff;
	[tilespmem:$0x1F710] =	vst v45;
	v26 =	vmul.f32 v26, v35  }
0x36b: {  	v45 =	vmul.f32 v15, v47;
	v47 =	vmul.f32 v16, v58;
	v15 =	vld.idx.msk [tilespmem:v55+s21+$0x0], $0xffff;
	v16 =	vor.u32 v8, v44  }
0x36c: {  	v12 =	vld.idx.msk [tilespmem:v12+s15+$0x0], $0xffff;
	[tilespmem:$0x1F4B0] =	vst v26;
	v26 =	vmul.f32 v60, v39  }
0x36d: {  	v11 =	vld.idx.msk [tilespmem:v11+s21+$0x0], $0xffff  }
0x36e: {  	[tilespmem:$0x1F4C0] =	vst v26;
	v26 =	vor.u32 v43, v5;
	v43 =	vld [tilespmem:$0x1F4A0]  }
0x36f: {  	v55 =	vmul.f32 v34, v39;
	v34 =	vld.idx.msk [tilespmem:v63+s15+$0x0], $0xffff  }
0x370: {  	v16 =	vld.idx.msk [tilespmem:v16+s21+$0x0], $0xffff  }
0x371: {  	[tilespmem:$0x1F5A0] =	vst v26;
	v26 =	vld.idx.msk [tilespmem:v31+s21+$0x0], $0xffff  }
0x372: {  	v32 =	vor.u32 v32, v5;
	v31 =	vld [tilespmem:$0x1F890]  }
0x373: {  	v60 =	vld.idx.msk [tilespmem:v1+s21+$0x0], $0xffff;
	v1 =	vmul.f32 v43, v41  }
0x374: {  	[tilespmem:$0x1F7D0] =	vst v45;
	v43 =	vmul.f32 v50, v58;
	v41 =	vmul.f32 v13, v41;
	v13 =	vld.idx.msk [tilespmem:v54+s21+$0x0], $0xffff  }
0x375: {  	v50 =	vmul.f32 v18, v33;
	v54 =	vmul.f32 v2, v35;
	v2 =	vld [tilespmem:$0x1F960];
	[tilespmem:$0x1F660] =	vst v1  }
0x376: {  	v27 =	vmul.f32 v9, v29;
	v18 =	vor.u32 v57, v44;
	v58 =	vmul.f32 v21, v28;
	v33 =	vld [tilespmem:$0x1F8A0];
	[tilespmem:$0x1F6D0] =	vst v43  }
0x377: {  	v21 =	vor.u32 v62, v44;
	v9 =	vmul.f32 v15, v31;
	v15 =	vld.idx.msk [tilespmem:v32+s21+$0x0], $0xffff;
	[tilespmem:$0x1F730] =	vst v50  }
0x378: {  	[tilespmem:$0x1F770] =	vst v41;
	v43 =	vmul.f32 v14, v25;
	v14 =	vor.u32 v24, v44;
	v1 =	vld [tilespmem:$0x1F940]  }
0x379: {  	v50 =	vmul.f32 v17, v59;
	v17 =	vld.idx.msk [tilespmem:v56+s21+$0x0], $0xffff;
	[tilespmem:$0x1F4D0] =	vst v54;
	v54 =	vor.u32 v61, v44  }
0x37a: {  	v41 =	vld [tilespmem:$0x1F8B0];
	[tilespmem:$0x1F520] =	vst v58;
	v59 =	vmul.f32 v36, v29  }
0x37b: {  	v32 =	vor.u32 v6, v5;
	v36 =	vor.u32 v4, v44;
	[tilespmem:$0x1F7A0] =	vst v43;
	v18 =	vld.idx.msk [tilespmem:v18+s21+$0x0], $0xffff  }
0x37c: {  	v58 =	vmul.f32 v42, v31;
	v25 =	vmul.f32 v34, v39;
	[tilespmem:$0x1F530] =	vst v59;
	v21 =	vld.idx.msk [tilespmem:v21+s21+$0x0], $0xffff  }
0x37d: {  	v59 =	vmul.f32 v38, v2;
	v38 =	vor.u32 v10, v44;
	v14 =	vld.idx.msk [tilespmem:v14+s21+$0x0], $0xffff;
	v63 =	vmul.f32 v37, v1  }
0x37e: {  	v34 =	vor.u32 v19, v5;
	[tilespmem:$0x1F800] =	vst v50;
	v50 =	vmul.f32 v40, v3;
	v40 =	vld.idx.msk [tilespmem:v54+s21+$0x0], $0xffff  }
0x37f: {  	v43 =	vmul.f32 v51, v39;
	v51 =	vor.u32 v46, v5;
	v56 =	vmul.f32 v20, v41;
	[tilespmem:$0x1F550] =	vst v63;
	v63 =	vld [tilespmem:$0x1F870]  }
0x380: {  	v20 =	vmul.f32 v23, v0;
	v37 =	vor.u32 v6, v44;
	v44 =	vor.u32 v19, v44;
	v36 =	vld.idx.msk [tilespmem:v36+s21+$0x0], $0xffff  }
0x381: {  	[tilespmem:$0x1F4E0] =	vst v55;
	v45 =	vmul.f32 v52, v41;
	v52 =	vor.u32 v24, v5;
	v54 =	vor.u32 v8, v5;
	v6 =	vld [tilespmem:$0x1F4C0]  }
0x382: {  	v23 =	vmul.f32 v7, v1;
	v7 =	vmul.f32 v17, v33;
	v17 =	vor.u32 v62, v5;
	v38 =	vld.idx.msk [tilespmem:v38+s21+$0x0], $0xffff  }
0x383: {  	[tilespmem:$0x1F510] =	vst v56;
	v56 =	vor.u32 v57, v5;
	v55 =	vmul.f32 v18, v0;
	v18 =	vor.u32 v10, v5;
	v10 =	vld [tilespmem:$0x1F4E0]  }
0x384: {  	v24 =	vmul.f32 v13, v63;
	v13 =	vor.u32 v61, v5;
	v61 =	vmovc v31;
	v31 =	vor.u32 v4, v5;
	v5 =	vld [tilespmem:$0x1F4B0]  }
0x385: {  	v57 =	vmul.f32 v21, v2;
	v21 =	vld.idx.msk [tilespmem:v32+s21+$0x0], $0xffff  }
0x386: {  	v32 =	vld [tilespmem:$0x1F500]  }
0x387: {  	v37 =	vld.idx.msk [tilespmem:v37+s21+$0x0], $0xffff  }
0x388: {  	v44 =	vld.idx.msk [tilespmem:v44+s21+$0x0], $0xffff  }
0x389: {  	v6 =	vadd.f32 v6, v5;
	v5 =	vld [tilespmem:$0x1F4D0]  }
0x38a: {  	v8 =	vmul.f32 v30, v2;
	v30 =	vmul.f32 v12, v35;
	v12 =	vld.idx.msk [tilespmem:v52+s21+$0x0], $0xffff  }
0x38b: {  	v42 =	vmul.f32 v53, v28;
	v53 =	vmul.f32 v14, v28;
	v14 =	vld.idx.msk [tilespmem:v54+s21+$0x0], $0xffff  }
0x38c: {  	v49 =	vmul.f32 v49, v35;
	v26 =	vmul.f32 v26, v3;
	v35 =	vld.idx.msk [tilespmem:v17+s21+$0x0], $0xffff  }
0x38d: {  	[tilespmem:$0x1F7E0] =	vst v47;
	v54 =	vmul.f32 v16, v29;
	v47 =	vmul.f32 v22, v63;
	v16 =	vld.idx.msk [tilespmem:v56+s21+$0x0], $0xffff  }
0x38e: {  	v22 =	vmul.f32 v60, v0;
	v60 =	vmul.f32 v36, v3;
	v36 =	vadd.f32 v10, v5;
	v5 =	vld [tilespmem:$0x1F510]  }
0x38f: {  	v10 =	vld [tilespmem:$0x1F520]  }
0x390: {  	v48 =	vmul.f32 v48, v33;
	v46 =	vadd.f32 v24, v26;
	v26 =	vld [tilespmem:$0x1F5D0]  }
0x391: {  	v24 =	vld [tilespmem:$0x1F5E0];
	v62 =	vmul.f32 v37, v63  }
0x392: {  	v63 =	vmul.f32 v44, v33;
	v44 =	vadd.f32 v48, v58;
	v48 =	vadd.f32 v22, v27;
	v27 =	vld [tilespmem:$0x1F5A0]  }
0x393: {  	v22 =	vmul.f32 v35, v2;
	v35 =	vld [tilespmem:$0x1F5B0]  }
0x394: {  	v37 =	vadd.f32 v10, v5;
	v5 =	vld [tilespmem:$0x1F530]  }
0x395: {  	v58 =	vld [tilespmem:$0x1F610]  }
0x396: {  	v52 =	vmul.f32 v11, v41;
	v11 =	vmul.f32 v15, v41;
	v15 =	vld.idx.msk [tilespmem:v31+s21+$0x0], $0xffff  }
0x397: {  	v31 =	vadd.f32 v43, v49;
	v49 =	vld [tilespmem:$0x1F580]  }
0x398: {  	v4 =	vld.idx.msk [tilespmem:v13+s21+$0x0], $0xffff  }
0x399: {  	v61 =	vmul.f32 v38, v61;
	v38 =	vadd.f32 v20, v5;
	v5 =	vld [tilespmem:$0x1F550]  }
0x39a: {  	v13 =	vmul.f32 v12, v28;
	v28 =	vld [tilespmem:$0x1F4F0]  }
0x39b: {  	v12 =	vmul.f32 v14, v29;
	v29 =	vld [tilespmem:$0x1F540]  }
0x39c: {  	v43 =	vadd.f32 v42, v45;
	v42 =	vld [tilespmem:$0x1F590]  }
0x39d: {  	v45 =	vadd.f32 v8, v23;
	v23 =	vmul.f32 v15, v3;
	v15 =	vld.idx.msk [tilespmem:v58+s21+$0x0], $0xffff  }
0x39e: {  	v56 =	vmul.f32 v40, v1;
	v40 =	vadd.f32 v59, v5;
	v5 =	vadd.f32 v47, v50;
	v50 =	vld [tilespmem:$0x1F5C0]  }
0x39f: {  	v17 =	vmul.f32 v16, v0;
	v16 =	vld.idx.msk [tilespmem:v49+s15+$0x0], $0xffff  }
0x3a0: {  	v49 =	vadd.f32 v25, v30;
	v25 =	vld [tilespmem:$0x1F5F0]  }
0x3a1: {  	p0 =	slt.u32 s22, $0x3C;
	v30 =	vld [tilespmem:$0x1F600]  }
.Ltmp1:
0x3a2: {  	v20 =	vld.idx.msk [tilespmem:v18+s21+$0x0], $0xffff;
	(pc) =	sbr.rel @p0 .LBB2_5-.Ltmp1, $4  }
0x3a3: {  	v18 =	vld.idx.msk [tilespmem:v34+s21+$0x0], $0xffff  }
0x3a4: {  	v34 =	vld [tilespmem:$0x1F570]  }
0x3a5: {  	v59 =	vld [tilespmem:$0x1F560]  }
0x3a6: {  	s22 =	sadd.s32 $0x4, s22;
	v19 =	vmul.f32 v4, v1;
	v14 =	vld.idx.msk [tilespmem:v50+s21+$0x0], $0xffff;
	v50 =	vadd.f32 v7, v9  }
0x3a7: {  	_ = 	snop  }
0x3a8: {  	v1 =	vld [tilespmem:$0x1F870]  }
0x3a9: {  	v4 =	vld [tilespmem:$0x1F890]  }
0x3aa: {  	v8 =	vld [tilespmem:$0x1F8A0]  }
0x3ab: {  	v10 =	vadd.f32 v17, v12;
	v12 =	vld.idx.msk [tilespmem:v29+s21+$0x0], $0xffff  }
0x3ac: {  	v7 =	vadd.f32 v13, v11;
	v13 =	vld.idx.msk [tilespmem:v25+s21+$0x0], $0xffff  }
0x3ad: {  	v0 =	vadd.f32 v53, v52;
	v52 =	vld [tilespmem:$0x1F660]  }
0x3ae: {  	v2 =	vadd.f32 v55, v54;
	v54 =	vld.idx.msk [tilespmem:v28+s21+$0x0], $0xffff  }
0x3af: {  	v25 =	vld [tilespmem:$0x1F780]  }
0x3b0: {  	v55 =	vld [tilespmem:$0x1F680]  }
0x3b1: {  	v3 =	vadd.f32 v57, v56;
	v56 =	vld [tilespmem:$0x1F7E0]  }
0x3b2: {  	v57 =	vld [tilespmem:$0x1F800]  }
0x3b3: {  	v58 =	vld [tilespmem:$0x1F6B0];
	v1 =	vmul.f32 v21, v1  }
0x3b4: {  	v9 =	vadd.f32 v63, v61;
	v61 =	vld [tilespmem:$0x1F6F0]  }
0x3b5: {  	v1 =	vadd.f32 v1, v23;
	v23 =	vld [tilespmem:$0x1F750]  }
0x3b6: {  	v14 =	vmul.f32 v14, v25;
	v12 =	vmul.f32 v12, v25;
	v25 =	vld.idx.msk [tilespmem:v26+s21+$0x0], $0xffff  }
0x3b7: {  	v11 =	vadd.f32 v22, v19;
	v22 =	vld.idx.msk [tilespmem:v27+s21+$0x0], $0xffff  }
0x3b8: {  	v53 =	vadd.f32 v30, v37;
	v27 =	vld [tilespmem:$0x1F7D0];
	v4 =	vmul.f32 v20, v4;
	v20 =	vmovc v6;
	v6 =	vadd.f32 v62, v60  }
0x3b9: {  	v15 =	vmul.f32 v15, v55;
	v13 =	vmul.f32 v13, v58;
	v7 =	vadd.f32 v12, v7;
	v12 =	vld.idx.msk [tilespmem:v59+s21+$0x0], $0xffff  }
0x3ba: {  	v8 =	vmul.f32 v18, v8;
	v17 =	vadd.f32 v52, v36;
	v16 =	vmul.f32 v16, v23;
	v23 =	vld [tilespmem:$0x1F710]  }
0x3bb: {  	v2 =	vadd.f32 v15, v2;
	v3 =	vadd.f32 v13, v3;
	v13 =	vld [tilespmem:$0x1F980];
	v15 =	vmul.f32 v25, v61  }
0x3bc: {  	v4 =	vadd.f32 v8, v4;
	v8 =	vadd.f32 v24, v20;
	v59 =	vld.idx.msk [tilespmem:v51+s21+$0x0], $0xffff  }
0x3bd: {  	v28 =	vadd.f32 v56, v45;
	v6 =	vadd.f32 v15, v6;
	v15 =	vld [tilespmem:$0x1F810]  }
0x3be: {  	v26 =	vld [tilespmem:$0x1F7A0];
	v0 =	vadd.f32 v14, v0;
	v7 =	vmul.f32 v7, v8;
	v16 =	vadd.f32 v16, v49  }
0x3bf: {  	v19 =	vmul.f32 v54, v55;
	v29 =	vadd.f32 v57, v46;
	v5 =	vadd.f32 v23, v5;
	v23 =	vld [tilespmem:$0x1F770]  }
0x3c0: {  	v21 =	vld [tilespmem:$0x1F6D0];
	v22 =	vmul.f32 v22, v58;
	v7 =	vadd.f32 v7, v13;
	v0 =	vmul.f32 v0, v16  }
0x3c1: {  	v27 =	vadd.f32 v27, v48;
	v20 =	vld [tilespmem:$0x1F6A0];
	v10 =	vadd.f32 v19, v10;
	v12 =	vmul.f32 v12, v61  }
0x3c2: {  	v14 =	vld.idx.msk [tilespmem:v32+s21+$0x0], $0xffff;
	v11 =	vadd.f32 v22, v11;
	v0 =	vadd.f32 v0, v7;
	v7 =	vmul.f32 v59, v15  }
0x3c3: {  	v24 =	vld [tilespmem:$0x1F730];
	v26 =	vadd.f32 v26, v43;
	v1 =	vadd.f32 v12, v1  }
0x3c4: {  	v10 =	vmul.f32 v10, v8;
	v4 =	vadd.f32 v7, v4;
	v23 =	vadd.f32 v23, v31  }
0x3c5: {  	v21 =	vadd.f32 v21, v40;
	v11 =	vmul.f32 v11, v8;
	v1 =	vmul.f32 v1, v8  }
0x3c6: {  	v20 =	vadd.f32 v20, v38;
	v4 =	vmul.f32 v4, v8;
	v8 =	vld [tilespmem:$0x1F990];
	v13 =	vmul.f32 v26, v23  }
0x3c7: {  	v60 =	vld [tilespmem:$0x1F820];
	v6 =	vmul.f32 v6, v16;
	v14 =	vmul.f32 v14, v15;
	v1 =	vadd.f32 v1, v42  }
0x3c8: {  	v24 =	vadd.f32 v24, v44;
	v7 =	vmul.f32 v53, v17;
	v0 =	vadd.f32 v13, v0  }
0x3c9: {  	v2 =	vmul.f32 v2, v16;
	v9 =	vadd.f32 v14, v9;
	v1 =	vadd.f32 v6, v1  }
0x3ca: {  	v3 =	vmul.f32 v3, v16;
	v0 =	vadd.f32 v7, v0;
	v7 =	vadd.f32 v10, v35  }
0x3cb: {  	v9 =	vmul.f32 v9, v16;
	v4 =	vadd.f32 v4, v34;
	v8 =	vadd.f32 v11, v8  }
0x3cc: {  	v31 =	vadd.f32 v60, v50;
	v6 =	vmul.f32 v27, v23;
	v2 =	vadd.f32 v2, v7  }
0x3cd: {  	v4 =	vadd.f32 v9, v4;
	v3 =	vadd.f32 v3, v8;
	v7 =	vmul.f32 v28, v23  }
0x3ce: {  	v9 =	vmul.f32 v31, v23;
	v8 =	vmul.f32 v29, v23;
	v2 =	vadd.f32 v6, v2  }
0x3cf: {  	v6 =	vmul.f32 v20, v17;
	v3 =	vadd.f32 v7, v3;
	v7 =	vmul.f32 v21, v17  }
0x3d0: {  	v5 =	vmul.f32 v5, v17;
	v4 =	vadd.f32 v9, v4;
	v1 =	vadd.f32 v8, v1  }
0x3d1: {  	v2 =	vadd.f32 v6, v2;
	v6 =	vmul.f32 v24, v17;
	v3 =	vadd.f32 v7, v3;
	v7 =	vld [tilespmem:$0x1FED0]  }
0x3d2: {  	v62 =	vadd.f32 v5, v1;
	v5 =	vld [tilespmem:$0x1FEE0]  }
0x3d3: {  	v63 =	vadd.f32 v6, v4;
	v6 =	vld [tilespmem:$0x1FEF0]  }
0x3d4: {  	v8 =	vld [tilespmem:$0x1FF00]  }
0x3d5: {  	v9 =	vld [tilespmem:$0x1FF10];
	_ =	sdelay $0x3  }
0x3d6: {  	[tilespmem:v7+s18+$0x0] =	vst.idx.msk $0xffff, v0  }
0x3d7: {  	[tilespmem:v5+s18+$0x0] =	vst.idx.msk $0xffff, v2  }
0x3d8: {  	[tilespmem:v6+s18+$0x0] =	vst.idx.msk $0xffff, v3  }
0x3d9: {  	[tilespmem:v8+s18+$0x0] =	vst.idx.msk $0xffff, v62  }
0x3da: {  	s20 =	sadd.s32 s7, s20;
	s22 =	simm.s32 $0x0;
	[tilespmem:v9+s18+$0x0] =	vst.idx.msk $0xffff, v63  }
0x3db: {  	[hbm4b:s20+s22] =	stream.linear.scatter [tilespmem:s18], [sflag:$0x2], $0xA0, $0x38;
	[tilespmem:$0x19080] =	vst v63  }
0x3dc: {  	_ =	swait.ge [sflag:s10], $0xA0  }
0x3dd: {  	v59 =	vld [tilespmem:$0x1FEC0]  }
0x3de: {  	v11 =	vld [tilespmem:$0x1FF20]  }
0x3df: {  	v13 =	vld [tilespmem:$0x1FF30]  }
0x3e0: {  	v26 =	vld [tilespmem:$0x1FF40]  }
0x3e1: {  	v32 =	vld [tilespmem:$0x1FF50]  }
0x3e2: {  	v14 =	vld [tilespmem:$0x1FF60]  }
0x3e3: {  	v22 =	vld [tilespmem:$0x1FF70]  }
0x3e4: {  	v52 =	vld [tilespmem:$0x1FF80]  }
0x3e5: {  	s19 =	sadd.s32 $0x1, s19;
	v10 =	vld [tilespmem:$0x1FF90]  }
0x3e6: {  	p0 =	sne.s32 s19, $0x10;
	v51 =	vld [tilespmem:$0x1FFA0]  }
.Ltmp2:
0x3e7: {  	v50 =	vld [tilespmem:$0x1FFB0];
	(pc) =	sbr.rel @p0 .LBB2_2-.Ltmp2, $4  }
0x3e8: {  	v12 =	vld [tilespmem:$0x1FFC0]  }
0x3e9: {  	v35 =	vld [tilespmem:$0x1FFD0]  }
0x3ea: {  	[sflag:s10] =	ssyncset.done $0x0;
	v25 =	vld [tilespmem:$0x1FFE0]  }
0x3eb: {  	v21 =	vld [tilespmem:$0x1FFF0];
	[sflag:s10] =	ssyncadd.s32 $0xFFFFFF60  }
0x3ec: {  	s20 =	rddreg [dreg:$0x5]  }
0x3ed: {  	s19 =	rddreg [dreg:$0x4];
	s20 =	sadd.s32 $0x1, s20  }
0x3ee: {  	p0 =	sne.s32 s20, s19  }
.Ltmp3:
0x3ef: {  	_ = 	snop;
	(pc) =	sbr.rel @p0 .LBB2_1-.Ltmp3, $1  }
0x3f0: {  	_ =	sdelay $0x3  }
0x3f1: {  	_ =	sfence.sel $0x180000  }
0x3f2: {  	[bflag:$0x0] =	sbarrier.arrive $0xFFFF  }
0x3f3: {  	_ =	strace $0x90000047  }
0x3f4: {  	s0 =	stileid.u32;
	[bflag:$0x2] =	sbarrier.arrive $0xFFFF  }
0x3f5: {  	p0 =	sne.s32 s0, $0x0;
	s0 =	rddreg [dreg:$0x3]  }
0x3f6: {  	s0 =	sadd.s32 @!p0 $0x100000, s0  }
0x3f7: {  	[sflag:s0] =	ssyncadd.tile.s32 @!p0 $0x1;
	_ =	shalt  }
.Lfunc_end2:
_tile_overlayer_lowered:
.L_overlay_start_2:
0x3f8: {  	(tag) =	ssettag $0x2  }
0x3f9: {  	s0 =	rddreg [dreg:$0x0];
	s2 =	stileid.u32  }
0x3fa: {  	s1 =	rddreg [dreg:$0x1];
	p0 =	sne.s32 s2, $0x0  }
0x3fb: {  	s3 =	rddreg [dreg:$0x2];
	[bflag:$0x3] =	sbarrier.arrive $0xFFFF;
	s2 =	simm.s32 @!p0 $0x1C02  }
0x3fc: {  	[timem:s3], [sflag:s2] =	dma.local @!p0 [hbm:s0], s1  }
0x3fd: {  	s0 =	simm.s32 @!p0 $0x2  }
0x3fe: {  	_ =	swait.ge @!p0 [sflag:s0], s1  }
0x3ff: {  	s1 =	ssub.s32 @!p0 $0x0, s1;
	[sflag:s0] =	ssyncset.done @!p0 $0x0  }
0x400: {  	[sflag:s0] =	ssyncadd.s32 @!p0 s1  }
0x401: {  	[bflag:$0x3] =	sbarrier.arrive $0xFFFF  }
0x402: {  	_ =	shalt  }

</sc_bundles>
